<compile_context>
chip_gen: v7x
topology: tpu7x:2x2x1
jax: 0.10.2.dev20260603
libtpu: 0.0.44.dev20260713+nightly
codegen_flags: <defaults>
</compile_context>

<pallas_src>
import functools
import jax
import jax.numpy as jnp
from jax import lax
from jax.experimental import pallas as pl
from jax.experimental.pallas import tpu as pltpu
from jax.experimental.pallas import tpu_sc as plsc

N = 10000
NPAD = 10240
F_IN = 128
HID = 64
W128 = 128
POOL = 8
OUT = 10
E = 320000
NTILES = 32
NS = 16
CHUNK = 128
NCHUNK = 80
EPT = CHUNK * NCHUNK
EPAD = EPT * NTILES
TRASH = 10200
ROWS_PT = NPAD // NS

_SC_MESH = plsc.VectorSubcoreMesh(core_axis_name="c", subcore_axis_name="s",
                                  num_cores=2, num_subcores=NS)



def _pre_body(x_ref, w_ref, dega_ref, degb_ref, u0_ref, dinv_ref):
    xb = x_ref[...]
    ss = jnp.sum(xb * xb, axis=1, keepdims=True)
    nrm = jnp.sqrt(ss)
    y = xb / jnp.maximum(nrm, 1e-12)
    z = lax.dot_general(y, w_ref[...], (((1,), (1,)), ((), ())),
                        preferred_element_type=jnp.float32)
    deg = dega_ref[...] + degb_ref[...] + 1.0
    dinv = jnp.where(deg > 0, lax.rsqrt(jnp.maximum(deg, 1e-12)), 0.0)
    u0_ref[...] = jnp.concatenate([z * dinv, jnp.zeros_like(z)], axis=1)
    dinv_ref[...] = dinv


def _mid_body(pa_ref, pb_ref, u0_ref, dinv_ref, out_ref):
    dinv = dinv_ref[...]
    u1 = pa_ref[...] + pb_ref[...] - u0_ref[...]
    out_ref[...] = u1 * (dinv * dinv)


def _post_body(qa_ref, qb_ref, u1_ref, dinv_ref, g_ref, linb_ref, gam_ref,
               beta_ref, fcb_ref, out_ref):
    i = pl.program_id(0)
    u2 = qa_ref[...] + qb_ref[...] - u1_ref[...]
    h = u2[:, :HID] * dinv_ref[...] + linb_ref[...]
    e = jnp.where(h > 0, h, jnp.exp(jnp.minimum(h, 0.0)) - 1.0)
    s = gam_ref[0, 0] * lax.rsqrt(jnp.asarray(1.0 + 1e-5, jnp.float32))
    e2 = e * s + beta_ref[0, 0]
    part = jnp.sum(g_ref[...] * e2[None, :, :], axis=(1, 2))

    @pl.when(i == 0)
    def _():
        out_ref[...] = fcb_ref[...]

    out_ref[...] += part[None, :]


def _tc_pre(xp, lin_w, dega, degb):
    blk = 1024
    grid = NPAD // blk
    return pl.pallas_call(
        _pre_body,
        grid=(grid,),
        in_specs=[
            pl.BlockSpec((blk, F_IN), lambda i: (i, 0)),
            pl.BlockSpec((HID, F_IN), lambda i: (0, 0)),
            pl.BlockSpec((blk, 1), lambda i: (i, 0)),
            pl.BlockSpec((blk, 1), lambda i: (i, 0)),
        ],
        out_specs=[
            pl.BlockSpec((blk, W128), lambda i: (i, 0)),
            pl.BlockSpec((blk, 1), lambda i: (i, 0)),
        ],
        out_shape=[
            jax.ShapeDtypeStruct((NPAD, W128), jnp.float32),
            jax.ShapeDtypeStruct((NPAD, 1), jnp.float32),
        ],
    )(xp, lin_w, dega, degb)


def _tc_mid(pa, pb, u0, dinv):
    blk = 1024
    grid = NPAD // blk
    return pl.pallas_call(
        _mid_body,
        grid=(grid,),
        in_specs=[pl.BlockSpec((blk, W128), lambda i: (i, 0))] * 3
        + [pl.BlockSpec((blk, 1), lambda i: (i, 0))],
        out_specs=pl.BlockSpec((blk, W128), lambda i: (i, 0)),
        out_shape=jax.ShapeDtypeStruct((NPAD, W128), jnp.float32),
    )(pa, pb, u0, dinv)


def _tc_post(qa, qb, u1, dinv, g, lin_b, gam, beta, fcb):
    blk = 1000
    grid = N // blk
    return pl.pallas_call(
        _post_body,
        grid=(grid,),
        in_specs=[pl.BlockSpec((blk, W128), lambda i: (i, 0))] * 3
        + [
            pl.BlockSpec((blk, 1), lambda i: (i, 0)),
            pl.BlockSpec((OUT, blk, HID), lambda i: (0, i, 0)),
            pl.BlockSpec((1, HID), lambda i: (0, 0)),
            pl.BlockSpec((1, 1), lambda i: (0, 0)),
            pl.BlockSpec((1, 1), lambda i: (0, 0)),
            pl.BlockSpec((1, OUT), lambda i: (0, 0)),
        ],
        out_specs=pl.BlockSpec((1, OUT), lambda i: (0, 0)),
        out_shape=jax.ShapeDtypeStruct((1, OUT), jnp.float32),
    )(qa, qb, u1, dinv, g, lin_b, gam, beta, fcb)



@functools.partial(
    pl.kernel,
    out_type=jax.ShapeDtypeStruct((2, NPAD), jnp.float32),
    mesh=_SC_MESH,
    scratch_types=[
        pltpu.VMEM_SHARED((NPAD,), jnp.float32),
        pltpu.VMEM((NCHUNK, CHUNK), jnp.int32),
        pltpu.VMEM((NCHUNK, CHUNK), jnp.float32),
        pltpu.VMEM((ROWS_PT,), jnp.float32),
        pltpu.SemaphoreType.DMA,
    ],
)
def _sc_deg(dst_hbm, w_hbm, out_hbm, acc, dvm, wvm, zbuf, sem):
    cid = lax.axis_index("c")
    sid = lax.axis_index("s")
    wid = cid * NS + sid
    rb = sid * ROWS_PT

    def zf(i, _):
        zbuf[pl.ds(i * 16, 16)] = jnp.zeros((16,), jnp.float32)
        return 0

    lax.fori_loop(0, ROWS_PT // 16, zf, 0)
    pltpu.sync_copy(dst_hbm.at[wid], dvm)
    pltpu.sync_copy(w_hbm.at[wid], wvm)
    pltpu.sync_copy(zbuf, acc.at[pl.ds(rb, ROWS_PT)])
    plsc.subcore_barrier()

    def body(c, _):
        pltpu.sync_copy(wvm.at[c], acc.at[dvm.at[c]], add=True)
        return 0

    lax.fori_loop(0, NCHUNK, body, 0)
    plsc.subcore_barrier()
    pltpu.sync_copy(acc.at[pl.ds(rb, ROWS_PT)],
                    out_hbm.at[cid, pl.ds(rb, ROWS_PT)])


@functools.partial(
    pl.kernel,
    out_type=jax.ShapeDtypeStruct((2, NPAD, W128), jnp.float32),
    mesh=_SC_MESH,
    scratch_types=[
        pltpu.VMEM_SHARED((NPAD, W128), jnp.float32),
        pltpu.VMEM((CHUNK,), jnp.int32),
        pltpu.VMEM((CHUNK,), jnp.int32),
        pltpu.VMEM((CHUNK,), jnp.float32),
        pltpu.VMEM((CHUNK, W128), jnp.float32),
        pltpu.SemaphoreType.DMA,
    ],
)
def _sc_prop(u_hbm, src_hbm, dst_hbm, w_hbm, out_hbm,
             acc, sbuf, dbuf, wbuf, rbuf, sem):
    cid = lax.axis_index("c")
    sid = lax.axis_index("s")
    wid = cid * NS + sid
    rb = sid * ROWS_PT
    pltpu.sync_copy(u_hbm.at[pl.ds(rb, ROWS_PT)], acc.at[pl.ds(rb, ROWS_PT)])
    plsc.subcore_barrier()

    dnums = lax.GatherDimensionNumbers(
        offset_dims=(), collapsed_slice_dims=(0,), start_index_map=(0,))

    def body(c, _):
        pltpu.sync_copy(src_hbm.at[wid, c], sbuf)
        pltpu.sync_copy(dst_hbm.at[wid, c], dbuf)
        pltpu.sync_copy(w_hbm.at[wid, c], wbuf)
        pltpu.async_copy(u_hbm.at[sbuf], rbuf, sem).wait()

        def gbody(g, _):
            wv = wbuf[pl.ds(g * 16, 16)]
            for k in range(16):
                ws = lax.gather(wv, jnp.full((16, 1), k, jnp.int32), dnums,
                                (1,),
                                mode=lax.GatherScatterMode.PROMISE_IN_BOUNDS)
                e = g * 16 + k
                for j in range(HID // 16):
                    rbuf[e, pl.ds(16 * j, 16)] = rbuf[e, pl.ds(16 * j, 16)] * ws
            return 0

        lax.fori_loop(0, CHUNK // 16, gbody, 0)
        pltpu.sync_copy(rbuf, acc.at[dbuf], add=True)
        return 0

    lax.fori_loop(0, NCHUNK, body, 0)
    plsc.subcore_barrier()
    pltpu.sync_copy(acc.at[pl.ds(rb, ROWS_PT)],
                    out_hbm.at[cid, pl.ds(rb, ROWS_PT)])



def kernel(x, edge_index, edge_weights, lin_w, lin_b, bn_gamma, bn_beta,
           fc_w, fc_b):
    xp = jnp.pad(x[0], ((0, NPAD - N), (0, 0)))
    npad_e = EPAD - E
    src = jnp.pad(edge_index[0], (0, npad_e), constant_values=TRASH)
    dst = jnp.pad(edge_index[1], (0, npad_e), constant_values=TRASH)
    w = jnp.pad(edge_weights, (0, npad_e))

    src_pk = src.reshape(NTILES, NCHUNK, CHUNK)
    dst_pk = dst.reshape(NTILES, NCHUNK, CHUNK)
    w_pk = w.reshape(NTILES, NCHUNK, CHUNK)
    g = jnp.repeat((fc_w * (1.0 / POOL)).reshape(OUT, N, POOL), POOL, axis=2)

    degp = _sc_deg(dst_pk, w_pk)
    u0, dinv = _tc_pre(xp, lin_w, degp[0][:, None], degp[1][:, None])
    p = _sc_prop(u0, src_pk, dst_pk, w_pk)
    u1 = _tc_mid(p[0], p[1], u0, dinv)
    q = _sc_prop(u1, src_pk, dst_pk, w_pk)
    return _tc_post(q[0], q[1], u1, dinv, g, lin_b[None, :], bn_gamma[None, :],
                    bn_beta[None, :], fc_b[None, :])

# --- scband reference (transcript-rebuilt; emitter-appended) ---
"""Pipeline reference for scband-fractal-sgcnnet-70824010711180 (READ-ONLY COPY).

The authoritative reference and input builder live on the scoring server;
editing this copy changes nothing except your own understanding.
"""

import jax, jax.numpy as jnp
import numpy as np

B = 1
N = 10000
E = 320000
F_IN = 128
HID = 64
POOL = 8
K = 2
OUT = 10


def setup_inputs(seed: int = 0):
    key = jax.random.key(seed)
    k = jax.random.split(key, 8)
    x = jax.random.normal(k[0], (B, N, F_IN), dtype=jnp.float32)
    edge_index = jax.random.randint(k[1], (2, E), 0, N, dtype=jnp.int32)
    edge_weights = jax.random.uniform(k[2], (E,), dtype=jnp.float32)
    lin_w = jax.random.normal(k[3], (HID, F_IN), dtype=jnp.float32) / np.sqrt(F_IN)
    lin_b = jnp.zeros((HID,), dtype=jnp.float32)
    bn_gamma = jnp.ones((1,), dtype=jnp.float32)
    bn_beta = jnp.zeros((1,), dtype=jnp.float32)
    flat = N * (HID // POOL)
    fc_w = jax.random.normal(k[4], (OUT, flat), dtype=jnp.float32) / np.sqrt(flat)
    fc_b = jnp.zeros((OUT,), dtype=jnp.float32)
    return {"x": x, "edge_index": edge_index, "edge_weights": edge_weights,
            "lin_w": lin_w, "lin_b": lin_b, "bn_gamma": bn_gamma,
            "bn_beta": bn_beta, "fc_w": fc_w, "fc_b": fc_b}


def _forward(x, edge_weights, lin_w, lin_b, bn_gamma, bn_beta, fc_w, fc_b, edge_index):
    src = edge_index[0]
    dst = edge_index[1]
    # F.normalize(x, p=2, dim=-1)
    nrm = jnp.sqrt(jnp.sum(x * x, axis=-1, keepdims=True))
    x = x / jnp.maximum(nrm, 1e-12)
    # gcn_norm with add_self_loops=True and learned edge weights
    loop = jnp.arange(N, dtype=src.dtype)
    src_f = jnp.concatenate([src, loop])
    dst_f = jnp.concatenate([dst, loop])
    w_f = jnp.concatenate([edge_weights, jnp.ones((N,), dtype=edge_weights.dtype)])
    deg = jnp.zeros((N,), dtype=w_f.dtype).at[dst_f].add(w_f)
    dinv = jnp.where(deg > 0, jax.lax.rsqrt(jnp.maximum(deg, 1e-12)), 0.0)
    norm = dinv[src_f] * w_f * dinv[dst_f]
    # SGConv: K propagation steps then linear
    h = x
    for _ in range(K):
        msgs = h[:, src_f, :] * norm[None, :, None]
        h = jnp.zeros_like(h).at[:, dst_f, :].add(msgs)
    h = h @ lin_w.T + lin_b
    h = jax.nn.elu(h)
    h = h[:, None, :, :]  # unsqueeze(1)
    # BatchNorm2d(1) in eval mode: running_mean=0, running_var=1, eps=1e-5
    h = (h - 0.0) * jax.lax.rsqrt(jnp.asarray(1.0 + 1e-5, h.dtype)) * bn_gamma[None, :, None, None] + bn_beta[None, :, None, None]
    # AvgPool2d((1, POOL))
    h = h.reshape(B, 1, N, HID // POOL, POOL).mean(axis=-1)
    h = h.reshape(B, -1)
    # dropout is identity in eval mode
    return h @ fc_w.T + fc_b


def reference(x, edge_index, edge_weights, lin_w, lin_b, bn_gamma, bn_beta, fc_w, fc_b):
    return _forward(x, edge_weights, lin_w, lin_b, bn_gamma, bn_beta, fc_w, fc_b, edge_index)

if __name__ == "__main__":
    import jax
    _d = setup_inputs()
    print(jax.jit(kernel)(*tuple(_d.values())))

</pallas_src>

<mosaic_0001>
#map = affine_map<(d0, d1) -> (0, 0)>
#map1 = affine_map<(d0, d1) -> (0, 0, 0)>
module attributes {stable_mosaic.version = 14 : i64} {
  func.func @_sc_prop(%arg0: i32, %arg1: i32, %arg2: memref<10240x128xf32, #tpu.memory_space<hbm>>, %arg3: memref<32x80x128xi32, #tpu.memory_space<hbm>>, %arg4: memref<32x80x128xi32, #tpu.memory_space<hbm>>, %arg5: memref<32x80x128xf32, #tpu.memory_space<hbm>>, %arg6: memref<2x10240x128xf32, #tpu.memory_space<hbm>>, %arg7: memref<10240x128xf32, #tpu.memory_space<vmem_shared>>, %arg8: memref<128xi32, #tpu.memory_space<vmem>>, %arg9: memref<128xi32, #tpu.memory_space<vmem>>, %arg10: memref<128xf32, #tpu.memory_space<vmem>>, %arg11: memref<128x128xf32, #tpu.memory_space<vmem>>, %arg12: memref<!tpu.dma_semaphore, #tpu.memory_space<semaphore_mem>>) attributes {dimension_semantics = [#tpu.dimension_semantics<core_parallel>, #tpu.dimension_semantics<subcore_parallel>], iteration_bounds = array<i64: 2, 16>, scalar_prefetch = 0 : i64, scratch_operands = 6 : i64, tpu.core_type = #tpu.core_type<sc_vector_subcore>, window_params = [{transform_indices = #map}, {transform_indices = #map1}, {transform_indices = #map1}, {transform_indices = #map1}, {transform_indices = #map1}]} {
    %mul3A = arith.constant 16 : i32
    %mul3A_0 = arith.muli %arg0, %mul3A : i32
    %add3A = arith.addi %mul3A_0, %arg1 : i32
    %mul3A_1 = arith.constant 640 : i32
    %mul3A_2 = arith.muli %arg1, %mul3A_1 : i32
    "tpu.region"() ({
      %run_scoped3A = tpu.sem_alloc : memref<!tpu.dma_semaphore, #tpu.memory_space<semaphore_mem>>
      %dma_start3A = arith.constant 0 : i32
      %dma_start3A_10 = tpu.memref_slice %arg7[%mul3A_2, %dma_start3A] : memref<10240x128xf32, #tpu.memory_space<vmem_shared>> -> memref<640x128xf32, #tpu.memory_space<vmem_shared>>
      %dma_start3A_11 = arith.constant 0 : i32
      %dma_start3A_12 = tpu.memref_slice %arg2[%mul3A_2, %dma_start3A_11] : memref<10240x128xf32, #tpu.memory_space<hbm>> -> memref<640x128xf32, #tpu.memory_space<hbm>>
      tpu.enqueue_dma source(%dma_start3A_12 : memref<640x128xf32, #tpu.memory_space<hbm>>) target(%dma_start3A_10 : memref<640x128xf32, #tpu.memory_space<vmem_shared>>) target_semaphore(%run_scoped3A : memref<!tpu.dma_semaphore, #tpu.memory_space<semaphore_mem>>)
      %dma_wait3A = arith.constant 0 : i32
      %dma_wait3A_13 = tpu.memref_slice %arg7[%mul3A_2, %dma_wait3A] : memref<10240x128xf32, #tpu.memory_space<vmem_shared>> -> memref<640x128xf32, #tpu.memory_space<vmem_shared>>
      %dma_wait3A_14 = arith.constant 0 : i32
      %dma_wait3A_15 = tpu.memref_slice %arg2[%mul3A_2, %dma_wait3A_14] : memref<10240x128xf32, #tpu.memory_space<hbm>> -> memref<640x128xf32, #tpu.memory_space<hbm>>
      tpu.wait_dma2 semaphore(%run_scoped3A : memref<!tpu.dma_semaphore, #tpu.memory_space<semaphore_mem>>) src(%dma_wait3A_15 : memref<640x128xf32, #tpu.memory_space<hbm>>) dst(%dma_wait3A_13 : memref<640x128xf32, #tpu.memory_space<vmem_shared>>)
      tpu.yield
    }) : () -> ()
    %barrier3A = arith.constant 0 : index
    tpu.barrier barrier_id(%barrier3A)
    %scan3A = arith.constant 0 : i32
    %scan3A_3 = arith.constant 0 : i32
    %scan3A_4 = arith.constant 80 : i32
    %scan3A_5 = arith.addi %scan3A_3, %scan3A_4 : i32
    %scan3A_6 = arith.constant 1 : i32
    %scan3A_7 = scf.for %scan3A_10 = %scan3A_3 to %scan3A_5 step %scan3A_6 iter_args(%scan3A_11 = %scan3A) -> (i32)  : i32 {
      "tpu.region"() ({
        %run_scoped3A = tpu.sem_alloc : memref<!tpu.dma_semaphore, #tpu.memory_space<semaphore_mem>>
        %dma_start3A_24 = arith.constant 0 : i32
        %dma_start3A_25 = tpu.memref_slice %arg3[%add3A, %scan3A_10, %dma_start3A_24] : memref<32x80x128xi32, #tpu.memory_space<hbm>> -> memref<1x1x128xi32, #tpu.memory_space<hbm>>
        %dma_start3A_26 = tpu.memref_squeeze %dma_start3A_25 : memref<1x1x128xi32, #tpu.memory_space<hbm>> -> memref<128xi32, #tpu.memory_space<hbm>>
        %dma_start3A_27 = arith.constant 0 : i32
        %dma_start3A_28 = tpu.memref_slice %arg3[%add3A, %scan3A_10, %dma_start3A_27] : memref<32x80x128xi32, #tpu.memory_space<hbm>> -> memref<1x1x128xi32, #tpu.memory_space<hbm>>
        %dma_start3A_29 = tpu.memref_squeeze %dma_start3A_28 : memref<1x1x128xi32, #tpu.memory_space<hbm>> -> memref<128xi32, #tpu.memory_space<hbm>>
        tpu.enqueue_dma source(%dma_start3A_29 : memref<128xi32, #tpu.memory_space<hbm>>) target(%arg8 : memref<128xi32, #tpu.memory_space<vmem>>) target_semaphore(%run_scoped3A : memref<!tpu.dma_semaphore, #tpu.memory_space<semaphore_mem>>)
        %dma_wait3A_30 = arith.constant 0 : i32
        %dma_wait3A_31 = tpu.memref_slice %arg3[%add3A, %scan3A_10, %dma_wait3A_30] : memref<32x80x128xi32, #tpu.memory_space<hbm>> -> memref<1x1x128xi32, #tpu.memory_space<hbm>>
        %dma_wait3A_32 = tpu.memref_squeeze %dma_wait3A_31 : memref<1x1x128xi32, #tpu.memory_space<hbm>> -> memref<128xi32, #tpu.memory_space<hbm>>
        %dma_wait3A_33 = arith.constant 0 : i32
        %dma_wait3A_34 = tpu.memref_slice %arg3[%add3A, %scan3A_10, %dma_wait3A_33] : memref<32x80x128xi32, #tpu.memory_space<hbm>> -> memref<1x1x128xi32, #tpu.memory_space<hbm>>
        %dma_wait3A_35 = tpu.memref_squeeze %dma_wait3A_34 : memref<1x1x128xi32, #tpu.memory_space<hbm>> -> memref<128xi32, #tpu.memory_space<hbm>>
        tpu.wait_dma2 semaphore(%run_scoped3A : memref<!tpu.dma_semaphore, #tpu.memory_space<semaphore_mem>>) src(%dma_wait3A_35 : memref<128xi32, #tpu.memory_space<hbm>>) dst(%arg8 : memref<128xi32, #tpu.memory_space<vmem>>)
        tpu.yield
      }) : () -> ()
      "tpu.region"() ({
        %run_scoped3A = tpu.sem_alloc : memref<!tpu.dma_semaphore, #tpu.memory_space<semaphore_mem>>
        %dma_start3A_24 = arith.constant 0 : i32
        %dma_start3A_25 = tpu.memref_slice %arg4[%add3A, %scan3A_10, %dma_start3A_24] : memref<32x80x128xi32, #tpu.memory_space<hbm>> -> memref<1x1x128xi32, #tpu.memory_space<hbm>>
        %dma_start3A_26 = tpu.memref_squeeze %dma_start3A_25 : memref<1x1x128xi32, #tpu.memory_space<hbm>> -> memref<128xi32, #tpu.memory_space<hbm>>
        %dma_start3A_27 = arith.constant 0 : i32
        %dma_start3A_28 = tpu.memref_slice %arg4[%add3A, %scan3A_10, %dma_start3A_27] : memref<32x80x128xi32, #tpu.memory_space<hbm>> -> memref<1x1x128xi32, #tpu.memory_space<hbm>>
        %dma_start3A_29 = tpu.memref_squeeze %dma_start3A_28 : memref<1x1x128xi32, #tpu.memory_space<hbm>> -> memref<128xi32, #tpu.memory_space<hbm>>
        tpu.enqueue_dma source(%dma_start3A_29 : memref<128xi32, #tpu.memory_space<hbm>>) target(%arg9 : memref<128xi32, #tpu.memory_space<vmem>>) target_semaphore(%run_scoped3A : memref<!tpu.dma_semaphore, #tpu.memory_space<semaphore_mem>>)
        %dma_wait3A_30 = arith.constant 0 : i32
        %dma_wait3A_31 = tpu.memref_slice %arg4[%add3A, %scan3A_10, %dma_wait3A_30] : memref<32x80x128xi32, #tpu.memory_space<hbm>> -> memref<1x1x128xi32, #tpu.memory_space<hbm>>
        %dma_wait3A_32 = tpu.memref_squeeze %dma_wait3A_31 : memref<1x1x128xi32, #tpu.memory_space<hbm>> -> memref<128xi32, #tpu.memory_space<hbm>>
        %dma_wait3A_33 = arith.constant 0 : i32
        %dma_wait3A_34 = tpu.memref_slice %arg4[%add3A, %scan3A_10, %dma_wait3A_33] : memref<32x80x128xi32, #tpu.memory_space<hbm>> -> memref<1x1x128xi32, #tpu.memory_space<hbm>>
        %dma_wait3A_35 = tpu.memref_squeeze %dma_wait3A_34 : memref<1x1x128xi32, #tpu.memory_space<hbm>> -> memref<128xi32, #tpu.memory_space<hbm>>
        tpu.wait_dma2 semaphore(%run_scoped3A : memref<!tpu.dma_semaphore, #tpu.memory_space<semaphore_mem>>) src(%dma_wait3A_35 : memref<128xi32, #tpu.memory_space<hbm>>) dst(%arg9 : memref<128xi32, #tpu.memory_space<vmem>>)
        tpu.yield
      }) : () -> ()
      "tpu.region"() ({
        %run_scoped3A = tpu.sem_alloc : memref<!tpu.dma_semaphore, #tpu.memory_space<semaphore_mem>>
        %dma_start3A_24 = arith.constant 0 : i32
        %dma_start3A_25 = tpu.memref_slice %arg5[%add3A, %scan3A_10, %dma_start3A_24] : memref<32x80x128xf32, #tpu.memory_space<hbm>> -> memref<1x1x128xf32, #tpu.memory_space<hbm>>
        %dma_start3A_26 = tpu.memref_squeeze %dma_start3A_25 : memref<1x1x128xf32, #tpu.memory_space<hbm>> -> memref<128xf32, #tpu.memory_space<hbm>>
        %dma_start3A_27 = arith.constant 0 : i32
        %dma_start3A_28 = tpu.memref_slice %arg5[%add3A, %scan3A_10, %dma_start3A_27] : memref<32x80x128xf32, #tpu.memory_space<hbm>> -> memref<1x1x128xf32, #tpu.memory_space<hbm>>
        %dma_start3A_29 = tpu.memref_squeeze %dma_start3A_28 : memref<1x1x128xf32, #tpu.memory_space<hbm>> -> memref<128xf32, #tpu.memory_space<hbm>>
        tpu.enqueue_dma source(%dma_start3A_29 : memref<128xf32, #tpu.memory_space<hbm>>) target(%arg10 : memref<128xf32, #tpu.memory_space<vmem>>) target_semaphore(%run_scoped3A : memref<!tpu.dma_semaphore, #tpu.memory_space<semaphore_mem>>)
        %dma_wait3A_30 = arith.constant 0 : i32
        %dma_wait3A_31 = tpu.memref_slice %arg5[%add3A, %scan3A_10, %dma_wait3A_30] : memref<32x80x128xf32, #tpu.memory_space<hbm>> -> memref<1x1x128xf32, #tpu.memory_space<hbm>>
        %dma_wait3A_32 = tpu.memref_squeeze %dma_wait3A_31 : memref<1x1x128xf32, #tpu.memory_space<hbm>> -> memref<128xf32, #tpu.memory_space<hbm>>
        %dma_wait3A_33 = arith.constant 0 : i32
        %dma_wait3A_34 = tpu.memref_slice %arg5[%add3A, %scan3A_10, %dma_wait3A_33] : memref<32x80x128xf32, #tpu.memory_space<hbm>> -> memref<1x1x128xf32, #tpu.memory_space<hbm>>
        %dma_wait3A_35 = tpu.memref_squeeze %dma_wait3A_34 : memref<1x1x128xf32, #tpu.memory_space<hbm>> -> memref<128xf32, #tpu.memory_space<hbm>>
        tpu.wait_dma2 semaphore(%run_scoped3A : memref<!tpu.dma_semaphore, #tpu.memory_space<semaphore_mem>>) src(%dma_wait3A_35 : memref<128xf32, #tpu.memory_space<hbm>>) dst(%arg10 : memref<128xf32, #tpu.memory_space<vmem>>)
        tpu.yield
      }) : () -> ()
      %dma_start3A = arith.constant 0 : i32
      %dma_start3A_12 = arith.constant 0 : i32
      %dma_start3A_13 = tpu.memref_slice %arg2[%dma_start3A, %dma_start3A_12] : memref<10240x128xf32, #tpu.memory_space<hbm>> -> memref<10240x128xf32, #tpu.memory_space<hbm>>
      tpu.enqueue_indirect_dma source(%dma_start3A_13 : memref<10240x128xf32, #tpu.memory_space<hbm>>) target(%arg11 : memref<128x128xf32, #tpu.memory_space<vmem>>) offsets(%arg8 : memref<128xi32, #tpu.memory_space<vmem>>) semaphore(%arg12 : memref<!tpu.dma_semaphore, #tpu.memory_space<semaphore_mem>>)
      %dma_wait3A = arith.constant 0 : i32
      %dma_wait3A_14 = arith.constant 0 : i32
      %dma_wait3A_15 = tpu.memref_slice %arg2[%dma_wait3A, %dma_wait3A_14] : memref<10240x128xf32, #tpu.memory_space<hbm>> -> memref<10240x128xf32, #tpu.memory_space<hbm>>
      tpu.wait_indirect_dma semaphore(%arg12 : memref<!tpu.dma_semaphore, #tpu.memory_space<semaphore_mem>>) src(%dma_wait3A_15 : memref<10240x128xf32, #tpu.memory_space<hbm>>) dst(%arg11 : memref<128x128xf32, #tpu.memory_space<vmem>>)
      %scan3A_16 = arith.constant 0 : i32
      %scan3A_17 = arith.constant 0 : i32
      %scan3A_18 = arith.constant 8 : i32
      %scan3A_19 = arith.addi %scan3A_17, %scan3A_18 : i32
      %scan3A_20 = arith.constant 1 : i32
      %scan3A_21 = scf.for %scan3A_24 = %scan3A_17 to %scan3A_19 step %scan3A_20 iter_args(%scan3A_25 = %scan3A_16) -> (i32)  : i32 {
        %mul3A_26 = arith.constant 16 : i32
        %mul3A_27 = arith.muli %scan3A_24, %mul3A_26 : i32
        %get3A = arith.index_cast %mul3A_27 : i32 to index
        %get3A_28 = tpu.vector_load %arg10[%get3A] {strides = array<i32>} : memref<128xf32, #tpu.memory_space<vmem>>, vector<16xf32>,
        %get3A_29 = vector.shape_cast %get3A_28 : vector<16xf32> to vector<16xf32>
        %broadcast_in_dim3A = arith.constant 0 : i32
        %broadcast_in_dim3A_30 = vector.broadcast %broadcast_in_dim3A : i32 to vector<16x1xi32>
        %gather3A = vector.shape_cast %broadcast_in_dim3A_30 : vector<16x1xi32> to vector<16xi32>
        %gather3A_31 = tpu.dynamic_gather %get3A_29[%gather3A] in [0] : vector<16xf32>, vector<16xi32> -> vector<16xf32>
        %mul3A_32 = arith.constant 16 : i32
        %mul3A_33 = arith.muli %scan3A_24, %mul3A_32 : i32
        %add3A_34 = arith.constant 0 : i32
        %add3A_35 = arith.addi %mul3A_33, %add3A_34 : i32
        %get3A_36 = arith.index_cast %add3A_35 : i32 to index
        %get3A_37 = arith.constant 0 : index
        %get3A_38 = tpu.vector_load %arg11[%get3A_36, %get3A_37] {strides = array<i32>} : memref<128x128xf32, #tpu.memory_space<vmem>>, vector<1x16xf32>,
        %get3A_39 = vector.shape_cast %get3A_38 : vector<1x16xf32> to vector<16xf32>
        %mul3A_40 = arith.mulf %get3A_39, %gather3A_31 : vector<16xf32>
        %swap3A = arith.index_cast %add3A_35 : i32 to index
        %swap3A_41 = arith.constant 0 : index
        %swap3A_42 = tpu.vector_load %arg11[%swap3A, %swap3A_41] {strides = array<i32>} : memref<128x128xf32, #tpu.memory_space<vmem>>, vector<1x16xf32>,
        %swap3A_43 = vector.shape_cast %swap3A_42 : vector<1x16xf32> to vector<16xf32>
        %swap3A_44 = vector.shape_cast %mul3A_40 : vector<16xf32> to vector<1x16xf32>
        tpu.vector_store %arg11[%swap3A, %swap3A_41], %swap3A_44 {strides = array<i32>} : memref<128x128xf32, #tpu.memory_space<vmem>>, vector<1x16xf32>,
        %get3A_45 = arith.index_cast %add3A_35 : i32 to index
        %get3A_46 = arith.constant 16 : index
        %get3A_47 = tpu.vector_load %arg11[%get3A_45, %get3A_46] {strides = array<i32>} : memref<128x128xf32, #tpu.memory_space<vmem>>, vector<1x16xf32>,
        %get3A_48 = vector.shape_cast %get3A_47 : vector<1x16xf32> to vector<16xf32>
        %mul3A_49 = arith.mulf %get3A_48, %gather3A_31 : vector<16xf32>
        %swap3A_50 = arith.index_cast %add3A_35 : i32 to index
        %swap3A_51 = arith.constant 16 : index
        %swap3A_52 = tpu.vector_load %arg11[%swap3A_50, %swap3A_51] {strides = array<i32>} : memref<128x128xf32, #tpu.memory_space<vmem>>, vector<1x16xf32>,
        %swap3A_53 = vector.shape_cast %swap3A_52 : vector<1x16xf32> to vector<16xf32>
        %swap3A_54 = vector.shape_cast %mul3A_49 : vector<16xf32> to vector<1x16xf32>
        tpu.vector_store %arg11[%swap3A_50, %swap3A_51], %swap3A_54 {strides = array<i32>} : memref<128x128xf32, #tpu.memory_space<vmem>>, vector<1x16xf32>,
        %get3A_55 = arith.index_cast %add3A_35 : i32 to index
        %get3A_56 = arith.constant 32 : index
        %get3A_57 = tpu.vector_load %arg11[%get3A_55, %get3A_56] {strides = array<i32>} : memref<128x128xf32, #tpu.memory_space<vmem>>, vector<1x16xf32>,
        %get3A_58 = vector.shape_cast %get3A_57 : vector<1x16xf32> to vector<16xf32>
        %mul3A_59 = arith.mulf %get3A_58, %gather3A_31 : vector<16xf32>
        %swap3A_60 = arith.index_cast %add3A_35 : i32 to index
        %swap3A_61 = arith.constant 32 : index
        %swap3A_62 = tpu.vector_load %arg11[%swap3A_60, %swap3A_61] {strides = array<i32>} : memref<128x128xf32, #tpu.memory_space<vmem>>, vector<1x16xf32>,
        %swap3A_63 = vector.shape_cast %swap3A_62 : vector<1x16xf32> to vector<16xf32>
        %swap3A_64 = vector.shape_cast %mul3A_59 : vector<16xf32> to vector<1x16xf32>
        tpu.vector_store %arg11[%swap3A_60, %swap3A_61], %swap3A_64 {strides = array<i32>} : memref<128x128xf32, #tpu.memory_space<vmem>>, vector<1x16xf32>,
        %get3A_65 = arith.index_cast %add3A_35 : i32 to index
        %get3A_66 = arith.constant 48 : index
        %get3A_67 = tpu.vector_load %arg11[%get3A_65, %get3A_66] {strides = array<i32>} : memref<128x128xf32, #tpu.memory_space<vmem>>, vector<1x16xf32>,
        %get3A_68 = vector.shape_cast %get3A_67 : vector<1x16xf32> to vector<16xf32>
        %mul3A_69 = arith.mulf %get3A_68, %gather3A_31 : vector<16xf32>
        %swap3A_70 = arith.index_cast %add3A_35 : i32 to index
        %swap3A_71 = arith.constant 48 : index
        %swap3A_72 = tpu.vector_load %arg11[%swap3A_70, %swap3A_71] {strides = array<i32>} : memref<128x128xf32, #tpu.memory_space<vmem>>, vector<1x16xf32>,
        %swap3A_73 = vector.shape_cast %swap3A_72 : vector<1x16xf32> to vector<16xf32>
        %swap3A_74 = vector.shape_cast %mul3A_69 : vector<16xf32> to vector<1x16xf32>
        tpu.vector_store %arg11[%swap3A_70, %swap3A_71], %swap3A_74 {strides = array<i32>} : memref<128x128xf32, #tpu.memory_space<vmem>>, vector<1x16xf32>,
        %broadcast_in_dim3A_75 = arith.constant 1 : i32
        %broadcast_in_dim3A_76 = vector.broadcast %broadcast_in_dim3A_75 : i32 to vector<16x1xi32>
        %gather3A_77 = vector.shape_cast %broadcast_in_dim3A_76 : vector<16x1xi32> to vector<16xi32>
        %gather3A_78 = tpu.dynamic_gather %get3A_29[%gather3A_77] in [0] : vector<16xf32>, vector<16xi32> -> vector<16xf32>
        %mul3A_79 = arith.constant 16 : i32
        %mul3A_80 = arith.muli %scan3A_24, %mul3A_79 : i32
        %add3A_81 = arith.constant 1 : i32
        %add3A_82 = arith.addi %mul3A_80, %add3A_81 : i32
        %get3A_83 = arith.index_cast %add3A_82 : i32 to index
        %get3A_84 = arith.constant 0 : index
        %get3A_85 = tpu.vector_load %arg11[%get3A_83, %get3A_84] {strides = array<i32>} : memref<128x128xf32, #tpu.memory_space<vmem>>, vector<1x16xf32>,
        %get3A_86 = vector.shape_cast %get3A_85 : vector<1x16xf32> to vector<16xf32>
        %mul3A_87 = arith.mulf %get3A_86, %gather3A_78 : vector<16xf32>
        %swap3A_88 = arith.index_cast %add3A_82 : i32 to index
        %swap3A_89 = arith.constant 0 : index
        %swap3A_90 = tpu.vector_load %arg11[%swap3A_88, %swap3A_89] {strides = array<i32>} : memref<128x128xf32, #tpu.memory_space<vmem>>, vector<1x16xf32>,
        %swap3A_91 = vector.shape_cast %swap3A_90 : vector<1x16xf32> to vector<16xf32>
        %swap3A_92 = vector.shape_cast %mul3A_87 : vector<16xf32> to vector<1x16xf32>
        tpu.vector_store %arg11[%swap3A_88, %swap3A_89], %swap3A_92 {strides = array<i32>} : memref<128x128xf32, #tpu.memory_space<vmem>>, vector<1x16xf32>,
        %get3A_93 = arith.index_cast %add3A_82 : i32 to index
        %get3A_94 = arith.constant 16 : index
        %get3A_95 = tpu.vector_load %arg11[%get3A_93, %get3A_94] {strides = array<i32>} : memref<128x128xf32, #tpu.memory_space<vmem>>, vector<1x16xf32>,
        %get3A_96 = vector.shape_cast %get3A_95 : vector<1x16xf32> to vector<16xf32>
        %mul3A_97 = arith.mulf %get3A_96, %gather3A_78 : vector<16xf32>
        %swap3A_98 = arith.index_cast %add3A_82 : i32 to index
        %swap3A_99 = arith.constant 16 : index
        %swap3A_100 = tpu.vector_load %arg11[%swap3A_98, %swap3A_99] {strides = array<i32>} : memref<128x128xf32, #tpu.memory_space<vmem>>, vector<1x16xf32>,
        %swap3A_101 = vector.shape_cast %swap3A_100 : vector<1x16xf32> to vector<16xf32>
        %swap3A_102 = vector.shape_cast %mul3A_97 : vector<16xf32> to vector<1x16xf32>
        tpu.vector_store %arg11[%swap3A_98, %swap3A_99], %swap3A_102 {strides = array<i32>} : memref<128x128xf32, #tpu.memory_space<vmem>>, vector<1x16xf32>,
        %get3A_103 = arith.index_cast %add3A_82 : i32 to index
        %get3A_104 = arith.constant 32 : index
        %get3A_105 = tpu.vector_load %arg11[%get3A_103, %get3A_104] {strides = array<i32>} : memref<128x128xf32, #tpu.memory_space<vmem>>, vector<1x16xf32>,
        %get3A_106 = vector.shape_cast %get3A_105 : vector<1x16xf32> to vector<16xf32>
        %mul3A_107 = arith.mulf %get3A_106, %gather3A_78 : vector<16xf32>
        %swap3A_108 = arith.index_cast %add3A_82 : i32 to index
        %swap3A_109 = arith.constant 32 : index
        %swap3A_110 = tpu.vector_load %arg11[%swap3A_108, %swap3A_109] {strides = array<i32>} : memref<128x128xf32, #tpu.memory_space<vmem>>, vector<1x16xf32>,
        %swap3A_111 = vector.shape_cast %swap3A_110 : vector<1x16xf32> to vector<16xf32>
        %swap3A_112 = vector.shape_cast %mul3A_107 : vector<16xf32> to vector<1x16xf32>
        tpu.vector_store %arg11[%swap3A_108, %swap3A_109], %swap3A_112 {strides = array<i32>} : memref<128x128xf32, #tpu.memory_space<vmem>>, vector<1x16xf32>,
        %get3A_113 = arith.index_cast %add3A_82 : i32 to index
        %get3A_114 = arith.constant 48 : index
        %get3A_115 = tpu.vector_load %arg11[%get3A_113, %get3A_114] {strides = array<i32>} : memref<128x128xf32, #tpu.memory_space<vmem>>, vector<1x16xf32>,
        %get3A_116 = vector.shape_cast %get3A_115 : vector<1x16xf32> to vector<16xf32>
        %mul3A_117 = arith.mulf %get3A_116, %gather3A_78 : vector<16xf32>
        %swap3A_118 = arith.index_cast %add3A_82 : i32 to index
        %swap3A_119 = arith.constant 48 : index
        %swap3A_120 = tpu.vector_load %arg11[%swap3A_118, %swap3A_119] {strides = array<i32>} : memref<128x128xf32, #tpu.memory_space<vmem>>, vector<1x16xf32>,
        %swap3A_121 = vector.shape_cast %swap3A_120 : vector<1x16xf32> to vector<16xf32>
        %swap3A_122 = vector.shape_cast %mul3A_117 : vector<16xf32> to vector<1x16xf32>
        tpu.vector_store %arg11[%swap3A_118, %swap3A_119], %swap3A_122 {strides = array<i32>} : memref<128x128xf32, #tpu.memory_space<vmem>>, vector<1x16xf32>,
        %broadcast_in_dim3A_123 = arith.constant 2 : i32
        %broadcast_in_dim3A_124 = vector.broadcast %broadcast_in_dim3A_123 : i32 to vector<16x1xi32>
        %gather3A_125 = vector.shape_cast %broadcast_in_dim3A_124 : vector<16x1xi32> to vector<16xi32>
        %gather3A_126 = tpu.dynamic_gather %get3A_29[%gather3A_125] in [0] : vector<16xf32>, vector<16xi32> -> vector<16xf32>
        %mul3A_127 = arith.constant 16 : i32
        %mul3A_128 = arith.muli %scan3A_24, %mul3A_127 : i32
        %add3A_129 = arith.constant 2 : i32
        %add3A_130 = arith.addi %mul3A_128, %add3A_129 : i32
        %get3A_131 = arith.index_cast %add3A_130 : i32 to index
        %get3A_132 = arith.constant 0 : index
        %get3A_133 = tpu.vector_load %arg11[%get3A_131, %get3A_132] {strides = array<i32>} : memref<128x128xf32, #tpu.memory_space<vmem>>, vector<1x16xf32>,
        %get3A_134 = vector.shape_cast %get3A_133 : vector<1x16xf32> to vector<16xf32>
        %mul3A_135 = arith.mulf %get3A_134, %gather3A_126 : vector<16xf32>
        %swap3A_136 = arith.index_cast %add3A_130 : i32 to index
        %swap3A_137 = arith.constant 0 : index
        %swap3A_138 = tpu.vector_load %arg11[%swap3A_136, %swap3A_137] {strides = array<i32>} : memref<128x128xf32, #tpu.memory_space<vmem>>, vector<1x16xf32>,
        %swap3A_139 = vector.shape_cast %swap3A_138 : vector<1x16xf32> to vector<16xf32>
        %swap3A_140 = vector.shape_cast %mul3A_135 : vector<16xf32> to vector<1x16xf32>
        tpu.vector_store %arg11[%swap3A_136, %swap3A_137], %swap3A_140 {strides = array<i32>} : memref<128x128xf32, #tpu.memory_space<vmem>>, vector<1x16xf32>,
        %get3A_141 = arith.index_cast %add3A_130 : i32 to index
        %get3A_142 = arith.constant 16 : index
        %get3A_143 = tpu.vector_load %arg11[%get3A_141, %get3A_142] {strides = array<i32>} : memref<128x128xf32, #tpu.memory_space<vmem>>, vector<1x16xf32>,
        %get3A_144 = vector.shape_cast %get3A_143 : vector<1x16xf32> to vector<16xf32>
        %mul3A_145 = arith.mulf %get3A_144, %gather3A_126 : vector<16xf32>
        %swap3A_146 = arith.index_cast %add3A_130 : i32 to index
        %swap3A_147 = arith.constant 16 : index
        %swap3A_148 = tpu.vector_load %arg11[%swap3A_146, %swap3A_147] {strides = array<i32>} : memref<128x128xf32, #tpu.memory_space<vmem>>, vector<1x16xf32>,
        %swap3A_149 = vector.shape_cast %swap3A_148 : vector<1x16xf32> to vector<16xf32>
        %swap3A_150 = vector.shape_cast %mul3A_145 : vector<16xf32> to vector<1x16xf32>
        tpu.vector_store %arg11[%swap3A_146, %swap3A_147], %swap3A_150 {strides = array<i32>} : memref<128x128xf32, #tpu.memory_space<vmem>>, vector<1x16xf32>,
        %get3A_151 = arith.index_cast %add3A_130 : i32 to index
        %get3A_152 = arith.constant 32 : index
        %get3A_153 = tpu.vector_load %arg11[%get3A_151, %get3A_152] {strides = array<i32>} : memref<128x128xf32, #tpu.memory_space<vmem>>, vector<1x16xf32>,
        %get3A_154 = vector.shape_cast %get3A_153 : vector<1x16xf32> to vector<16xf32>
        %mul3A_155 = arith.mulf %get3A_154, %gather3A_126 : vector<16xf32>
        %swap3A_156 = arith.index_cast %add3A_130 : i32 to index
        %swap3A_157 = arith.constant 32 : index
        %swap3A_158 = tpu.vector_load %arg11[%swap3A_156, %swap3A_157] {strides = array<i32>} : memref<128x128xf32, #tpu.memory_space<vmem>>, vector<1x16xf32>,
        %swap3A_159 = vector.shape_cast %swap3A_158 : vector<1x16xf32> to vector<16xf32>
        %swap3A_160 = vector.shape_cast %mul3A_155 : vector<16xf32> to vector<1x16xf32>
        tpu.vector_store %arg11[%swap3A_156, %swap3A_157], %swap3A_160 {strides = array<i32>} : memref<128x128xf32, #tpu.memory_space<vmem>>, vector<1x16xf32>,
        %get3A_161 = arith.index_cast %add3A_130 : i32 to index
        %get3A_162 = arith.constant 48 : index
        %get3A_163 = tpu.vector_load %arg11[%get3A_161, %get3A_162] {strides = array<i32>} : memref<128x128xf32, #tpu.memory_space<vmem>>, vector<1x16xf32>,
        %get3A_164 = vector.shape_cast %get3A_163 : vector<1x16xf32> to vector<16xf32>
        %mul3A_165 = arith.mulf %get3A_164, %gather3A_126 : vector<16xf32>
        %swap3A_166 = arith.index_cast %add3A_130 : i32 to index
        %swap3A_167 = arith.constant 48 : index
        %swap3A_168 = tpu.vector_load %arg11[%swap3A_166, %swap3A_167] {strides = array<i32>} : memref<128x128xf32, #tpu.memory_space<vmem>>, vector<1x16xf32>,
        %swap3A_169 = vector.shape_cast %swap3A_168 : vector<1x16xf32> to vector<16xf32>
        %swap3A_170 = vector.shape_cast %mul3A_165 : vector<16xf32> to vector<1x16xf32>
        tpu.vector_store %arg11[%swap3A_166, %swap3A_167], %swap3A_170 {strides = array<i32>} : memref<128x128xf32, #tpu.memory_space<vmem>>, vector<1x16xf32>,
        %broadcast_in_dim3A_171 = arith.constant 3 : i32
        %broadcast_in_dim3A_172 = vector.broadcast %broadcast_in_dim3A_171 : i32 to vector<16x1xi32>
        %gather3A_173 = vector.shape_cast %broadcast_in_dim3A_172 : vector<16x1xi32> to vector<16xi32>
        %gather3A_174 = tpu.dynamic_gather %get3A_29[%gather3A_173] in [0] : vector<16xf32>, vector<16xi32> -> vector<16xf32>
        %mul3A_175 = arith.constant 16 : i32
        %mul3A_176 = arith.muli %scan3A_24, %mul3A_175 : i32
        %add3A_177 = arith.constant 3 : i32
        %add3A_178 = arith.addi %mul3A_176, %add3A_177 : i32
        %get3A_179 = arith.index_cast %add3A_178 : i32 to index
        %get3A_180 = arith.constant 0 : index
        %get3A_181 = tpu.vector_load %arg11[%get3A_179, %get3A_180] {strides = array<i32>} : memref<128x128xf32, #tpu.memory_space<vmem>>, vector<1x16xf32>,
        %get3A_182 = vector.shape_cast %get3A_181 : vector<1x16xf32> to vector<16xf32>
        %mul3A_183 = arith.mulf %get3A_182, %gather3A_174 : vector<16xf32>
        %swap3A_184 = arith.index_cast %add3A_178 : i32 to index
        %swap3A_185 = arith.constant 0 : index
        %swap3A_186 = tpu.vector_load %arg11[%swap3A_184, %swap3A_185] {strides = array<i32>} : memref<128x128xf32, #tpu.memory_space<vmem>>, vector<1x16xf32>,
        %swap3A_187 = vector.shape_cast %swap3A_186 : vector<1x16xf32> to vector<16xf32>
        %swap3A_188 = vector.shape_cast %mul3A_183 : vector<16xf32> to vector<1x16xf32>
        tpu.vector_store %arg11[%swap3A_184, %swap3A_185], %swap3A_188 {strides = array<i32>} : memref<128x128xf32, #tpu.memory_space<vmem>>, vector<1x16xf32>,
        %get3A_189 = arith.index_cast %add3A_178 : i32 to index
        %get3A_190 = arith.constant 16 : index
        %get3A_191 = tpu.vector_load %arg11[%get3A_189, %get3A_190] {strides = array<i32>} : memref<128x128xf32, #tpu.memory_space<vmem>>, vector<1x16xf32>,
        %get3A_192 = vector.shape_cast %get3A_191 : vector<1x16xf32> to vector<16xf32>
        %mul3A_193 = arith.mulf %get3A_192, %gather3A_174 : vector<16xf32>
        %swap3A_194 = arith.index_cast %add3A_178 : i32 to index
        %swap3A_195 = arith.constant 16 : index
        %swap3A_196 = tpu.vector_load %arg11[%swap3A_194, %swap3A_195] {strides = array<i32>} : memref<128x128xf32, #tpu.memory_space<vmem>>, vector<1x16xf32>,
        %swap3A_197 = vector.shape_cast %swap3A_196 : vector<1x16xf32> to vector<16xf32>
        %swap3A_198 = vector.shape_cast %mul3A_193 : vector<16xf32> to vector<1x16xf32>
        tpu.vector_store %arg11[%swap3A_194, %swap3A_195], %swap3A_198 {strides = array<i32>} : memref<128x128xf32, #tpu.memory_space<vmem>>, vector<1x16xf32>,
        %get3A_199 = arith.index_cast %add3A_178 : i32 to index
        %get3A_200 = arith.constant 32 : index
        %get3A_201 = tpu.vector_load %arg11[%get3A_199, %get3A_200] {strides = array<i32>} : memref<128x128xf32, #tpu.memory_space<vmem>>, vector<1x16xf32>,
        %get3A_202 = vector.shape_cast %get3A_201 : vector<1x16xf32> to vector<16xf32>
        %mul3A_203 = arith.mulf %get3A_202, %gather3A_174 : vector<16xf32>
        %swap3A_204 = arith.index_cast %add3A_178 : i32 to index
        %swap3A_205 = arith.constant 32 : index
        %swap3A_206 = tpu.vector_load %arg11[%swap3A_204, %swap3A_205] {strides = array<i32>} : memref<128x128xf32, #tpu.memory_space<vmem>>, vector<1x16xf32>,
        %swap3A_207 = vector.shape_cast %swap3A_206 : vector<1x16xf32> to vector<16xf32>
        %swap3A_208 = vector.shape_cast %mul3A_203 : vector<16xf32> to vector<1x16xf32>
        tpu.vector_store %arg11[%swap3A_204, %swap3A_205], %swap3A_208 {strides = array<i32>} : memref<128x128xf32, #tpu.memory_space<vmem>>, vector<1x16xf32>,
        %get3A_209 = arith.index_cast %add3A_178 : i32 to index
        %get3A_210 = arith.constant 48 : index
        %get3A_211 = tpu.vector_load %arg11[%get3A_209, %get3A_210] {strides = array<i32>} : memref<128x128xf32, #tpu.memory_space<vmem>>, vector<1x16xf32>,
        %get3A_212 = vector.shape_cast %get3A_211 : vector<1x16xf32> to vector<16xf32>
        %mul3A_213 = arith.mulf %get3A_212, %gather3A_174 : vector<16xf32>
        %swap3A_214 = arith.index_cast %add3A_178 : i32 to index
        %swap3A_215 = arith.constant 48 : index
        %swap3A_216 = tpu.vector_load %arg11[%swap3A_214, %swap3A_215] {strides = array<i32>} : memref<128x128xf32, #tpu.memory_space<vmem>>, vector<1x16xf32>,
        %swap3A_217 = vector.shape_cast %swap3A_216 : vector<1x16xf32> to vector<16xf32>
        %swap3A_218 = vector.shape_cast %mul3A_213 : vector<16xf32> to vector<1x16xf32>
        tpu.vector_store %arg11[%swap3A_214, %swap3A_215], %swap3A_218 {strides = array<i32>} : memref<128x128xf32, #tpu.memory_space<vmem>>, vector<1x16xf32>,
        %broadcast_in_dim3A_219 = arith.constant 4 : i32
        %broadcast_in_dim3A_220 = vector.broadcast %broadcast_in_dim3A_219 : i32 to vector<16x1xi32>
        %gather3A_221 = vector.shape_cast %broadcast_in_dim3A_220 : vector<16x1xi32> to vector<16xi32>
        %gather3A_222 = tpu.dynamic_gather %get3A_29[%gather3A_221] in [0] : vector<16xf32>, vector<16xi32> -> vector<16xf32>
        %mul3A_223 = arith.constant 16 : i32
        %mul3A_224 = arith.muli %scan3A_24, %mul3A_223 : i32
        %add3A_225 = arith.constant 4 : i32
        %add3A_226 = arith.addi %mul3A_224, %add3A_225 : i32
        %get3A_227 = arith.index_cast %add3A_226 : i32 to index
        %get3A_228 = arith.constant 0 : index
        %get3A_229 = tpu.vector_load %arg11[%get3A_227, %get3A_228] {strides = array<i32>} : memref<128x128xf32, #tpu.memory_space<vmem>>, vector<1x16xf32>,
        %get3A_230 = vector.shape_cast %get3A_229 : vector<1x16xf32> to vector<16xf32>
        %mul3A_231 = arith.mulf %get3A_230, %gather3A_222 : vector<16xf32>
        %swap3A_232 = arith.index_cast %add3A_226 : i32 to index
        %swap3A_233 = arith.constant 0 : index
        %swap3A_234 = tpu.vector_load %arg11[%swap3A_232, %swap3A_233] {strides = array<i32>} : memref<128x128xf32, #tpu.memory_space<vmem>>, vector<1x16xf32>,
        %swap3A_235 = vector.shape_cast %swap3A_234 : vector<1x16xf32> to vector<16xf32>
        %swap3A_236 = vector.shape_cast %mul3A_231 : vector<16xf32> to vector<1x16xf32>
        tpu.vector_store %arg11[%swap3A_232, %swap3A_233], %swap3A_236 {strides = array<i32>} : memref<128x128xf32, #tpu.memory_space<vmem>>, vector<1x16xf32>,
        %get3A_237 = arith.index_cast %add3A_226 : i32 to index
        %get3A_238 = arith.constant 16 : index
        %get3A_239 = tpu.vector_load %arg11[%get3A_237, %get3A_238] {strides = array<i32>} : memref<128x128xf32, #tpu.memory_space<vmem>>, vector<1x16xf32>,
        %get3A_240 = vector.shape_cast %get3A_239 : vector<1x16xf32> to vector<16xf32>
        %mul3A_241 = arith.mulf %get3A_240, %gather3A_222 : vector<16xf32>
        %swap3A_242 = arith.index_cast %add3A_226 : i32 to index
        %swap3A_243 = arith.constant 16 : index
        %swap3A_244 = tpu.vector_load %arg11[%swap3A_242, %swap3A_243] {strides = array<i32>} : memref<128x128xf32, #tpu.memory_space<vmem>>, vector<1x16xf32>,
        %swap3A_245 = vector.shape_cast %swap3A_244 : vector<1x16xf32> to vector<16xf32>
        %swap3A_246 = vector.shape_cast %mul3A_241 : vector<16xf32> to vector<1x16xf32>
        tpu.vector_store %arg11[%swap3A_242, %swap3A_243], %swap3A_246 {strides = array<i32>} : memref<128x128xf32, #tpu.memory_space<vmem>>, vector<1x16xf32>,
        %get3A_247 = arith.index_cast %add3A_226 : i32 to index
        %get3A_248 = arith.constant 32 : index
        %get3A_249 = tpu.vector_load %arg11[%get3A_247, %get3A_248] {strides = array<i32>} : memref<128x128xf32, #tpu.memory_space<vmem>>, vector<1x16xf32>,
        %get3A_250 = vector.shape_cast %get3A_249 : vector<1x16xf32> to vector<16xf32>
        %mul3A_251 = arith.mulf %get3A_250, %gather3A_222 : vector<16xf32>
        %swap3A_252 = arith.index_cast %add3A_226 : i32 to index
        %swap3A_253 = arith.constant 32 : index
        %swap3A_254 = tpu.vector_load %arg11[%swap3A_252, %swap3A_253] {strides = array<i32>} : memref<128x128xf32, #tpu.memory_space<vmem>>, vector<1x16xf32>,
        %swap3A_255 = vector.shape_cast %swap3A_254 : vector<1x16xf32> to vector<16xf32>
        %swap3A_256 = vector.shape_cast %mul3A_251 : vector<16xf32> to vector<1x16xf32>
        tpu.vector_store %arg11[%swap3A_252, %swap3A_253], %swap3A_256 {strides = array<i32>} : memref<128x128xf32, #tpu.memory_space<vmem>>, vector<1x16xf32>,
        %get3A_257 = arith.index_cast %add3A_226 : i32 to index
        %get3A_258 = arith.constant 48 : index
        %get3A_259 = tpu.vector_load %arg11[%get3A_257, %get3A_258] {strides = array<i32>} : memref<128x128xf32, #tpu.memory_space<vmem>>, vector<1x16xf32>,
        %get3A_260 = vector.shape_cast %get3A_259 : vector<1x16xf32> to vector<16xf32>
        %mul3A_261 = arith.mulf %get3A_260, %gather3A_222 : vector<16xf32>
        %swap3A_262 = arith.index_cast %add3A_226 : i32 to index
        %swap3A_263 = arith.constant 48 : index
        %swap3A_264 = tpu.vector_load %arg11[%swap3A_262, %swap3A_263] {strides = array<i32>} : memref<128x128xf32, #tpu.memory_space<vmem>>, vector<1x16xf32>,
        %swap3A_265 = vector.shape_cast %swap3A_264 : vector<1x16xf32> to vector<16xf32>
        %swap3A_266 = vector.shape_cast %mul3A_261 : vector<16xf32> to vector<1x16xf32>
        tpu.vector_store %arg11[%swap3A_262, %swap3A_263], %swap3A_266 {strides = array<i32>} : memref<128x128xf32, #tpu.memory_space<vmem>>, vector<1x16xf32>,
        %broadcast_in_dim3A_267 = arith.constant 5 : i32
        %broadcast_in_dim3A_268 = vector.broadcast %broadcast_in_dim3A_267 : i32 to vector<16x1xi32>
        %gather3A_269 = vector.shape_cast %broadcast_in_dim3A_268 : vector<16x1xi32> to vector<16xi32>
        %gather3A_270 = tpu.dynamic_gather %get3A_29[%gather3A_269] in [0] : vector<16xf32>, vector<16xi32> -> vector<16xf32>
        %mul3A_271 = arith.constant 16 : i32
        %mul3A_272 = arith.muli %scan3A_24, %mul3A_271 : i32
        %add3A_273 = arith.constant 5 : i32
        %add3A_274 = arith.addi %mul3A_272, %add3A_273 : i32
        %get3A_275 = arith.index_cast %add3A_274 : i32 to index
        %get3A_276 = arith.constant 0 : index
        %get3A_277 = tpu.vector_load %arg11[%get3A_275, %get3A_276] {strides = array<i32>} : memref<128x128xf32, #tpu.memory_space<vmem>>, vector<1x16xf32>,
        %get3A_278 = vector.shape_cast %get3A_277 : vector<1x16xf32> to vector<16xf32>
        %mul3A_279 = arith.mulf %get3A_278, %gather3A_270 : vector<16xf32>
        %swap3A_280 = arith.index_cast %add3A_274 : i32 to index
        %swap3A_281 = arith.constant 0 : index
        %swap3A_282 = tpu.vector_load %arg11[%swap3A_280, %swap3A_281] {strides = array<i32>} : memref<128x128xf32, #tpu.memory_space<vmem>>, vector<1x16xf32>,
        %swap3A_283 = vector.shape_cast %swap3A_282 : vector<1x16xf32> to vector<16xf32>
        %swap3A_284 = vector.shape_cast %mul3A_279 : vector<16xf32> to vector<1x16xf32>
        tpu.vector_store %arg11[%swap3A_280, %swap3A_281], %swap3A_284 {strides = array<i32>} : memref<128x128xf32, #tpu.memory_space<vmem>>, vector<1x16xf32>,
        %get3A_285 = arith.index_cast %add3A_274 : i32 to index
        %get3A_286 = arith.constant 16 : index
        %get3A_287 = tpu.vector_load %arg11[%get3A_285, %get3A_286] {strides = array<i32>} : memref<128x128xf32, #tpu.memory_space<vmem>>, vector<1x16xf32>,
        %get3A_288 = vector.shape_cast %get3A_287 : vector<1x16xf32> to vector<16xf32>
        %mul3A_289 = arith.mulf %get3A_288, %gather3A_270 : vector<16xf32>
        %swap3A_290 = arith.index_cast %add3A_274 : i32 to index
        %swap3A_291 = arith.constant 16 : index
        %swap3A_292 = tpu.vector_load %arg11[%swap3A_290, %swap3A_291] {strides = array<i32>} : memref<128x128xf32, #tpu.memory_space<vmem>>, vector<1x16xf32>,
        %swap3A_293 = vector.shape_cast %swap3A_292 : vector<1x16xf32> to vector<16xf32>
        %swap3A_294 = vector.shape_cast %mul3A_289 : vector<16xf32> to vector<1x16xf32>
        tpu.vector_store %arg11[%swap3A_290, %swap3A_291], %swap3A_294 {strides = array<i32>} : memref<128x128xf32, #tpu.memory_space<vmem>>, vector<1x16xf32>,
        %get3A_295 = arith.index_cast %add3A_274 : i32 to index
        %get3A_296 = arith.constant 32 : index
        %get3A_297 = tpu.vector_load %arg11[%get3A_295, %get3A_296] {strides = array<i32>} : memref<128x128xf32, #tpu.memory_space<vmem>>, vector<1x16xf32>,
        %get3A_298 = vector.shape_cast %get3A_297 : vector<1x16xf32> to vector<16xf32>
        %mul3A_299 = arith.mulf %get3A_298, %gather3A_270 : vector<16xf32>
        %swap3A_300 = arith.index_cast %add3A_274 : i32 to index
        %swap3A_301 = arith.constant 32 : index
        %swap3A_302 = tpu.vector_load %arg11[%swap3A_300, %swap3A_301] {strides = array<i32>} : memref<128x128xf32, #tpu.memory_space<vmem>>, vector<1x16xf32>,
        %swap3A_303 = vector.shape_cast %swap3A_302 : vector<1x16xf32> to vector<16xf32>
        %swap3A_304 = vector.shape_cast %mul3A_299 : vector<16xf32> to vector<1x16xf32>
        tpu.vector_store %arg11[%swap3A_300, %swap3A_301], %swap3A_304 {strides = array<i32>} : memref<128x128xf32, #tpu.memory_space<vmem>>, vector<1x16xf32>,
        %get3A_305 = arith.index_cast %add3A_274 : i32 to index
        %get3A_306 = arith.constant 48 : index
        %get3A_307 = tpu.vector_load %arg11[%get3A_305, %get3A_306] {strides = array<i32>} : memref<128x128xf32, #tpu.memory_space<vmem>>, vector<1x16xf32>,
        %get3A_308 = vector.shape_cast %get3A_307 : vector<1x16xf32> to vector<16xf32>
        %mul3A_309 = arith.mulf %get3A_308, %gather3A_270 : vector<16xf32>
        %swap3A_310 = arith.index_cast %add3A_274 : i32 to index
        %swap3A_311 = arith.constant 48 : index
        %swap3A_312 = tpu.vector_load %arg11[%swap3A_310, %swap3A_311] {strides = array<i32>} : memref<128x128xf32, #tpu.memory_space<vmem>>, vector<1x16xf32>,
        %swap3A_313 = vector.shape_cast %swap3A_312 : vector<1x16xf32> to vector<16xf32>
        %swap3A_314 = vector.shape_cast %mul3A_309 : vector<16xf32> to vector<1x16xf32>
        tpu.vector_store %arg11[%swap3A_310, %swap3A_311], %swap3A_314 {strides = array<i32>} : memref<128x128xf32, #tpu.memory_space<vmem>>, vector<1x16xf32>,
        %broadcast_in_dim3A_315 = arith.constant 6 : i32
        %broadcast_in_dim3A_316 = vector.broadcast %broadcast_in_dim3A_315 : i32 to vector<16x1xi32>
        %gather3A_317 = vector.shape_cast %broadcast_in_dim3A_316 : vector<16x1xi32> to vector<16xi32>
        %gather3A_318 = tpu.dynamic_gather %get3A_29[%gather3A_317] in [0] : vector<16xf32>, vector<16xi32> -> vector<16xf32>
        %mul3A_319 = arith.constant 16 : i32
        %mul3A_320 = arith.muli %scan3A_24, %mul3A_319 : i32
        %add3A_321 = arith.constant 6 : i32
        %add3A_322 = arith.addi %mul3A_320, %add3A_321 : i32
        %get3A_323 = arith.index_cast %add3A_322 : i32 to index
        %get3A_324 = arith.constant 0 : index
        %get3A_325 = tpu.vector_load %arg11[%get3A_323, %get3A_324] {strides = array<i32>} : memref<128x128xf32, #tpu.memory_space<vmem>>, vector<1x16xf32>,
        %get3A_326 = vector.shape_cast %get3A_325 : vector<1x16xf32> to vector<16xf32>
        %mul3A_327 = arith.mulf %get3A_326, %gather3A_318 : vector<16xf32>
        %swap3A_328 = arith.index_cast %add3A_322 : i32 to index
        %swap3A_329 = arith.constant 0 : index
        %swap3A_330 = tpu.vector_load %arg11[%swap3A_328, %swap3A_329] {strides = array<i32>} : memref<128x128xf32, #tpu.memory_space<vmem>>, vector<1x16xf32>,
        %swap3A_331 = vector.shape_cast %swap3A_330 : vector<1x16xf32> to vector<16xf32>
        %swap3A_332 = vector.shape_cast %mul3A_327 : vector<16xf32> to vector<1x16xf32>
        tpu.vector_store %arg11[%swap3A_328, %swap3A_329], %swap3A_332 {strides = array<i32>} : memref<128x128xf32, #tpu.memory_space<vmem>>, vector<1x16xf32>,
        %get3A_333 = arith.index_cast %add3A_322 : i32 to index
        %get3A_334 = arith.constant 16 : index
        %get3A_335 = tpu.vector_load %arg11[%get3A_333, %get3A_334] {strides = array<i32>} : memref<128x128xf32, #tpu.memory_space<vmem>>, vector<1x16xf32>,
        %get3A_336 = vector.shape_cast %get3A_335 : vector<1x16xf32> to vector<16xf32>
        %mul3A_337 = arith.mulf %get3A_336, %gather3A_318 : vector<16xf32>
        %swap3A_338 = arith.index_cast %add3A_322 : i32 to index
        %swap3A_339 = arith.constant 16 : index
        %swap3A_340 = tpu.vector_load %arg11[%swap3A_338, %swap3A_339] {strides = array<i32>} : memref<128x128xf32, #tpu.memory_space<vmem>>, vector<1x16xf32>,
        %swap3A_341 = vector.shape_cast %swap3A_340 : vector<1x16xf32> to vector<16xf32>
        %swap3A_342 = vector.shape_cast %mul3A_337 : vector<16xf32> to vector<1x16xf32>
        tpu.vector_store %arg11[%swap3A_338, %swap3A_339], %swap3A_342 {strides = array<i32>} : memref<128x128xf32, #tpu.memory_space<vmem>>, vector<1x16xf32>,
        %get3A_343 = arith.index_cast %add3A_322 : i32 to index
        %get3A_344 = arith.constant 32 : index
        %get3A_345 = tpu.vector_load %arg11[%get3A_343, %get3A_344] {strides = array<i32>} : memref<128x128xf32, #tpu.memory_space<vmem>>, vector<1x16xf32>,
        %get3A_346 = vector.shape_cast %get3A_345 : vector<1x16xf32> to vector<16xf32>
        %mul3A_347 = arith.mulf %get3A_346, %gather3A_318 : vector<16xf32>
        %swap3A_348 = arith.index_cast %add3A_322 : i32 to index
        %swap3A_349 = arith.constant 32 : index
        %swap3A_350 = tpu.vector_load %arg11[%swap3A_348, %swap3A_349] {strides = array<i32>} : memref<128x128xf32, #tpu.memory_space<vmem>>, vector<1x16xf32>,
        %swap3A_351 = vector.shape_cast %swap3A_350 : vector<1x16xf32> to vector<16xf32>
        %swap3A_352 = vector.shape_cast %mul3A_347 : vector<16xf32> to vector<1x16xf32>
        tpu.vector_store %arg11[%swap3A_348, %swap3A_349], %swap3A_352 {strides = array<i32>} : memref<128x128xf32, #tpu.memory_space<vmem>>, vector<1x16xf32>,
        %get3A_353 = arith.index_cast %add3A_322 : i32 to index
        %get3A_354 = arith.constant 48 : index
        %get3A_355 = tpu.vector_load %arg11[%get3A_353, %get3A_354] {strides = array<i32>} : memref<128x128xf32, #tpu.memory_space<vmem>>, vector<1x16xf32>,
        %get3A_356 = vector.shape_cast %get3A_355 : vector<1x16xf32> to vector<16xf32>
        %mul3A_357 = arith.mulf %get3A_356, %gather3A_318 : vector<16xf32>
        %swap3A_358 = arith.index_cast %add3A_322 : i32 to index
        %swap3A_359 = arith.constant 48 : index
        %swap3A_360 = tpu.vector_load %arg11[%swap3A_358, %swap3A_359] {strides = array<i32>} : memref<128x128xf32, #tpu.memory_space<vmem>>, vector<1x16xf32>,
        %swap3A_361 = vector.shape_cast %swap3A_360 : vector<1x16xf32> to vector<16xf32>
        %swap3A_362 = vector.shape_cast %mul3A_357 : vector<16xf32> to vector<1x16xf32>
        tpu.vector_store %arg11[%swap3A_358, %swap3A_359], %swap3A_362 {strides = array<i32>} : memref<128x128xf32, #tpu.memory_space<vmem>>, vector<1x16xf32>,
        %broadcast_in_dim3A_363 = arith.constant 7 : i32
        %broadcast_in_dim3A_364 = vector.broadcast %broadcast_in_dim3A_363 : i32 to vector<16x1xi32>
        %gather3A_365 = vector.shape_cast %broadcast_in_dim3A_364 : vector<16x1xi32> to vector<16xi32>
        %gather3A_366 = tpu.dynamic_gather %get3A_29[%gather3A_365] in [0] : vector<16xf32>, vector<16xi32> -> vector<16xf32>
        %mul3A_367 = arith.constant 16 : i32
        %mul3A_368 = arith.muli %scan3A_24, %mul3A_367 : i32
        %add3A_369 = arith.constant 7 : i32
        %add3A_370 = arith.addi %mul3A_368, %add3A_369 : i32
        %get3A_371 = arith.index_cast %add3A_370 : i32 to index
        %get3A_372 = arith.constant 0 : index
        %get3A_373 = tpu.vector_load %arg11[%get3A_371, %get3A_372] {strides = array<i32>} : memref<128x128xf32, #tpu.memory_space<vmem>>, vector<1x16xf32>,
        %get3A_374 = vector.shape_cast %get3A_373 : vector<1x16xf32> to vector<16xf32>
        %mul3A_375 = arith.mulf %get3A_374, %gather3A_366 : vector<16xf32>
        %swap3A_376 = arith.index_cast %add3A_370 : i32 to index
        %swap3A_377 = arith.constant 0 : index
        %swap3A_378 = tpu.vector_load %arg11[%swap3A_376, %swap3A_377] {strides = array<i32>} : memref<128x128xf32, #tpu.memory_space<vmem>>, vector<1x16xf32>,
        %swap3A_379 = vector.shape_cast %swap3A_378 : vector<1x16xf32> to vector<16xf32>
        %swap3A_380 = vector.shape_cast %mul3A_375 : vector<16xf32> to vector<1x16xf32>
        tpu.vector_store %arg11[%swap3A_376, %swap3A_377], %swap3A_380 {strides = array<i32>} : memref<128x128xf32, #tpu.memory_space<vmem>>, vector<1x16xf32>,
        %get3A_381 = arith.index_cast %add3A_370 : i32 to index
        %get3A_382 = arith.constant 16 : index
        %get3A_383 = tpu.vector_load %arg11[%get3A_381, %get3A_382] {strides = array<i32>} : memref<128x128xf32, #tpu.memory_space<vmem>>, vector<1x16xf32>,
        %get3A_384 = vector.shape_cast %get3A_383 : vector<1x16xf32> to vector<16xf32>
        %mul3A_385 = arith.mulf %get3A_384, %gather3A_366 : vector<16xf32>
        %swap3A_386 = arith.index_cast %add3A_370 : i32 to index
        %swap3A_387 = arith.constant 16 : index
        %swap3A_388 = tpu.vector_load %arg11[%swap3A_386, %swap3A_387] {strides = array<i32>} : memref<128x128xf32, #tpu.memory_space<vmem>>, vector<1x16xf32>,
        %swap3A_389 = vector.shape_cast %swap3A_388 : vector<1x16xf32> to vector<16xf32>
        %swap3A_390 = vector.shape_cast %mul3A_385 : vector<16xf32> to vector<1x16xf32>
        tpu.vector_store %arg11[%swap3A_386, %swap3A_387], %swap3A_390 {strides = array<i32>} : memref<128x128xf32, #tpu.memory_space<vmem>>, vector<1x16xf32>,
        %get3A_391 = arith.index_cast %add3A_370 : i32 to index
        %get3A_392 = arith.constant 32 : index
        %get3A_393 = tpu.vector_load %arg11[%get3A_391, %get3A_392] {strides = array<i32>} : memref<128x128xf32, #tpu.memory_space<vmem>>, vector<1x16xf32>,
        %get3A_394 = vector.shape_cast %get3A_393 : vector<1x16xf32> to vector<16xf32>
        %mul3A_395 = arith.mulf %get3A_394, %gather3A_366 : vector<16xf32>
        %swap3A_396 = arith.index_cast %add3A_370 : i32 to index
        %swap3A_397 = arith.constant 32 : index
        %swap3A_398 = tpu.vector_load %arg11[%swap3A_396, %swap3A_397] {strides = array<i32>} : memref<128x128xf32, #tpu.memory_space<vmem>>, vector<1x16xf32>,
        %swap3A_399 = vector.shape_cast %swap3A_398 : vector<1x16xf32> to vector<16xf32>
        %swap3A_400 = vector.shape_cast %mul3A_395 : vector<16xf32> to vector<1x16xf32>
        tpu.vector_store %arg11[%swap3A_396, %swap3A_397], %swap3A_400 {strides = array<i32>} : memref<128x128xf32, #tpu.memory_space<vmem>>, vector<1x16xf32>,
        %get3A_401 = arith.index_cast %add3A_370 : i32 to index
        %get3A_402 = arith.constant 48 : index
        %get3A_403 = tpu.vector_load %arg11[%get3A_401, %get3A_402] {strides = array<i32>} : memref<128x128xf32, #tpu.memory_space<vmem>>, vector<1x16xf32>,
        %get3A_404 = vector.shape_cast %get3A_403 : vector<1x16xf32> to vector<16xf32>
        %mul3A_405 = arith.mulf %get3A_404, %gather3A_366 : vector<16xf32>
        %swap3A_406 = arith.index_cast %add3A_370 : i32 to index
        %swap3A_407 = arith.constant 48 : index
        %swap3A_408 = tpu.vector_load %arg11[%swap3A_406, %swap3A_407] {strides = array<i32>} : memref<128x128xf32, #tpu.memory_space<vmem>>, vector<1x16xf32>,
        %swap3A_409 = vector.shape_cast %swap3A_408 : vector<1x16xf32> to vector<16xf32>
        %swap3A_410 = vector.shape_cast %mul3A_405 : vector<16xf32> to vector<1x16xf32>
        tpu.vector_store %arg11[%swap3A_406, %swap3A_407], %swap3A_410 {strides = array<i32>} : memref<128x128xf32, #tpu.memory_space<vmem>>, vector<1x16xf32>,
        %broadcast_in_dim3A_411 = arith.constant 8 : i32
        %broadcast_in_dim3A_412 = vector.broadcast %broadcast_in_dim3A_411 : i32 to vector<16x1xi32>
        %gather3A_413 = vector.shape_cast %broadcast_in_dim3A_412 : vector<16x1xi32> to vector<16xi32>
        %gather3A_414 = tpu.dynamic_gather %get3A_29[%gather3A_413] in [0] : vector<16xf32>, vector<16xi32> -> vector<16xf32>
        %mul3A_415 = arith.constant 16 : i32
        %mul3A_416 = arith.muli %scan3A_24, %mul3A_415 : i32
        %add3A_417 = arith.constant 8 : i32
        %add3A_418 = arith.addi %mul3A_416, %add3A_417 : i32
        %get3A_419 = arith.index_cast %add3A_418 : i32 to index
        %get3A_420 = arith.constant 0 : index
        %get3A_421 = tpu.vector_load %arg11[%get3A_419, %get3A_420] {strides = array<i32>} : memref<128x128xf32, #tpu.memory_space<vmem>>, vector<1x16xf32>,
        %get3A_422 = vector.shape_cast %get3A_421 : vector<1x16xf32> to vector<16xf32>
        %mul3A_423 = arith.mulf %get3A_422, %gather3A_414 : vector<16xf32>
        %swap3A_424 = arith.index_cast %add3A_418 : i32 to index
        %swap3A_425 = arith.constant 0 : index
        %swap3A_426 = tpu.vector_load %arg11[%swap3A_424, %swap3A_425] {strides = array<i32>} : memref<128x128xf32, #tpu.memory_space<vmem>>, vector<1x16xf32>,
        %swap3A_427 = vector.shape_cast %swap3A_426 : vector<1x16xf32> to vector<16xf32>
        %swap3A_428 = vector.shape_cast %mul3A_423 : vector<16xf32> to vector<1x16xf32>
        tpu.vector_store %arg11[%swap3A_424, %swap3A_425], %swap3A_428 {strides = array<i32>} : memref<128x128xf32, #tpu.memory_space<vmem>>, vector<1x16xf32>,
        %get3A_429 = arith.index_cast %add3A_418 : i32 to index
        %get3A_430 = arith.constant 16 : index
        %get3A_431 = tpu.vector_load %arg11[%get3A_429, %get3A_430] {strides = array<i32>} : memref<128x128xf32, #tpu.memory_space<vmem>>, vector<1x16xf32>,
        %get3A_432 = vector.shape_cast %get3A_431 : vector<1x16xf32> to vector<16xf32>
        %mul3A_433 = arith.mulf %get3A_432, %gather3A_414 : vector<16xf32>
        %swap3A_434 = arith.index_cast %add3A_418 : i32 to index
        %swap3A_435 = arith.constant 16 : index
        %swap3A_436 = tpu.vector_load %arg11[%swap3A_434, %swap3A_435] {strides = array<i32>} : memref<128x128xf32, #tpu.memory_space<vmem>>, vector<1x16xf32>,
        %swap3A_437 = vector.shape_cast %swap3A_436 : vector<1x16xf32> to vector<16xf32>
        %swap3A_438 = vector.shape_cast %mul3A_433 : vector<16xf32> to vector<1x16xf32>
        tpu.vector_store %arg11[%swap3A_434, %swap3A_435], %swap3A_438 {strides = array<i32>} : memref<128x128xf32, #tpu.memory_space<vmem>>, vector<1x16xf32>,
        %get3A_439 = arith.index_cast %add3A_418 : i32 to index
        %get3A_440 = arith.constant 32 : index
        %get3A_441 = tpu.vector_load %arg11[%get3A_439, %get3A_440] {strides = array<i32>} : memref<128x128xf32, #tpu.memory_space<vmem>>, vector<1x16xf32>,
        %get3A_442 = vector.shape_cast %get3A_441 : vector<1x16xf32> to vector<16xf32>
        %mul3A_443 = arith.mulf %get3A_442, %gather3A_414 : vector<16xf32>
        %swap3A_444 = arith.index_cast %add3A_418 : i32 to index
        %swap3A_445 = arith.constant 32 : index
        %swap3A_446 = tpu.vector_load %arg11[%swap3A_444, %swap3A_445] {strides = array<i32>} : memref<128x128xf32, #tpu.memory_space<vmem>>, vector<1x16xf32>,
        %swap3A_447 = vector.shape_cast %swap3A_446 : vector<1x16xf32> to vector<16xf32>
        %swap3A_448 = vector.shape_cast %mul3A_443 : vector<16xf32> to vector<1x16xf32>
        tpu.vector_store %arg11[%swap3A_444, %swap3A_445], %swap3A_448 {strides = array<i32>} : memref<128x128xf32, #tpu.memory_space<vmem>>, vector<1x16xf32>,
        %get3A_449 = arith.index_cast %add3A_418 : i32 to index
        %get3A_450 = arith.constant 48 : index
        %get3A_451 = tpu.vector_load %arg11[%get3A_449, %get3A_450] {strides = array<i32>} : memref<128x128xf32, #tpu.memory_space<vmem>>, vector<1x16xf32>,
        %get3A_452 = vector.shape_cast %get3A_451 : vector<1x16xf32> to vector<16xf32>
        %mul3A_453 = arith.mulf %get3A_452, %gather3A_414 : vector<16xf32>
        %swap3A_454 = arith.index_cast %add3A_418 : i32 to index
        %swap3A_455 = arith.constant 48 : index
        %swap3A_456 = tpu.vector_load %arg11[%swap3A_454, %swap3A_455] {strides = array<i32>} : memref<128x128xf32, #tpu.memory_space<vmem>>, vector<1x16xf32>,
        %swap3A_457 = vector.shape_cast %swap3A_456 : vector<1x16xf32> to vector<16xf32>
        %swap3A_458 = vector.shape_cast %mul3A_453 : vector<16xf32> to vector<1x16xf32>
        tpu.vector_store %arg11[%swap3A_454, %swap3A_455], %swap3A_458 {strides = array<i32>} : memref<128x128xf32, #tpu.memory_space<vmem>>, vector<1x16xf32>,
        %broadcast_in_dim3A_459 = arith.constant 9 : i32
        %broadcast_in_dim3A_460 = vector.broadcast %broadcast_in_dim3A_459 : i32 to vector<16x1xi32>
        %gather3A_461 = vector.shape_cast %broadcast_in_dim3A_460 : vector<16x1xi32> to vector<16xi32>
        %gather3A_462 = tpu.dynamic_gather %get3A_29[%gather3A_461] in [0] : vector<16xf32>, vector<16xi32> -> vector<16xf32>
        %mul3A_463 = arith.constant 16 : i32
        %mul3A_464 = arith.muli %scan3A_24, %mul3A_463 : i32
        %add3A_465 = arith.constant 9 : i32
        %add3A_466 = arith.addi %mul3A_464, %add3A_465 : i32
        %get3A_467 = arith.index_cast %add3A_466 : i32 to index
        %get3A_468 = arith.constant 0 : index
        %get3A_469 = tpu.vector_load %arg11[%get3A_467, %get3A_468] {strides = array<i32>} : memref<128x128xf32, #tpu.memory_space<vmem>>, vector<1x16xf32>,
        %get3A_470 = vector.shape_cast %get3A_469 : vector<1x16xf32> to vector<16xf32>
        %mul3A_471 = arith.mulf %get3A_470, %gather3A_462 : vector<16xf32>
        %swap3A_472 = arith.index_cast %add3A_466 : i32 to index
        %swap3A_473 = arith.constant 0 : index
        %swap3A_474 = tpu.vector_load %arg11[%swap3A_472, %swap3A_473] {strides = array<i32>} : memref<128x128xf32, #tpu.memory_space<vmem>>, vector<1x16xf32>,
        %swap3A_475 = vector.shape_cast %swap3A_474 : vector<1x16xf32> to vector<16xf32>
        %swap3A_476 = vector.shape_cast %mul3A_471 : vector<16xf32> to vector<1x16xf32>
        tpu.vector_store %arg11[%swap3A_472, %swap3A_473], %swap3A_476 {strides = array<i32>} : memref<128x128xf32, #tpu.memory_space<vmem>>, vector<1x16xf32>,
        %get3A_477 = arith.index_cast %add3A_466 : i32 to index
        %get3A_478 = arith.constant 16 : index
        %get3A_479 = tpu.vector_load %arg11[%get3A_477, %get3A_478] {strides = array<i32>} : memref<128x128xf32, #tpu.memory_space<vmem>>, vector<1x16xf32>,
        %get3A_480 = vector.shape_cast %get3A_479 : vector<1x16xf32> to vector<16xf32>
        %mul3A_481 = arith.mulf %get3A_480, %gather3A_462 : vector<16xf32>
        %swap3A_482 = arith.index_cast %add3A_466 : i32 to index
        %swap3A_483 = arith.constant 16 : index
        %swap3A_484 = tpu.vector_load %arg11[%swap3A_482, %swap3A_483] {strides = array<i32>} : memref<128x128xf32, #tpu.memory_space<vmem>>, vector<1x16xf32>,
        %swap3A_485 = vector.shape_cast %swap3A_484 : vector<1x16xf32> to vector<16xf32>
        %swap3A_486 = vector.shape_cast %mul3A_481 : vector<16xf32> to vector<1x16xf32>
        tpu.vector_store %arg11[%swap3A_482, %swap3A_483], %swap3A_486 {strides = array<i32>} : memref<128x128xf32, #tpu.memory_space<vmem>>, vector<1x16xf32>,
        %get3A_487 = arith.index_cast %add3A_466 : i32 to index
        %get3A_488 = arith.constant 32 : index
        %get3A_489 = tpu.vector_load %arg11[%get3A_487, %get3A_488] {strides = array<i32>} : memref<128x128xf32, #tpu.memory_space<vmem>>, vector<1x16xf32>,
        %get3A_490 = vector.shape_cast %get3A_489 : vector<1x16xf32> to vector<16xf32>
        %mul3A_491 = arith.mulf %get3A_490, %gather3A_462 : vector<16xf32>
        %swap3A_492 = arith.index_cast %add3A_466 : i32 to index
        %swap3A_493 = arith.constant 32 : index
        %swap3A_494 = tpu.vector_load %arg11[%swap3A_492, %swap3A_493] {strides = array<i32>} : memref<128x128xf32, #tpu.memory_space<vmem>>, vector<1x16xf32>,
        %swap3A_495 = vector.shape_cast %swap3A_494 : vector<1x16xf32> to vector<16xf32>
        %swap3A_496 = vector.shape_cast %mul3A_491 : vector<16xf32> to vector<1x16xf32>
        tpu.vector_store %arg11[%swap3A_492, %swap3A_493], %swap3A_496 {strides = array<i32>} : memref<128x128xf32, #tpu.memory_space<vmem>>, vector<1x16xf32>,
        %get3A_497 = arith.index_cast %add3A_466 : i32 to index
        %get3A_498 = arith.constant 48 : index
        %get3A_499 = tpu.vector_load %arg11[%get3A_497, %get3A_498] {strides = array<i32>} : memref<128x128xf32, #tpu.memory_space<vmem>>, vector<1x16xf32>,
        %get3A_500 = vector.shape_cast %get3A_499 : vector<1x16xf32> to vector<16xf32>
        %mul3A_501 = arith.mulf %get3A_500, %gather3A_462 : vector<16xf32>
        %swap3A_502 = arith.index_cast %add3A_466 : i32 to index
        %swap3A_503 = arith.constant 48 : index
        %swap3A_504 = tpu.vector_load %arg11[%swap3A_502, %swap3A_503] {strides = array<i32>} : memref<128x128xf32, #tpu.memory_space<vmem>>, vector<1x16xf32>,
        %swap3A_505 = vector.shape_cast %swap3A_504 : vector<1x16xf32> to vector<16xf32>
        %swap3A_506 = vector.shape_cast %mul3A_501 : vector<16xf32> to vector<1x16xf32>
        tpu.vector_store %arg11[%swap3A_502, %swap3A_503], %swap3A_506 {strides = array<i32>} : memref<128x128xf32, #tpu.memory_space<vmem>>, vector<1x16xf32>,
        %broadcast_in_dim3A_507 = arith.constant 10 : i32
        %broadcast_in_dim3A_508 = vector.broadcast %broadcast_in_dim3A_507 : i32 to vector<16x1xi32>
        %gather3A_509 = vector.shape_cast %broadcast_in_dim3A_508 : vector<16x1xi32> to vector<16xi32>
        %gather3A_510 = tpu.dynamic_gather %get3A_29[%gather3A_509] in [0] : vector<16xf32>, vector<16xi32> -> vector<16xf32>
        %mul3A_511 = arith.constant 16 : i32
        %mul3A_512 = arith.muli %scan3A_24, %mul3A_511 : i32
        %add3A_513 = arith.constant 10 : i32
        %add3A_514 = arith.addi %mul3A_512, %add3A_513 : i32
        %get3A_515 = arith.index_cast %add3A_514 : i32 to index
        %get3A_516 = arith.constant 0 : index
        %get3A_517 = tpu.vector_load %arg11[%get3A_515, %get3A_516] {strides = array<i32>} : memref<128x128xf32, #tpu.memory_space<vmem>>, vector<1x16xf32>,
        %get3A_518 = vector.shape_cast %get3A_517 : vector<1x16xf32> to vector<16xf32>
        %mul3A_519 = arith.mulf %get3A_518, %gather3A_510 : vector<16xf32>
        %swap3A_520 = arith.index_cast %add3A_514 : i32 to index
        %swap3A_521 = arith.constant 0 : index
        %swap3A_522 = tpu.vector_load %arg11[%swap3A_520, %swap3A_521] {strides = array<i32>} : memref<128x128xf32, #tpu.memory_space<vmem>>, vector<1x16xf32>,
        %swap3A_523 = vector.shape_cast %swap3A_522 : vector<1x16xf32> to vector<16xf32>
        %swap3A_524 = vector.shape_cast %mul3A_519 : vector<16xf32> to vector<1x16xf32>
        tpu.vector_store %arg11[%swap3A_520, %swap3A_521], %swap3A_524 {strides = array<i32>} : memref<128x128xf32, #tpu.memory_space<vmem>>, vector<1x16xf32>,
        %get3A_525 = arith.index_cast %add3A_514 : i32 to index
        %get3A_526 = arith.constant 16 : index
        %get3A_527 = tpu.vector_load %arg11[%get3A_525, %get3A_526] {strides = array<i32>} : memref<128x128xf32, #tpu.memory_space<vmem>>, vector<1x16xf32>,
        %get3A_528 = vector.shape_cast %get3A_527 : vector<1x16xf32> to vector<16xf32>
        %mul3A_529 = arith.mulf %get3A_528, %gather3A_510 : vector<16xf32>
        %swap3A_530 = arith.index_cast %add3A_514 : i32 to index
        %swap3A_531 = arith.constant 16 : index
        %swap3A_532 = tpu.vector_load %arg11[%swap3A_530, %swap3A_531] {strides = array<i32>} : memref<128x128xf32, #tpu.memory_space<vmem>>, vector<1x16xf32>,
        %swap3A_533 = vector.shape_cast %swap3A_532 : vector<1x16xf32> to vector<16xf32>
        %swap3A_534 = vector.shape_cast %mul3A_529 : vector<16xf32> to vector<1x16xf32>
        tpu.vector_store %arg11[%swap3A_530, %swap3A_531], %swap3A_534 {strides = array<i32>} : memref<128x128xf32, #tpu.memory_space<vmem>>, vector<1x16xf32>,
        %get3A_535 = arith.index_cast %add3A_514 : i32 to index
        %get3A_536 = arith.constant 32 : index
        %get3A_537 = tpu.vector_load %arg11[%get3A_535, %get3A_536] {strides = array<i32>} : memref<128x128xf32, #tpu.memory_space<vmem>>, vector<1x16xf32>,
        %get3A_538 = vector.shape_cast %get3A_537 : vector<1x16xf32> to vector<16xf32>
        %mul3A_539 = arith.mulf %get3A_538, %gather3A_510 : vector<16xf32>
        %swap3A_540 = arith.index_cast %add3A_514 : i32 to index
        %swap3A_541 = arith.constant 32 : index
        %swap3A_542 = tpu.vector_load %arg11[%swap3A_540, %swap3A_541] {strides = array<i32>} : memref<128x128xf32, #tpu.memory_space<vmem>>, vector<1x16xf32>,
        %swap3A_543 = vector.shape_cast %swap3A_542 : vector<1x16xf32> to vector<16xf32>
        %swap3A_544 = vector.shape_cast %mul3A_539 : vector<16xf32> to vector<1x16xf32>
        tpu.vector_store %arg11[%swap3A_540, %swap3A_541], %swap3A_544 {strides = array<i32>} : memref<128x128xf32, #tpu.memory_space<vmem>>, vector<1x16xf32>,
        %get3A_545 = arith.index_cast %add3A_514 : i32 to index
        %get3A_546 = arith.constant 48 : index
        %get3A_547 = tpu.vector_load %arg11[%get3A_545, %get3A_546] {strides = array<i32>} : memref<128x128xf32, #tpu.memory_space<vmem>>, vector<1x16xf32>,
        %get3A_548 = vector.shape_cast %get3A_547 : vector<1x16xf32> to vector<16xf32>
        %mul3A_549 = arith.mulf %get3A_548, %gather3A_510 : vector<16xf32>
        %swap3A_550 = arith.index_cast %add3A_514 : i32 to index
        %swap3A_551 = arith.constant 48 : index
        %swap3A_552 = tpu.vector_load %arg11[%swap3A_550, %swap3A_551] {strides = array<i32>} : memref<128x128xf32, #tpu.memory_space<vmem>>, vector<1x16xf32>,
        %swap3A_553 = vector.shape_cast %swap3A_552 : vector<1x16xf32> to vector<16xf32>
        %swap3A_554 = vector.shape_cast %mul3A_549 : vector<16xf32> to vector<1x16xf32>
        tpu.vector_store %arg11[%swap3A_550, %swap3A_551], %swap3A_554 {strides = array<i32>} : memref<128x128xf32, #tpu.memory_space<vmem>>, vector<1x16xf32>,
        %broadcast_in_dim3A_555 = arith.constant 11 : i32
        %broadcast_in_dim3A_556 = vector.broadcast %broadcast_in_dim3A_555 : i32 to vector<16x1xi32>
        %gather3A_557 = vector.shape_cast %broadcast_in_dim3A_556 : vector<16x1xi32> to vector<16xi32>
        %gather3A_558 = tpu.dynamic_gather %get3A_29[%gather3A_557] in [0] : vector<16xf32>, vector<16xi32> -> vector<16xf32>
        %mul3A_559 = arith.constant 16 : i32
        %mul3A_560 = arith.muli %scan3A_24, %mul3A_559 : i32
        %add3A_561 = arith.constant 11 : i32
        %add3A_562 = arith.addi %mul3A_560, %add3A_561 : i32
        %get3A_563 = arith.index_cast %add3A_562 : i32 to index
        %get3A_564 = arith.constant 0 : index
        %get3A_565 = tpu.vector_load %arg11[%get3A_563, %get3A_564] {strides = array<i32>} : memref<128x128xf32, #tpu.memory_space<vmem>>, vector<1x16xf32>,
        %get3A_566 = vector.shape_cast %get3A_565 : vector<1x16xf32> to vector<16xf32>
        %mul3A_567 = arith.mulf %get3A_566, %gather3A_558 : vector<16xf32>
        %swap3A_568 = arith.index_cast %add3A_562 : i32 to index
        %swap3A_569 = arith.constant 0 : index
        %swap3A_570 = tpu.vector_load %arg11[%swap3A_568, %swap3A_569] {strides = array<i32>} : memref<128x128xf32, #tpu.memory_space<vmem>>, vector<1x16xf32>,
        %swap3A_571 = vector.shape_cast %swap3A_570 : vector<1x16xf32> to vector<16xf32>
        %swap3A_572 = vector.shape_cast %mul3A_567 : vector<16xf32> to vector<1x16xf32>
        tpu.vector_store %arg11[%swap3A_568, %swap3A_569], %swap3A_572 {strides = array<i32>} : memref<128x128xf32, #tpu.memory_space<vmem>>, vector<1x16xf32>,
        %get3A_573 = arith.index_cast %add3A_562 : i32 to index
        %get3A_574 = arith.constant 16 : index
        %get3A_575 = tpu.vector_load %arg11[%get3A_573, %get3A_574] {strides = array<i32>} : memref<128x128xf32, #tpu.memory_space<vmem>>, vector<1x16xf32>,
        %get3A_576 = vector.shape_cast %get3A_575 : vector<1x16xf32> to vector<16xf32>
        %mul3A_577 = arith.mulf %get3A_576, %gather3A_558 : vector<16xf32>
        %swap3A_578 = arith.index_cast %add3A_562 : i32 to index
        %swap3A_579 = arith.constant 16 : index
        %swap3A_580 = tpu.vector_load %arg11[%swap3A_578, %swap3A_579] {strides = array<i32>} : memref<128x128xf32, #tpu.memory_space<vmem>>, vector<1x16xf32>,
        %swap3A_581 = vector.shape_cast %swap3A_580 : vector<1x16xf32> to vector<16xf32>
        %swap3A_582 = vector.shape_cast %mul3A_577 : vector<16xf32> to vector<1x16xf32>
        tpu.vector_store %arg11[%swap3A_578, %swap3A_579], %swap3A_582 {strides = array<i32>} : memref<128x128xf32, #tpu.memory_space<vmem>>, vector<1x16xf32>,
        %get3A_583 = arith.index_cast %add3A_562 : i32 to index
        %get3A_584 = arith.constant 32 : index
        %get3A_585 = tpu.vector_load %arg11[%get3A_583, %get3A_584] {strides = array<i32>} : memref<128x128xf32, #tpu.memory_space<vmem>>, vector<1x16xf32>,
        %get3A_586 = vector.shape_cast %get3A_585 : vector<1x16xf32> to vector<16xf32>
        %mul3A_587 = arith.mulf %get3A_586, %gather3A_558 : vector<16xf32>
        %swap3A_588 = arith.index_cast %add3A_562 : i32 to index
        %swap3A_589 = arith.constant 32 : index
        %swap3A_590 = tpu.vector_load %arg11[%swap3A_588, %swap3A_589] {strides = array<i32>} : memref<128x128xf32, #tpu.memory_space<vmem>>, vector<1x16xf32>,
        %swap3A_591 = vector.shape_cast %swap3A_590 : vector<1x16xf32> to vector<16xf32>
        %swap3A_592 = vector.shape_cast %mul3A_587 : vector<16xf32> to vector<1x16xf32>
        tpu.vector_store %arg11[%swap3A_588, %swap3A_589], %swap3A_592 {strides = array<i32>} : memref<128x128xf32, #tpu.memory_space<vmem>>, vector<1x16xf32>,
        %get3A_593 = arith.index_cast %add3A_562 : i32 to index
        %get3A_594 = arith.constant 48 : index
        %get3A_595 = tpu.vector_load %arg11[%get3A_593, %get3A_594] {strides = array<i32>} : memref<128x128xf32, #tpu.memory_space<vmem>>, vector<1x16xf32>,
        %get3A_596 = vector.shape_cast %get3A_595 : vector<1x16xf32> to vector<16xf32>
        %mul3A_597 = arith.mulf %get3A_596, %gather3A_558 : vector<16xf32>
        %swap3A_598 = arith.index_cast %add3A_562 : i32 to index
        %swap3A_599 = arith.constant 48 : index
        %swap3A_600 = tpu.vector_load %arg11[%swap3A_598, %swap3A_599] {strides = array<i32>} : memref<128x128xf32, #tpu.memory_space<vmem>>, vector<1x16xf32>,
        %swap3A_601 = vector.shape_cast %swap3A_600 : vector<1x16xf32> to vector<16xf32>
        %swap3A_602 = vector.shape_cast %mul3A_597 : vector<16xf32> to vector<1x16xf32>
        tpu.vector_store %arg11[%swap3A_598, %swap3A_599], %swap3A_602 {strides = array<i32>} : memref<128x128xf32, #tpu.memory_space<vmem>>, vector<1x16xf32>,
        %broadcast_in_dim3A_603 = arith.constant 12 : i32
        %broadcast_in_dim3A_604 = vector.broadcast %broadcast_in_dim3A_603 : i32 to vector<16x1xi32>
        %gather3A_605 = vector.shape_cast %broadcast_in_dim3A_604 : vector<16x1xi32> to vector<16xi32>
        %gather3A_606 = tpu.dynamic_gather %get3A_29[%gather3A_605] in [0] : vector<16xf32>, vector<16xi32> -> vector<16xf32>
        %mul3A_607 = arith.constant 16 : i32
        %mul3A_608 = arith.muli %scan3A_24, %mul3A_607 : i32
        %add3A_609 = arith.constant 12 : i32
        %add3A_610 = arith.addi %mul3A_608, %add3A_609 : i32
        %get3A_611 = arith.index_cast %add3A_610 : i32 to index
        %get3A_612 = arith.constant 0 : index
        %get3A_613 = tpu.vector_load %arg11[%get3A_611, %get3A_612] {strides = array<i32>} : memref<128x128xf32, #tpu.memory_space<vmem>>, vector<1x16xf32>,
        %get3A_614 = vector.shape_cast %get3A_613 : vector<1x16xf32> to vector<16xf32>
        %mul3A_615 = arith.mulf %get3A_614, %gather3A_606 : vector<16xf32>
        %swap3A_616 = arith.index_cast %add3A_610 : i32 to index
        %swap3A_617 = arith.constant 0 : index
        %swap3A_618 = tpu.vector_load %arg11[%swap3A_616, %swap3A_617] {strides = array<i32>} : memref<128x128xf32, #tpu.memory_space<vmem>>, vector<1x16xf32>,
        %swap3A_619 = vector.shape_cast %swap3A_618 : vector<1x16xf32> to vector<16xf32>
        %swap3A_620 = vector.shape_cast %mul3A_615 : vector<16xf32> to vector<1x16xf32>
        tpu.vector_store %arg11[%swap3A_616, %swap3A_617], %swap3A_620 {strides = array<i32>} : memref<128x128xf32, #tpu.memory_space<vmem>>, vector<1x16xf32>,
        %get3A_621 = arith.index_cast %add3A_610 : i32 to index
        %get3A_622 = arith.constant 16 : index
        %get3A_623 = tpu.vector_load %arg11[%get3A_621, %get3A_622] {strides = array<i32>} : memref<128x128xf32, #tpu.memory_space<vmem>>, vector<1x16xf32>,
        %get3A_624 = vector.shape_cast %get3A_623 : vector<1x16xf32> to vector<16xf32>
        %mul3A_625 = arith.mulf %get3A_624, %gather3A_606 : vector<16xf32>
        %swap3A_626 = arith.index_cast %add3A_610 : i32 to index
        %swap3A_627 = arith.constant 16 : index
        %swap3A_628 = tpu.vector_load %arg11[%swap3A_626, %swap3A_627] {strides = array<i32>} : memref<128x128xf32, #tpu.memory_space<vmem>>, vector<1x16xf32>,
        %swap3A_629 = vector.shape_cast %swap3A_628 : vector<1x16xf32> to vector<16xf32>
        %swap3A_630 = vector.shape_cast %mul3A_625 : vector<16xf32> to vector<1x16xf32>
        tpu.vector_store %arg11[%swap3A_626, %swap3A_627], %swap3A_630 {strides = array<i32>} : memref<128x128xf32, #tpu.memory_space<vmem>>, vector<1x16xf32>,
        %get3A_631 = arith.index_cast %add3A_610 : i32 to index
        %get3A_632 = arith.constant 32 : index
        %get3A_633 = tpu.vector_load %arg11[%get3A_631, %get3A_632] {strides = array<i32>} : memref<128x128xf32, #tpu.memory_space<vmem>>, vector<1x16xf32>,
        %get3A_634 = vector.shape_cast %get3A_633 : vector<1x16xf32> to vector<16xf32>
        %mul3A_635 = arith.mulf %get3A_634, %gather3A_606 : vector<16xf32>
        %swap3A_636 = arith.index_cast %add3A_610 : i32 to index
        %swap3A_637 = arith.constant 32 : index
        %swap3A_638 = tpu.vector_load %arg11[%swap3A_636, %swap3A_637] {strides = array<i32>} : memref<128x128xf32, #tpu.memory_space<vmem>>, vector<1x16xf32>,
        %swap3A_639 = vector.shape_cast %swap3A_638 : vector<1x16xf32> to vector<16xf32>
        %swap3A_640 = vector.shape_cast %mul3A_635 : vector<16xf32> to vector<1x16xf32>
        tpu.vector_store %arg11[%swap3A_636, %swap3A_637], %swap3A_640 {strides = array<i32>} : memref<128x128xf32, #tpu.memory_space<vmem>>, vector<1x16xf32>,
        %get3A_641 = arith.index_cast %add3A_610 : i32 to index
        %get3A_642 = arith.constant 48 : index
        %get3A_643 = tpu.vector_load %arg11[%get3A_641, %get3A_642] {strides = array<i32>} : memref<128x128xf32, #tpu.memory_space<vmem>>, vector<1x16xf32>,
        %get3A_644 = vector.shape_cast %get3A_643 : vector<1x16xf32> to vector<16xf32>
        %mul3A_645 = arith.mulf %get3A_644, %gather3A_606 : vector<16xf32>
        %swap3A_646 = arith.index_cast %add3A_610 : i32 to index
        %swap3A_647 = arith.constant 48 : index
        %swap3A_648 = tpu.vector_load %arg11[%swap3A_646, %swap3A_647] {strides = array<i32>} : memref<128x128xf32, #tpu.memory_space<vmem>>, vector<1x16xf32>,
        %swap3A_649 = vector.shape_cast %swap3A_648 : vector<1x16xf32> to vector<16xf32>
        %swap3A_650 = vector.shape_cast %mul3A_645 : vector<16xf32> to vector<1x16xf32>
        tpu.vector_store %arg11[%swap3A_646, %swap3A_647], %swap3A_650 {strides = array<i32>} : memref<128x128xf32, #tpu.memory_space<vmem>>, vector<1x16xf32>,
        %broadcast_in_dim3A_651 = arith.constant 13 : i32
        %broadcast_in_dim3A_652 = vector.broadcast %broadcast_in_dim3A_651 : i32 to vector<16x1xi32>
        %gather3A_653 = vector.shape_cast %broadcast_in_dim3A_652 : vector<16x1xi32> to vector<16xi32>
        %gather3A_654 = tpu.dynamic_gather %get3A_29[%gather3A_653] in [0] : vector<16xf32>, vector<16xi32> -> vector<16xf32>
        %mul3A_655 = arith.constant 16 : i32
        %mul3A_656 = arith.muli %scan3A_24, %mul3A_655 : i32
        %add3A_657 = arith.constant 13 : i32
        %add3A_658 = arith.addi %mul3A_656, %add3A_657 : i32
        %get3A_659 = arith.index_cast %add3A_658 : i32 to index
        %get3A_660 = arith.constant 0 : index
        %get3A_661 = tpu.vector_load %arg11[%get3A_659, %get3A_660] {strides = array<i32>} : memref<128x128xf32, #tpu.memory_space<vmem>>, vector<1x16xf32>,
        %get3A_662 = vector.shape_cast %get3A_661 : vector<1x16xf32> to vector<16xf32>
        %mul3A_663 = arith.mulf %get3A_662, %gather3A_654 : vector<16xf32>
        %swap3A_664 = arith.index_cast %add3A_658 : i32 to index
        %swap3A_665 = arith.constant 0 : index
        %swap3A_666 = tpu.vector_load %arg11[%swap3A_664, %swap3A_665] {strides = array<i32>} : memref<128x128xf32, #tpu.memory_space<vmem>>, vector<1x16xf32>,
        %swap3A_667 = vector.shape_cast %swap3A_666 : vector<1x16xf32> to vector<16xf32>
        %swap3A_668 = vector.shape_cast %mul3A_663 : vector<16xf32> to vector<1x16xf32>
        tpu.vector_store %arg11[%swap3A_664, %swap3A_665], %swap3A_668 {strides = array<i32>} : memref<128x128xf32, #tpu.memory_space<vmem>>, vector<1x16xf32>,
        %get3A_669 = arith.index_cast %add3A_658 : i32 to index
        %get3A_670 = arith.constant 16 : index
        %get3A_671 = tpu.vector_load %arg11[%get3A_669, %get3A_670] {strides = array<i32>} : memref<128x128xf32, #tpu.memory_space<vmem>>, vector<1x16xf32>,
        %get3A_672 = vector.shape_cast %get3A_671 : vector<1x16xf32> to vector<16xf32>
        %mul3A_673 = arith.mulf %get3A_672, %gather3A_654 : vector<16xf32>
        %swap3A_674 = arith.index_cast %add3A_658 : i32 to index
        %swap3A_675 = arith.constant 16 : index
        %swap3A_676 = tpu.vector_load %arg11[%swap3A_674, %swap3A_675] {strides = array<i32>} : memref<128x128xf32, #tpu.memory_space<vmem>>, vector<1x16xf32>,
        %swap3A_677 = vector.shape_cast %swap3A_676 : vector<1x16xf32> to vector<16xf32>
        %swap3A_678 = vector.shape_cast %mul3A_673 : vector<16xf32> to vector<1x16xf32>
        tpu.vector_store %arg11[%swap3A_674, %swap3A_675], %swap3A_678 {strides = array<i32>} : memref<128x128xf32, #tpu.memory_space<vmem>>, vector<1x16xf32>,
        %get3A_679 = arith.index_cast %add3A_658 : i32 to index
        %get3A_680 = arith.constant 32 : index
        %get3A_681 = tpu.vector_load %arg11[%get3A_679, %get3A_680] {strides = array<i32>} : memref<128x128xf32, #tpu.memory_space<vmem>>, vector<1x16xf32>,
        %get3A_682 = vector.shape_cast %get3A_681 : vector<1x16xf32> to vector<16xf32>
        %mul3A_683 = arith.mulf %get3A_682, %gather3A_654 : vector<16xf32>
        %swap3A_684 = arith.index_cast %add3A_658 : i32 to index
        %swap3A_685 = arith.constant 32 : index
        %swap3A_686 = tpu.vector_load %arg11[%swap3A_684, %swap3A_685] {strides = array<i32>} : memref<128x128xf32, #tpu.memory_space<vmem>>, vector<1x16xf32>,
        %swap3A_687 = vector.shape_cast %swap3A_686 : vector<1x16xf32> to vector<16xf32>
        %swap3A_688 = vector.shape_cast %mul3A_683 : vector<16xf32> to vector<1x16xf32>
        tpu.vector_store %arg11[%swap3A_684, %swap3A_685], %swap3A_688 {strides = array<i32>} : memref<128x128xf32, #tpu.memory_space<vmem>>, vector<1x16xf32>,
        %get3A_689 = arith.index_cast %add3A_658 : i32 to index
        %get3A_690 = arith.constant 48 : index
        %get3A_691 = tpu.vector_load %arg11[%get3A_689, %get3A_690] {strides = array<i32>} : memref<128x128xf32, #tpu.memory_space<vmem>>, vector<1x16xf32>,
        %get3A_692 = vector.shape_cast %get3A_691 : vector<1x16xf32> to vector<16xf32>
        %mul3A_693 = arith.mulf %get3A_692, %gather3A_654 : vector<16xf32>
        %swap3A_694 = arith.index_cast %add3A_658 : i32 to index
        %swap3A_695 = arith.constant 48 : index
        %swap3A_696 = tpu.vector_load %arg11[%swap3A_694, %swap3A_695] {strides = array<i32>} : memref<128x128xf32, #tpu.memory_space<vmem>>, vector<1x16xf32>,
        %swap3A_697 = vector.shape_cast %swap3A_696 : vector<1x16xf32> to vector<16xf32>
        %swap3A_698 = vector.shape_cast %mul3A_693 : vector<16xf32> to vector<1x16xf32>
        tpu.vector_store %arg11[%swap3A_694, %swap3A_695], %swap3A_698 {strides = array<i32>} : memref<128x128xf32, #tpu.memory_space<vmem>>, vector<1x16xf32>,
        %broadcast_in_dim3A_699 = arith.constant 14 : i32
        %broadcast_in_dim3A_700 = vector.broadcast %broadcast_in_dim3A_699 : i32 to vector<16x1xi32>
        %gather3A_701 = vector.shape_cast %broadcast_in_dim3A_700 : vector<16x1xi32> to vector<16xi32>
        %gather3A_702 = tpu.dynamic_gather %get3A_29[%gather3A_701] in [0] : vector<16xf32>, vector<16xi32> -> vector<16xf32>
        %mul3A_703 = arith.constant 16 : i32
        %mul3A_704 = arith.muli %scan3A_24, %mul3A_703 : i32
        %add3A_705 = arith.constant 14 : i32
        %add3A_706 = arith.addi %mul3A_704, %add3A_705 : i32
        %get3A_707 = arith.index_cast %add3A_706 : i32 to index
        %get3A_708 = arith.constant 0 : index
        %get3A_709 = tpu.vector_load %arg11[%get3A_707, %get3A_708] {strides = array<i32>} : memref<128x128xf32, #tpu.memory_space<vmem>>, vector<1x16xf32>,
        %get3A_710 = vector.shape_cast %get3A_709 : vector<1x16xf32> to vector<16xf32>
        %mul3A_711 = arith.mulf %get3A_710, %gather3A_702 : vector<16xf32>
        %swap3A_712 = arith.index_cast %add3A_706 : i32 to index
        %swap3A_713 = arith.constant 0 : index
        %swap3A_714 = tpu.vector_load %arg11[%swap3A_712, %swap3A_713] {strides = array<i32>} : memref<128x128xf32, #tpu.memory_space<vmem>>, vector<1x16xf32>,
        %swap3A_715 = vector.shape_cast %swap3A_714 : vector<1x16xf32> to vector<16xf32>
        %swap3A_716 = vector.shape_cast %mul3A_711 : vector<16xf32> to vector<1x16xf32>
        tpu.vector_store %arg11[%swap3A_712, %swap3A_713], %swap3A_716 {strides = array<i32>} : memref<128x128xf32, #tpu.memory_space<vmem>>, vector<1x16xf32>,
        %get3A_717 = arith.index_cast %add3A_706 : i32 to index
        %get3A_718 = arith.constant 16 : index
        %get3A_719 = tpu.vector_load %arg11[%get3A_717, %get3A_718] {strides = array<i32>} : memref<128x128xf32, #tpu.memory_space<vmem>>, vector<1x16xf32>,
        %get3A_720 = vector.shape_cast %get3A_719 : vector<1x16xf32> to vector<16xf32>
        %mul3A_721 = arith.mulf %get3A_720, %gather3A_702 : vector<16xf32>
        %swap3A_722 = arith.index_cast %add3A_706 : i32 to index
        %swap3A_723 = arith.constant 16 : index
        %swap3A_724 = tpu.vector_load %arg11[%swap3A_722, %swap3A_723] {strides = array<i32>} : memref<128x128xf32, #tpu.memory_space<vmem>>, vector<1x16xf32>,
        %swap3A_725 = vector.shape_cast %swap3A_724 : vector<1x16xf32> to vector<16xf32>
        %swap3A_726 = vector.shape_cast %mul3A_721 : vector<16xf32> to vector<1x16xf32>
        tpu.vector_store %arg11[%swap3A_722, %swap3A_723], %swap3A_726 {strides = array<i32>} : memref<128x128xf32, #tpu.memory_space<vmem>>, vector<1x16xf32>,
        %get3A_727 = arith.index_cast %add3A_706 : i32 to index
        %get3A_728 = arith.constant 32 : index
        %get3A_729 = tpu.vector_load %arg11[%get3A_727, %get3A_728] {strides = array<i32>} : memref<128x128xf32, #tpu.memory_space<vmem>>, vector<1x16xf32>,
        %get3A_730 = vector.shape_cast %get3A_729 : vector<1x16xf32> to vector<16xf32>
        %mul3A_731 = arith.mulf %get3A_730, %gather3A_702 : vector<16xf32>
        %swap3A_732 = arith.index_cast %add3A_706 : i32 to index
        %swap3A_733 = arith.constant 32 : index
        %swap3A_734 = tpu.vector_load %arg11[%swap3A_732, %swap3A_733] {strides = array<i32>} : memref<128x128xf32, #tpu.memory_space<vmem>>, vector<1x16xf32>,
        %swap3A_735 = vector.shape_cast %swap3A_734 : vector<1x16xf32> to vector<16xf32>
        %swap3A_736 = vector.shape_cast %mul3A_731 : vector<16xf32> to vector<1x16xf32>
        tpu.vector_store %arg11[%swap3A_732, %swap3A_733], %swap3A_736 {strides = array<i32>} : memref<128x128xf32, #tpu.memory_space<vmem>>, vector<1x16xf32>,
        %get3A_737 = arith.index_cast %add3A_706 : i32 to index
        %get3A_738 = arith.constant 48 : index
        %get3A_739 = tpu.vector_load %arg11[%get3A_737, %get3A_738] {strides = array<i32>} : memref<128x128xf32, #tpu.memory_space<vmem>>, vector<1x16xf32>,
        %get3A_740 = vector.shape_cast %get3A_739 : vector<1x16xf32> to vector<16xf32>
        %mul3A_741 = arith.mulf %get3A_740, %gather3A_702 : vector<16xf32>
        %swap3A_742 = arith.index_cast %add3A_706 : i32 to index
        %swap3A_743 = arith.constant 48 : index
        %swap3A_744 = tpu.vector_load %arg11[%swap3A_742, %swap3A_743] {strides = array<i32>} : memref<128x128xf32, #tpu.memory_space<vmem>>, vector<1x16xf32>,
        %swap3A_745 = vector.shape_cast %swap3A_744 : vector<1x16xf32> to vector<16xf32>
        %swap3A_746 = vector.shape_cast %mul3A_741 : vector<16xf32> to vector<1x16xf32>
        tpu.vector_store %arg11[%swap3A_742, %swap3A_743], %swap3A_746 {strides = array<i32>} : memref<128x128xf32, #tpu.memory_space<vmem>>, vector<1x16xf32>,
        %broadcast_in_dim3A_747 = arith.constant 15 : i32
        %broadcast_in_dim3A_748 = vector.broadcast %broadcast_in_dim3A_747 : i32 to vector<16x1xi32>
        %gather3A_749 = vector.shape_cast %broadcast_in_dim3A_748 : vector<16x1xi32> to vector<16xi32>
        %gather3A_750 = tpu.dynamic_gather %get3A_29[%gather3A_749] in [0] : vector<16xf32>, vector<16xi32> -> vector<16xf32>
        %mul3A_751 = arith.constant 16 : i32
        %mul3A_752 = arith.muli %scan3A_24, %mul3A_751 : i32
        %add3A_753 = arith.constant 15 : i32
        %add3A_754 = arith.addi %mul3A_752, %add3A_753 : i32
        %get3A_755 = arith.index_cast %add3A_754 : i32 to index
        %get3A_756 = arith.constant 0 : index
        %get3A_757 = tpu.vector_load %arg11[%get3A_755, %get3A_756] {strides = array<i32>} : memref<128x128xf32, #tpu.memory_space<vmem>>, vector<1x16xf32>,
        %get3A_758 = vector.shape_cast %get3A_757 : vector<1x16xf32> to vector<16xf32>
        %mul3A_759 = arith.mulf %get3A_758, %gather3A_750 : vector<16xf32>
        %swap3A_760 = arith.index_cast %add3A_754 : i32 to index
        %swap3A_761 = arith.constant 0 : index
        %swap3A_762 = tpu.vector_load %arg11[%swap3A_760, %swap3A_761] {strides = array<i32>} : memref<128x128xf32, #tpu.memory_space<vmem>>, vector<1x16xf32>,
        %swap3A_763 = vector.shape_cast %swap3A_762 : vector<1x16xf32> to vector<16xf32>
        %swap3A_764 = vector.shape_cast %mul3A_759 : vector<16xf32> to vector<1x16xf32>
        tpu.vector_store %arg11[%swap3A_760, %swap3A_761], %swap3A_764 {strides = array<i32>} : memref<128x128xf32, #tpu.memory_space<vmem>>, vector<1x16xf32>,
        %get3A_765 = arith.index_cast %add3A_754 : i32 to index
        %get3A_766 = arith.constant 16 : index
        %get3A_767 = tpu.vector_load %arg11[%get3A_765, %get3A_766] {strides = array<i32>} : memref<128x128xf32, #tpu.memory_space<vmem>>, vector<1x16xf32>,
        %get3A_768 = vector.shape_cast %get3A_767 : vector<1x16xf32> to vector<16xf32>
        %mul3A_769 = arith.mulf %get3A_768, %gather3A_750 : vector<16xf32>
        %swap3A_770 = arith.index_cast %add3A_754 : i32 to index
        %swap3A_771 = arith.constant 16 : index
        %swap3A_772 = tpu.vector_load %arg11[%swap3A_770, %swap3A_771] {strides = array<i32>} : memref<128x128xf32, #tpu.memory_space<vmem>>, vector<1x16xf32>,
        %swap3A_773 = vector.shape_cast %swap3A_772 : vector<1x16xf32> to vector<16xf32>
        %swap3A_774 = vector.shape_cast %mul3A_769 : vector<16xf32> to vector<1x16xf32>
        tpu.vector_store %arg11[%swap3A_770, %swap3A_771], %swap3A_774 {strides = array<i32>} : memref<128x128xf32, #tpu.memory_space<vmem>>, vector<1x16xf32>,
        %get3A_775 = arith.index_cast %add3A_754 : i32 to index
        %get3A_776 = arith.constant 32 : index
        %get3A_777 = tpu.vector_load %arg11[%get3A_775, %get3A_776] {strides = array<i32>} : memref<128x128xf32, #tpu.memory_space<vmem>>, vector<1x16xf32>,
        %get3A_778 = vector.shape_cast %get3A_777 : vector<1x16xf32> to vector<16xf32>
        %mul3A_779 = arith.mulf %get3A_778, %gather3A_750 : vector<16xf32>
        %swap3A_780 = arith.index_cast %add3A_754 : i32 to index
        %swap3A_781 = arith.constant 32 : index
        %swap3A_782 = tpu.vector_load %arg11[%swap3A_780, %swap3A_781] {strides = array<i32>} : memref<128x128xf32, #tpu.memory_space<vmem>>, vector<1x16xf32>,
        %swap3A_783 = vector.shape_cast %swap3A_782 : vector<1x16xf32> to vector<16xf32>
        %swap3A_784 = vector.shape_cast %mul3A_779 : vector<16xf32> to vector<1x16xf32>
        tpu.vector_store %arg11[%swap3A_780, %swap3A_781], %swap3A_784 {strides = array<i32>} : memref<128x128xf32, #tpu.memory_space<vmem>>, vector<1x16xf32>,
        %get3A_785 = arith.index_cast %add3A_754 : i32 to index
        %get3A_786 = arith.constant 48 : index
        %get3A_787 = tpu.vector_load %arg11[%get3A_785, %get3A_786] {strides = array<i32>} : memref<128x128xf32, #tpu.memory_space<vmem>>, vector<1x16xf32>,
        %get3A_788 = vector.shape_cast %get3A_787 : vector<1x16xf32> to vector<16xf32>
        %mul3A_789 = arith.mulf %get3A_788, %gather3A_750 : vector<16xf32>
        %swap3A_790 = arith.index_cast %add3A_754 : i32 to index
        %swap3A_791 = arith.constant 48 : index
        %swap3A_792 = tpu.vector_load %arg11[%swap3A_790, %swap3A_791] {strides = array<i32>} : memref<128x128xf32, #tpu.memory_space<vmem>>, vector<1x16xf32>,
        %swap3A_793 = vector.shape_cast %swap3A_792 : vector<1x16xf32> to vector<16xf32>
        %swap3A_794 = vector.shape_cast %mul3A_789 : vector<16xf32> to vector<1x16xf32>
        tpu.vector_store %arg11[%swap3A_790, %swap3A_791], %swap3A_794 {strides = array<i32>} : memref<128x128xf32, #tpu.memory_space<vmem>>, vector<1x16xf32>,
        %scan3A_795 = arith.constant 0 : i32
        scf.yield %scan3A_795 : i32
      }
      %scan3A_22 = arith.constant 8 : i32
      "tpu.region"() ({
        %run_scoped3A = tpu.sem_alloc : memref<!tpu.dma_semaphore, #tpu.memory_space<semaphore_mem>>
        %dma_start3A_24 = arith.constant 0 : i32
        %dma_start3A_25 = arith.constant 0 : i32
        %dma_start3A_26 = tpu.memref_slice %arg7[%dma_start3A_24, %dma_start3A_25] : memref<10240x128xf32, #tpu.memory_space<vmem_shared>> -> memref<10240x128xf32, #tpu.memory_space<vmem_shared>>
        tpu.enqueue_indirect_dma source(%arg11 : memref<128x128xf32, #tpu.memory_space<vmem>>) target(%dma_start3A_26 : memref<10240x128xf32, #tpu.memory_space<vmem_shared>>) offsets(%arg9 : memref<128xi32, #tpu.memory_space<vmem>>) semaphore(%run_scoped3A : memref<!tpu.dma_semaphore, #tpu.memory_space<semaphore_mem>>) {add = true}
        %dma_wait3A_27 = arith.constant 0 : i32
        %dma_wait3A_28 = arith.constant 0 : i32
        %dma_wait3A_29 = tpu.memref_slice %arg7[%dma_wait3A_27, %dma_wait3A_28] : memref<10240x128xf32, #tpu.memory_space<vmem_shared>> -> memref<10240x128xf32, #tpu.memory_space<vmem_shared>>
        tpu.wait_indirect_dma semaphore(%run_scoped3A : memref<!tpu.dma_semaphore, #tpu.memory_space<semaphore_mem>>) src(%arg11 : memref<128x128xf32, #tpu.memory_space<vmem>>) dst(%dma_wait3A_29 : memref<10240x128xf32, #tpu.memory_space<vmem_shared>>)
        tpu.yield
      }) : () -> ()
      %scan3A_23 = arith.constant 0 : i32
      scf.yield %scan3A_23 : i32
    }
    %scan3A_8 = arith.constant 80 : i32
    %barrier3A_9 = arith.constant 0 : index
    tpu.barrier barrier_id(%barrier3A_9)
    "tpu.region"() ({
      %run_scoped3A = tpu.sem_alloc : memref<!tpu.dma_semaphore, #tpu.memory_space<semaphore_mem>>
      %dma_start3A = arith.constant 0 : i32
      %dma_start3A_10 = tpu.memref_slice %arg6[%arg0, %mul3A_2, %dma_start3A] : memref<2x10240x128xf32, #tpu.memory_space<hbm>> -> memref<1x640x128xf32, #tpu.memory_space<hbm>>
      %dma_start3A_11 = tpu.memref_squeeze %dma_start3A_10 : memref<1x640x128xf32, #tpu.memory_space<hbm>> -> memref<640x128xf32, #tpu.memory_space<hbm>>
      %dma_start3A_12 = arith.constant 0 : i32
      %dma_start3A_13 = tpu.memref_slice %arg7[%mul3A_2, %dma_start3A_12] : memref<10240x128xf32, #tpu.memory_space<vmem_shared>> -> memref<640x128xf32, #tpu.memory_space<vmem_shared>>
      tpu.enqueue_dma source(%dma_start3A_13 : memref<640x128xf32, #tpu.memory_space<vmem_shared>>) target(%dma_start3A_11 : memref<640x128xf32, #tpu.memory_space<hbm>>) target_semaphore(%run_scoped3A : memref<!tpu.dma_semaphore, #tpu.memory_space<semaphore_mem>>)
      %dma_wait3A = arith.constant 0 : i32
      %dma_wait3A_14 = tpu.memref_slice %arg6[%arg0, %mul3A_2, %dma_wait3A] : memref<2x10240x128xf32, #tpu.memory_space<hbm>> -> memref<1x640x128xf32, #tpu.memory_space<hbm>>
      %dma_wait3A_15 = tpu.memref_squeeze %dma_wait3A_14 : memref<1x640x128xf32, #tpu.memory_space<hbm>> -> memref<640x128xf32, #tpu.memory_space<hbm>>
      %dma_wait3A_16 = arith.constant 0 : i32
      %dma_wait3A_17 = tpu.memref_slice %arg7[%mul3A_2, %dma_wait3A_16] : memref<10240x128xf32, #tpu.memory_space<vmem_shared>> -> memref<640x128xf32, #tpu.memory_space<vmem_shared>>
      tpu.wait_dma2 semaphore(%run_scoped3A : memref<!tpu.dma_semaphore, #tpu.memory_space<semaphore_mem>>) src(%dma_wait3A_17 : memref<640x128xf32, #tpu.memory_space<vmem_shared>>) dst(%dma_wait3A_15 : memref<640x128xf32, #tpu.memory_space<hbm>>)
      tpu.yield
    }) : () -> ()
    return
  }
}

#map = affine_map<(d0, d1) -> (0, 0, 0)>
#map1 = affine_map<(d0, d1) -> (0, 0)>
module attributes {stable_mosaic.version = 14 : i64} {
  func.func @_sc_deg(%arg0: i32, %arg1: i32, %arg2: memref<32x80x128xi32, #tpu.memory_space<hbm>>, %arg3: memref<32x80x128xf32, #tpu.memory_space<hbm>>, %arg4: memref<2x10240xf32, #tpu.memory_space<hbm>>, %arg5: memref<10240xf32, #tpu.memory_space<vmem_shared>>, %arg6: memref<80x128xi32, #tpu.memory_space<vmem>>, %arg7: memref<80x128xf32, #tpu.memory_space<vmem>>, %arg8: memref<640xf32, #tpu.memory_space<vmem>>, %arg9: memref<!tpu.dma_semaphore, #tpu.memory_space<semaphore_mem>>) attributes {dimension_semantics = [#tpu.dimension_semantics<core_parallel>, #tpu.dimension_semantics<subcore_parallel>], iteration_bounds = array<i64: 2, 16>, scalar_prefetch = 0 : i64, scratch_operands = 5 : i64, tpu.core_type = #tpu.core_type<sc_vector_subcore>, window_params = [{transform_indices = #map}, {transform_indices = #map}, {transform_indices = #map1}]} {
    %mul3A = arith.constant 16 : i32
    %mul3A_0 = arith.muli %arg0, %mul3A : i32
    %add3A = arith.addi %mul3A_0, %arg1 : i32
    %mul3A_1 = arith.constant 640 : i32
    %mul3A_2 = arith.muli %arg1, %mul3A_1 : i32
    %scan3A = arith.constant 0 : i32
    %scan3A_3 = arith.constant 0 : i32
    %scan3A_4 = arith.constant 40 : i32
    %scan3A_5 = arith.addi %scan3A_3, %scan3A_4 : i32
    %scan3A_6 = arith.constant 1 : i32
    %scan3A_7 = scf.for %scan3A_17 = %scan3A_3 to %scan3A_5 step %scan3A_6 iter_args(%scan3A_18 = %scan3A) -> (i32)  : i32 {
      %broadcast_in_dim3A = arith.constant 0.000000e+00 : f32
      %broadcast_in_dim3A_19 = vector.broadcast %broadcast_in_dim3A : f32 to vector<16xf32>
      %mul3A_20 = arith.constant 16 : i32
      %mul3A_21 = arith.muli %scan3A_17, %mul3A_20 : i32
      %swap3A = arith.index_cast %mul3A_21 : i32 to index
      %swap3A_22 = tpu.vector_load %arg8[%swap3A] {strides = array<i32>} : memref<640xf32, #tpu.memory_space<vmem>>, vector<16xf32>,
      %swap3A_23 = vector.shape_cast %swap3A_22 : vector<16xf32> to vector<16xf32>
      %swap3A_24 = vector.shape_cast %broadcast_in_dim3A_19 : vector<16xf32> to vector<16xf32>
      tpu.vector_store %arg8[%swap3A], %swap3A_24 {strides = array<i32>} : memref<640xf32, #tpu.memory_space<vmem>>, vector<16xf32>,
      %scan3A_25 = arith.constant 0 : i32
      scf.yield %scan3A_25 : i32
    }
    %scan3A_8 = arith.constant 40 : i32
    "tpu.region"() ({
      %run_scoped3A = tpu.sem_alloc : memref<!tpu.dma_semaphore, #tpu.memory_space<semaphore_mem>>
      %dma_start3A = arith.constant 0 : i32
      %dma_start3A_17 = arith.constant 0 : i32
      %dma_start3A_18 = tpu.memref_slice %arg2[%add3A, %dma_start3A, %dma_start3A_17] : memref<32x80x128xi32, #tpu.memory_space<hbm>> -> memref<1x80x128xi32, #tpu.memory_space<hbm>>
      %dma_start3A_19 = tpu.memref_squeeze %dma_start3A_18 : memref<1x80x128xi32, #tpu.memory_space<hbm>> -> memref<80x128xi32, #tpu.memory_space<hbm>>
      %dma_start3A_20 = arith.constant 0 : i32
      %dma_start3A_21 = arith.constant 0 : i32
      %dma_start3A_22 = tpu.memref_slice %arg2[%add3A, %dma_start3A_20, %dma_start3A_21] : memref<32x80x128xi32, #tpu.memory_space<hbm>> -> memref<1x80x128xi32, #tpu.memory_space<hbm>>
      %dma_start3A_23 = tpu.memref_squeeze %dma_start3A_22 : memref<1x80x128xi32, #tpu.memory_space<hbm>> -> memref<80x128xi32, #tpu.memory_space<hbm>>
      tpu.enqueue_dma source(%dma_start3A_23 : memref<80x128xi32, #tpu.memory_space<hbm>>) target(%arg6 : memref<80x128xi32, #tpu.memory_space<vmem>>) target_semaphore(%run_scoped3A : memref<!tpu.dma_semaphore, #tpu.memory_space<semaphore_mem>>)
      %dma_wait3A = arith.constant 0 : i32
      %dma_wait3A_24 = arith.constant 0 : i32
      %dma_wait3A_25 = tpu.memref_slice %arg2[%add3A, %dma_wait3A, %dma_wait3A_24] : memref<32x80x128xi32, #tpu.memory_space<hbm>> -> memref<1x80x128xi32, #tpu.memory_space<hbm>>
      %dma_wait3A_26 = tpu.memref_squeeze %dma_wait3A_25 : memref<1x80x128xi32, #tpu.memory_space<hbm>> -> memref<80x128xi32, #tpu.memory_space<hbm>>
      %dma_wait3A_27 = arith.constant 0 : i32
      %dma_wait3A_28 = arith.constant 0 : i32
      %dma_wait3A_29 = tpu.memref_slice %arg2[%add3A, %dma_wait3A_27, %dma_wait3A_28] : memref<32x80x128xi32, #tpu.memory_space<hbm>> -> memref<1x80x128xi32, #tpu.memory_space<hbm>>
      %dma_wait3A_30 = tpu.memref_squeeze %dma_wait3A_29 : memref<1x80x128xi32, #tpu.memory_space<hbm>> -> memref<80x128xi32, #tpu.memory_space<hbm>>
      tpu.wait_dma2 semaphore(%run_scoped3A : memref<!tpu.dma_semaphore, #tpu.memory_space<semaphore_mem>>) src(%dma_wait3A_30 : memref<80x128xi32, #tpu.memory_space<hbm>>) dst(%arg6 : memref<80x128xi32, #tpu.memory_space<vmem>>)
      tpu.yield
    }) : () -> ()
    "tpu.region"() ({
      %run_scoped3A = tpu.sem_alloc : memref<!tpu.dma_semaphore, #tpu.memory_space<semaphore_mem>>
      %dma_start3A = arith.constant 0 : i32
      %dma_start3A_17 = arith.constant 0 : i32
      %dma_start3A_18 = tpu.memref_slice %arg3[%add3A, %dma_start3A, %dma_start3A_17] : memref<32x80x128xf32, #tpu.memory_space<hbm>> -> memref<1x80x128xf32, #tpu.memory_space<hbm>>
      %dma_start3A_19 = tpu.memref_squeeze %dma_start3A_18 : memref<1x80x128xf32, #tpu.memory_space<hbm>> -> memref<80x128xf32, #tpu.memory_space<hbm>>
      %dma_start3A_20 = arith.constant 0 : i32
      %dma_start3A_21 = arith.constant 0 : i32
      %dma_start3A_22 = tpu.memref_slice %arg3[%add3A, %dma_start3A_20, %dma_start3A_21] : memref<32x80x128xf32, #tpu.memory_space<hbm>> -> memref<1x80x128xf32, #tpu.memory_space<hbm>>
      %dma_start3A_23 = tpu.memref_squeeze %dma_start3A_22 : memref<1x80x128xf32, #tpu.memory_space<hbm>> -> memref<80x128xf32, #tpu.memory_space<hbm>>
      tpu.enqueue_dma source(%dma_start3A_23 : memref<80x128xf32, #tpu.memory_space<hbm>>) target(%arg7 : memref<80x128xf32, #tpu.memory_space<vmem>>) target_semaphore(%run_scoped3A : memref<!tpu.dma_semaphore, #tpu.memory_space<semaphore_mem>>)
      %dma_wait3A = arith.constant 0 : i32
      %dma_wait3A_24 = arith.constant 0 : i32
      %dma_wait3A_25 = tpu.memref_slice %arg3[%add3A, %dma_wait3A, %dma_wait3A_24] : memref<32x80x128xf32, #tpu.memory_space<hbm>> -> memref<1x80x128xf32, #tpu.memory_space<hbm>>
      %dma_wait3A_26 = tpu.memref_squeeze %dma_wait3A_25 : memref<1x80x128xf32, #tpu.memory_space<hbm>> -> memref<80x128xf32, #tpu.memory_space<hbm>>
      %dma_wait3A_27 = arith.constant 0 : i32
      %dma_wait3A_28 = arith.constant 0 : i32
      %dma_wait3A_29 = tpu.memref_slice %arg3[%add3A, %dma_wait3A_27, %dma_wait3A_28] : memref<32x80x128xf32, #tpu.memory_space<hbm>> -> memref<1x80x128xf32, #tpu.memory_space<hbm>>
      %dma_wait3A_30 = tpu.memref_squeeze %dma_wait3A_29 : memref<1x80x128xf32, #tpu.memory_space<hbm>> -> memref<80x128xf32, #tpu.memory_space<hbm>>
      tpu.wait_dma2 semaphore(%run_scoped3A : memref<!tpu.dma_semaphore, #tpu.memory_space<semaphore_mem>>) src(%dma_wait3A_30 : memref<80x128xf32, #tpu.memory_space<hbm>>) dst(%arg7 : memref<80x128xf32, #tpu.memory_space<vmem>>)
      tpu.yield
    }) : () -> ()
    "tpu.region"() ({
      %run_scoped3A = tpu.sem_alloc : memref<!tpu.dma_semaphore, #tpu.memory_space<semaphore_mem>>
      %dma_start3A = tpu.memref_slice %arg5[%mul3A_2] : memref<10240xf32, #tpu.memory_space<vmem_shared>> -> memref<640xf32, #tpu.memory_space<vmem_shared>>
      %dma_start3A_17 = tpu.memref_slice %arg5[%mul3A_2] : memref<10240xf32, #tpu.memory_space<vmem_shared>> -> memref<640xf32, #tpu.memory_space<vmem_shared>>
      tpu.enqueue_dma source(%arg8 : memref<640xf32, #tpu.memory_space<vmem>>) target(%dma_start3A_17 : memref<640xf32, #tpu.memory_space<vmem_shared>>) target_semaphore(%run_scoped3A : memref<!tpu.dma_semaphore, #tpu.memory_space<semaphore_mem>>)
      %dma_wait3A = tpu.memref_slice %arg5[%mul3A_2] : memref<10240xf32, #tpu.memory_space<vmem_shared>> -> memref<640xf32, #tpu.memory_space<vmem_shared>>
      %dma_wait3A_18 = tpu.memref_slice %arg5[%mul3A_2] : memref<10240xf32, #tpu.memory_space<vmem_shared>> -> memref<640xf32, #tpu.memory_space<vmem_shared>>
      tpu.wait_dma2 semaphore(%run_scoped3A : memref<!tpu.dma_semaphore, #tpu.memory_space<semaphore_mem>>) src(%arg8 : memref<640xf32, #tpu.memory_space<vmem>>) dst(%dma_wait3A_18 : memref<640xf32, #tpu.memory_space<vmem_shared>>)
      tpu.yield
    }) : () -> ()
    %barrier3A = arith.constant 0 : index
    tpu.barrier barrier_id(%barrier3A)
    %scan3A_9 = arith.constant 0 : i32
    %scan3A_10 = arith.constant 0 : i32
    %scan3A_11 = arith.constant 80 : i32
    %scan3A_12 = arith.addi %scan3A_10, %scan3A_11 : i32
    %scan3A_13 = arith.constant 1 : i32
    %scan3A_14 = scf.for %scan3A_17 = %scan3A_10 to %scan3A_12 step %scan3A_13 iter_args(%scan3A_18 = %scan3A_9) -> (i32)  : i32 {
      "tpu.region"() ({
        %run_scoped3A = tpu.sem_alloc : memref<!tpu.dma_semaphore, #tpu.memory_space<semaphore_mem>>
        %dma_start3A = arith.constant 0 : i32
        %dma_start3A_20 = tpu.memref_slice %arg7[%scan3A_17, %dma_start3A] : memref<80x128xf32, #tpu.memory_space<vmem>> -> memref<1x128xf32, #tpu.memory_space<vmem>>
        %dma_start3A_21 = tpu.memref_squeeze %dma_start3A_20 : memref<1x128xf32, #tpu.memory_space<vmem>> -> memref<128xf32, #tpu.memory_space<vmem>>
        %dma_start3A_22 = arith.constant 0 : i32
        %dma_start3A_23 = tpu.memref_slice %arg6[%scan3A_17, %dma_start3A_22] : memref<80x128xi32, #tpu.memory_space<vmem>> -> memref<1x128xi32, #tpu.memory_space<vmem>>
        %dma_start3A_24 = tpu.memref_squeeze %dma_start3A_23 : memref<1x128xi32, #tpu.memory_space<vmem>> -> memref<128xi32, #tpu.memory_space<vmem>>
        %dma_start3A_25 = arith.constant 0 : i32
        %dma_start3A_26 = tpu.memref_slice %arg5[%dma_start3A_25] : memref<10240xf32, #tpu.memory_space<vmem_shared>> -> memref<10240xf32, #tpu.memory_space<vmem_shared>>
        tpu.enqueue_indirect_dma source(%dma_start3A_21 : memref<128xf32, #tpu.memory_space<vmem>>) target(%dma_start3A_26 : memref<10240xf32, #tpu.memory_space<vmem_shared>>) offsets(%dma_start3A_24 : memref<128xi32, #tpu.memory_space<vmem>>) semaphore(%run_scoped3A : memref<!tpu.dma_semaphore, #tpu.memory_space<semaphore_mem>>) {add = true}
        %dma_wait3A = arith.constant 0 : i32
        %dma_wait3A_27 = tpu.memref_slice %arg7[%scan3A_17, %dma_wait3A] : memref<80x128xf32, #tpu.memory_space<vmem>> -> memref<1x128xf32, #tpu.memory_space<vmem>>
        %dma_wait3A_28 = tpu.memref_squeeze %dma_wait3A_27 : memref<1x128xf32, #tpu.memory_space<vmem>> -> memref<128xf32, #tpu.memory_space<vmem>>
        %dma_wait3A_29 = arith.constant 0 : i32
        %dma_wait3A_30 = tpu.memref_slice %arg6[%scan3A_17, %dma_wait3A_29] : memref<80x128xi32, #tpu.memory_space<vmem>> -> memref<1x128xi32, #tpu.memory_space<vmem>>
        %dma_wait3A_31 = tpu.memref_squeeze %dma_wait3A_30 : memref<1x128xi32, #tpu.memory_space<vmem>> -> memref<128xi32, #tpu.memory_space<vmem>>
        %dma_wait3A_32 = arith.constant 0 : i32
        %dma_wait3A_33 = tpu.memref_slice %arg5[%dma_wait3A_32] : memref<10240xf32, #tpu.memory_space<vmem_shared>> -> memref<10240xf32, #tpu.memory_space<vmem_shared>>
        tpu.wait_indirect_dma semaphore(%run_scoped3A : memref<!tpu.dma_semaphore, #tpu.memory_space<semaphore_mem>>) src(%dma_wait3A_28 : memref<128xf32, #tpu.memory_space<vmem>>) dst(%dma_wait3A_33 : memref<10240xf32, #tpu.memory_space<vmem_shared>>)
        tpu.yield
      }) : () -> ()
      %scan3A_19 = arith.constant 0 : i32
      scf.yield %scan3A_19 : i32
    }
    %scan3A_15 = arith.constant 80 : i32
    %barrier3A_16 = arith.constant 0 : index
    tpu.barrier barrier_id(%barrier3A_16)
    "tpu.region"() ({
      %run_scoped3A = tpu.sem_alloc : memref<!tpu.dma_semaphore, #tpu.memory_space<semaphore_mem>>
      %dma_start3A = tpu.memref_slice %arg4[%arg0, %mul3A_2] : memref<2x10240xf32, #tpu.memory_space<hbm>> -> memref<1x640xf32, #tpu.memory_space<hbm>>
      %dma_start3A_17 = tpu.memref_squeeze %dma_start3A : memref<1x640xf32, #tpu.memory_space<hbm>> -> memref<640xf32, #tpu.memory_space<hbm>>
      %dma_start3A_18 = tpu.memref_slice %arg5[%mul3A_2] : memref<10240xf32, #tpu.memory_space<vmem_shared>> -> memref<640xf32, #tpu.memory_space<vmem_shared>>
      tpu.enqueue_dma source(%dma_start3A_18 : memref<640xf32, #tpu.memory_space<vmem_shared>>) target(%dma_start3A_17 : memref<640xf32, #tpu.memory_space<hbm>>) target_semaphore(%run_scoped3A : memref<!tpu.dma_semaphore, #tpu.memory_space<semaphore_mem>>)
      %dma_wait3A = tpu.memref_slice %arg4[%arg0, %mul3A_2] : memref<2x10240xf32, #tpu.memory_space<hbm>> -> memref<1x640xf32, #tpu.memory_space<hbm>>
      %dma_wait3A_19 = tpu.memref_squeeze %dma_wait3A : memref<1x640xf32, #tpu.memory_space<hbm>> -> memref<640xf32, #tpu.memory_space<hbm>>
      %dma_wait3A_20 = tpu.memref_slice %arg5[%mul3A_2] : memref<10240xf32, #tpu.memory_space<vmem_shared>> -> memref<640xf32, #tpu.memory_space<vmem_shared>>
      tpu.wait_dma2 semaphore(%run_scoped3A : memref<!tpu.dma_semaphore, #tpu.memory_space<semaphore_mem>>) src(%dma_wait3A_20 : memref<640xf32, #tpu.memory_space<vmem_shared>>) dst(%dma_wait3A_19 : memref<640xf32, #tpu.memory_space<hbm>>)
      tpu.yield
    }) : () -> ()
    return
  }
}

#map = affine_map<(d0, d1) -> (0, 0)>
#map1 = affine_map<(d0, d1) -> (0, 0, 0)>
module attributes {stable_mosaic.version = 14 : i64} {
  func.func @_sc_prop(%arg0: i32, %arg1: i32, %arg2: memref<10240x128xf32, #tpu.memory_space<hbm>>, %arg3: memref<32x80x128xi32, #tpu.memory_space<hbm>>, %arg4: memref<32x80x128xi32, #tpu.memory_space<hbm>>, %arg5: memref<32x80x128xf32, #tpu.memory_space<hbm>>, %arg6: memref<2x10240x128xf32, #tpu.memory_space<hbm>>, %arg7: memref<10240x128xf32, #tpu.memory_space<vmem_shared>>, %arg8: memref<128xi32, #tpu.memory_space<vmem>>, %arg9: memref<128xi32, #tpu.memory_space<vmem>>, %arg10: memref<128xf32, #tpu.memory_space<vmem>>, %arg11: memref<128x128xf32, #tpu.memory_space<vmem>>, %arg12: memref<!tpu.dma_semaphore, #tpu.memory_space<semaphore_mem>>) attributes {dimension_semantics = [#tpu.dimension_semantics<core_parallel>, #tpu.dimension_semantics<subcore_parallel>], iteration_bounds = array<i64: 2, 16>, scalar_prefetch = 0 : i64, scratch_operands = 6 : i64, tpu.core_type = #tpu.core_type<sc_vector_subcore>, window_params = [{transform_indices = #map}, {transform_indices = #map1}, {transform_indices = #map1}, {transform_indices = #map1}, {transform_indices = #map1}]} {
    %mul3A = arith.constant 16 : i32
    %mul3A_0 = arith.muli %arg0, %mul3A : i32
    %add3A = arith.addi %mul3A_0, %arg1 : i32
    %mul3A_1 = arith.constant 640 : i32
    %mul3A_2 = arith.muli %arg1, %mul3A_1 : i32
    "tpu.region"() ({
      %run_scoped3A = tpu.sem_alloc : memref<!tpu.dma_semaphore, #tpu.memory_space<semaphore_mem>>
      %dma_start3A = arith.constant 0 : i32
      %dma_start3A_10 = tpu.memref_slice %arg7[%mul3A_2, %dma_start3A] : memref<10240x128xf32, #tpu.memory_space<vmem_shared>> -> memref<640x128xf32, #tpu.memory_space<vmem_shared>>
      %dma_start3A_11 = arith.constant 0 : i32
      %dma_start3A_12 = tpu.memref_slice %arg2[%mul3A_2, %dma_start3A_11] : memref<10240x128xf32, #tpu.memory_space<hbm>> -> memref<640x128xf32, #tpu.memory_space<hbm>>
      tpu.enqueue_dma source(%dma_start3A_12 : memref<640x128xf32, #tpu.memory_space<hbm>>) target(%dma_start3A_10 : memref<640x128xf32, #tpu.memory_space<vmem_shared>>) target_semaphore(%run_scoped3A : memref<!tpu.dma_semaphore, #tpu.memory_space<semaphore_mem>>)
      %dma_wait3A = arith.constant 0 : i32
      %dma_wait3A_13 = tpu.memref_slice %arg7[%mul3A_2, %dma_wait3A] : memref<10240x128xf32, #tpu.memory_space<vmem_shared>> -> memref<640x128xf32, #tpu.memory_space<vmem_shared>>
      %dma_wait3A_14 = arith.constant 0 : i32
      %dma_wait3A_15 = tpu.memref_slice %arg2[%mul3A_2, %dma_wait3A_14] : memref<10240x128xf32, #tpu.memory_space<hbm>> -> memref<640x128xf32, #tpu.memory_space<hbm>>
      tpu.wait_dma2 semaphore(%run_scoped3A : memref<!tpu.dma_semaphore, #tpu.memory_space<semaphore_mem>>) src(%dma_wait3A_15 : memref<640x128xf32, #tpu.memory_space<hbm>>) dst(%dma_wait3A_13 : memref<640x128xf32, #tpu.memory_space<vmem_shared>>)
      tpu.yield
    }) : () -> ()
    %barrier3A = arith.constant 0 : index
    tpu.barrier barrier_id(%barrier3A)
    %scan3A = arith.constant 0 : i32
    %scan3A_3 = arith.constant 0 : i32
    %scan3A_4 = arith.constant 80 : i32
    %scan3A_5 = arith.addi %scan3A_3, %scan3A_4 : i32
    %scan3A_6 = arith.constant 1 : i32
    %scan3A_7 = scf.for %scan3A_10 = %scan3A_3 to %scan3A_5 step %scan3A_6 iter_args(%scan3A_11 = %scan3A) -> (i32)  : i32 {
      "tpu.region"() ({
        %run_scoped3A = tpu.sem_alloc : memref<!tpu.dma_semaphore, #tpu.memory_space<semaphore_mem>>
        %dma_start3A_24 = arith.constant 0 : i32
        %dma_start3A_25 = tpu.memref_slice %arg3[%add3A, %scan3A_10, %dma_start3A_24] : memref<32x80x128xi32, #tpu.memory_space<hbm>> -> memref<1x1x128xi32, #tpu.memory_space<hbm>>
        %dma_start3A_26 = tpu.memref_squeeze %dma_start3A_25 : memref<1x1x128xi32, #tpu.memory_space<hbm>> -> memref<128xi32, #tpu.memory_space<hbm>>
        %dma_start3A_27 = arith.constant 0 : i32
        %dma_start3A_28 = tpu.memref_slice %arg3[%add3A, %scan3A_10, %dma_start3A_27] : memref<32x80x128xi32, #tpu.memory_space<hbm>> -> memref<1x1x128xi32, #tpu.memory_space<hbm>>
        %dma_start3A_29 = tpu.memref_squeeze %dma_start3A_28 : memref<1x1x128xi32, #tpu.memory_space<hbm>> -> memref<128xi32, #tpu.memory_space<hbm>>
        tpu.enqueue_dma source(%dma_start3A_29 : memref<128xi32, #tpu.memory_space<hbm>>) target(%arg8 : memref<128xi32, #tpu.memory_space<vmem>>) target_semaphore(%run_scoped3A : memref<!tpu.dma_semaphore, #tpu.memory_space<semaphore_mem>>)
        %dma_wait3A_30 = arith.constant 0 : i32
        %dma_wait3A_31 = tpu.memref_slice %arg3[%add3A, %scan3A_10, %dma_wait3A_30] : memref<32x80x128xi32, #tpu.memory_space<hbm>> -> memref<1x1x128xi32, #tpu.memory_space<hbm>>
        %dma_wait3A_32 = tpu.memref_squeeze %dma_wait3A_31 : memref<1x1x128xi32, #tpu.memory_space<hbm>> -> memref<128xi32, #tpu.memory_space<hbm>>
        %dma_wait3A_33 = arith.constant 0 : i32
        %dma_wait3A_34 = tpu.memref_slice %arg3[%add3A, %scan3A_10, %dma_wait3A_33] : memref<32x80x128xi32, #tpu.memory_space<hbm>> -> memref<1x1x128xi32, #tpu.memory_space<hbm>>
        %dma_wait3A_35 = tpu.memref_squeeze %dma_wait3A_34 : memref<1x1x128xi32, #tpu.memory_space<hbm>> -> memref<128xi32, #tpu.memory_space<hbm>>
        tpu.wait_dma2 semaphore(%run_scoped3A : memref<!tpu.dma_semaphore, #tpu.memory_space<semaphore_mem>>) src(%dma_wait3A_35 : memref<128xi32, #tpu.memory_space<hbm>>) dst(%arg8 : memref<128xi32, #tpu.memory_space<vmem>>)
        tpu.yield
      }) : () -> ()
      "tpu.region"() ({
        %run_scoped3A = tpu.sem_alloc : memref<!tpu.dma_semaphore, #tpu.memory_space<semaphore_mem>>
        %dma_start3A_24 = arith.constant 0 : i32
        %dma_start3A_25 = tpu.memref_slice %arg4[%add3A, %scan3A_10, %dma_start3A_24] : memref<32x80x128xi32, #tpu.memory_space<hbm>> -> memref<1x1x128xi32, #tpu.memory_space<hbm>>
        %dma_start3A_26 = tpu.memref_squeeze %dma_start3A_25 : memref<1x1x128xi32, #tpu.memory_space<hbm>> -> memref<128xi32, #tpu.memory_space<hbm>>
        %dma_start3A_27 = arith.constant 0 : i32
        %dma_start3A_28 = tpu.memref_slice %arg4[%add3A, %scan3A_10, %dma_start3A_27] : memref<32x80x128xi32, #tpu.memory_space<hbm>> -> memref<1x1x128xi32, #tpu.memory_space<hbm>>
        %dma_start3A_29 = tpu.memref_squeeze %dma_start3A_28 : memref<1x1x128xi32, #tpu.memory_space<hbm>> -> memref<128xi32, #tpu.memory_space<hbm>>
        tpu.enqueue_dma source(%dma_start3A_29 : memref<128xi32, #tpu.memory_space<hbm>>) target(%arg9 : memref<128xi32, #tpu.memory_space<vmem>>) target_semaphore(%run_scoped3A : memref<!tpu.dma_semaphore, #tpu.memory_space<semaphore_mem>>)
        %dma_wait3A_30 = arith.constant 0 : i32
        %dma_wait3A_31 = tpu.memref_slice %arg4[%add3A, %scan3A_10, %dma_wait3A_30] : memref<32x80x128xi32, #tpu.memory_space<hbm>> -> memref<1x1x128xi32, #tpu.memory_space<hbm>>
        %dma_wait3A_32 = tpu.memref_squeeze %dma_wait3A_31 : memref<1x1x128xi32, #tpu.memory_space<hbm>> -> memref<128xi32, #tpu.memory_space<hbm>>
        %dma_wait3A_33 = arith.constant 0 : i32
        %dma_wait3A_34 = tpu.memref_slice %arg4[%add3A, %scan3A_10, %dma_wait3A_33] : memref<32x80x128xi32, #tpu.memory_space<hbm>> -> memref<1x1x128xi32, #tpu.memory_space<hbm>>
        %dma_wait3A_35 = tpu.memref_squeeze %dma_wait3A_34 : memref<1x1x128xi32, #tpu.memory_space<hbm>> -> memref<128xi32, #tpu.memory_space<hbm>>
        tpu.wait_dma2 semaphore(%run_scoped3A : memref<!tpu.dma_semaphore, #tpu.memory_space<semaphore_mem>>) src(%dma_wait3A_35 : memref<128xi32, #tpu.memory_space<hbm>>) dst(%arg9 : memref<128xi32, #tpu.memory_space<vmem>>)
        tpu.yield
      }) : () -> ()
      "tpu.region"() ({
        %run_scoped3A = tpu.sem_alloc : memref<!tpu.dma_semaphore, #tpu.memory_space<semaphore_mem>>
        %dma_start3A_24 = arith.constant 0 : i32
        %dma_start3A_25 = tpu.memref_slice %arg5[%add3A, %scan3A_10, %dma_start3A_24] : memref<32x80x128xf32, #tpu.memory_space<hbm>> -> memref<1x1x128xf32, #tpu.memory_space<hbm>>
        %dma_start3A_26 = tpu.memref_squeeze %dma_start3A_25 : memref<1x1x128xf32, #tpu.memory_space<hbm>> -> memref<128xf32, #tpu.memory_space<hbm>>
        %dma_start3A_27 = arith.constant 0 : i32
        %dma_start3A_28 = tpu.memref_slice %arg5[%add3A, %scan3A_10, %dma_start3A_27] : memref<32x80x128xf32, #tpu.memory_space<hbm>> -> memref<1x1x128xf32, #tpu.memory_space<hbm>>
        %dma_start3A_29 = tpu.memref_squeeze %dma_start3A_28 : memref<1x1x128xf32, #tpu.memory_space<hbm>> -> memref<128xf32, #tpu.memory_space<hbm>>
        tpu.enqueue_dma source(%dma_start3A_29 : memref<128xf32, #tpu.memory_space<hbm>>) target(%arg10 : memref<128xf32, #tpu.memory_space<vmem>>) target_semaphore(%run_scoped3A : memref<!tpu.dma_semaphore, #tpu.memory_space<semaphore_mem>>)
        %dma_wait3A_30 = arith.constant 0 : i32
        %dma_wait3A_31 = tpu.memref_slice %arg5[%add3A, %scan3A_10, %dma_wait3A_30] : memref<32x80x128xf32, #tpu.memory_space<hbm>> -> memref<1x1x128xf32, #tpu.memory_space<hbm>>
        %dma_wait3A_32 = tpu.memref_squeeze %dma_wait3A_31 : memref<1x1x128xf32, #tpu.memory_space<hbm>> -> memref<128xf32, #tpu.memory_space<hbm>>
        %dma_wait3A_33 = arith.constant 0 : i32
        %dma_wait3A_34 = tpu.memref_slice %arg5[%add3A, %scan3A_10, %dma_wait3A_33] : memref<32x80x128xf32, #tpu.memory_space<hbm>> -> memref<1x1x128xf32, #tpu.memory_space<hbm>>
        %dma_wait3A_35 = tpu.memref_squeeze %dma_wait3A_34 : memref<1x1x128xf32, #tpu.memory_space<hbm>> -> memref<128xf32, #tpu.memory_space<hbm>>
        tpu.wait_dma2 semaphore(%run_scoped3A : memref<!tpu.dma_semaphore, #tpu.memory_space<semaphore_mem>>) src(%dma_wait3A_35 : memref<128xf32, #tpu.memory_space<hbm>>) dst(%arg10 : memref<128xf32, #tpu.memory_space<vmem>>)
        tpu.yield
      }) : () -> ()
      %dma_start3A = arith.constant 0 : i32
      %dma_start3A_12 = arith.constant 0 : i32
      %dma_start3A_13 = tpu.memref_slice %arg2[%dma_start3A, %dma_start3A_12] : memref<10240x128xf32, #tpu.memory_space<hbm>> -> memref<10240x128xf32, #tpu.memory_space<hbm>>
      tpu.enqueue_indirect_dma source(%dma_start3A_13 : memref<10240x128xf32, #tpu.memory_space<hbm>>) target(%arg11 : memref<128x128xf32, #tpu.memory_space<vmem>>) offsets(%arg8 : memref<128xi32, #tpu.memory_space<vmem>>) semaphore(%arg12 : memref<!tpu.dma_semaphore, #tpu.memory_space<semaphore_mem>>)
      %dma_wait3A = arith.constant 0 : i32
      %dma_wait3A_14 = arith.constant 0 : i32
      %dma_wait3A_15 = tpu.memref_slice %arg2[%dma_wait3A, %dma_wait3A_14] : memref<10240x128xf32, #tpu.memory_space<hbm>> -> memref<10240x128xf32, #tpu.memory_space<hbm>>
      tpu.wait_indirect_dma semaphore(%arg12 : memref<!tpu.dma_semaphore, #tpu.memory_space<semaphore_mem>>) src(%dma_wait3A_15 : memref<10240x128xf32, #tpu.memory_space<hbm>>) dst(%arg11 : memref<128x128xf32, #tpu.memory_space<vmem>>)
      %scan3A_16 = arith.constant 0 : i32
      %scan3A_17 = arith.constant 0 : i32
      %scan3A_18 = arith.constant 8 : i32
      %scan3A_19 = arith.addi %scan3A_17, %scan3A_18 : i32
      %scan3A_20 = arith.constant 1 : i32
      %scan3A_21 = scf.for %scan3A_24 = %scan3A_17 to %scan3A_19 step %scan3A_20 iter_args(%scan3A_25 = %scan3A_16) -> (i32)  : i32 {
        %mul3A_26 = arith.constant 16 : i32
        %mul3A_27 = arith.muli %scan3A_24, %mul3A_26 : i32
        %get3A = arith.index_cast %mul3A_27 : i32 to index
        %get3A_28 = tpu.vector_load %arg10[%get3A] {strides = array<i32>} : memref<128xf32, #tpu.memory_space<vmem>>, vector<16xf32>,
        %get3A_29 = vector.shape_cast %get3A_28 : vector<16xf32> to vector<16xf32>
        %broadcast_in_dim3A = arith.constant 0 : i32
        %broadcast_in_dim3A_30 = vector.broadcast %broadcast_in_dim3A : i32 to vector<16x1xi32>
        %gather3A = vector.shape_cast %broadcast_in_dim3A_30 : vector<16x1xi32> to vector<16xi32>
        %gather3A_31 = tpu.dynamic_gather %get3A_29[%gather3A] in [0] : vector<16xf32>, vector<16xi32> -> vector<16xf32>
        %mul3A_32 = arith.constant 16 : i32
        %mul3A_33 = arith.muli %scan3A_24, %mul3A_32 : i32
        %add3A_34 = arith.constant 0 : i32
        %add3A_35 = arith.addi %mul3A_33, %add3A_34 : i32
        %get3A_36 = arith.index_cast %add3A_35 : i32 to index
        %get3A_37 = arith.constant 0 : index
        %get3A_38 = tpu.vector_load %arg11[%get3A_36, %get3A_37] {strides = array<i32>} : memref<128x128xf32, #tpu.memory_space<vmem>>, vector<1x16xf32>,
        %get3A_39 = vector.shape_cast %get3A_38 : vector<1x16xf32> to vector<16xf32>
        %mul3A_40 = arith.mulf %get3A_39, %gather3A_31 : vector<16xf32>
        %swap3A = arith.index_cast %add3A_35 : i32 to index
        %swap3A_41 = arith.constant 0 : index
        %swap3A_42 = tpu.vector_load %arg11[%swap3A, %swap3A_41] {strides = array<i32>} : memref<128x128xf32, #tpu.memory_space<vmem>>, vector<1x16xf32>,
        %swap3A_43 = vector.shape_cast %swap3A_42 : vector<1x16xf32> to vector<16xf32>
        %swap3A_44 = vector.shape_cast %mul3A_40 : vector<16xf32> to vector<1x16xf32>
        tpu.vector_store %arg11[%swap3A, %swap3A_41], %swap3A_44 {strides = array<i32>} : memref<128x128xf32, #tpu.memory_space<vmem>>, vector<1x16xf32>,
        %get3A_45 = arith.index_cast %add3A_35 : i32 to index
        %get3A_46 = arith.constant 16 : index
        %get3A_47 = tpu.vector_load %arg11[%get3A_45, %get3A_46] {strides = array<i32>} : memref<128x128xf32, #tpu.memory_space<vmem>>, vector<1x16xf32>,
        %get3A_48 = vector.shape_cast %get3A_47 : vector<1x16xf32> to vector<16xf32>
        %mul3A_49 = arith.mulf %get3A_48, %gather3A_31 : vector<16xf32>
        %swap3A_50 = arith.index_cast %add3A_35 : i32 to index
        %swap3A_51 = arith.constant 16 : index
        %swap3A_52 = tpu.vector_load %arg11[%swap3A_50, %swap3A_51] {strides = array<i32>} : memref<128x128xf32, #tpu.memory_space<vmem>>, vector<1x16xf32>,
        %swap3A_53 = vector.shape_cast %swap3A_52 : vector<1x16xf32> to vector<16xf32>
        %swap3A_54 = vector.shape_cast %mul3A_49 : vector<16xf32> to vector<1x16xf32>
        tpu.vector_store %arg11[%swap3A_50, %swap3A_51], %swap3A_54 {strides = array<i32>} : memref<128x128xf32, #tpu.memory_space<vmem>>, vector<1x16xf32>,
        %get3A_55 = arith.index_cast %add3A_35 : i32 to index
        %get3A_56 = arith.constant 32 : index
        %get3A_57 = tpu.vector_load %arg11[%get3A_55, %get3A_56] {strides = array<i32>} : memref<128x128xf32, #tpu.memory_space<vmem>>, vector<1x16xf32>,
        %get3A_58 = vector.shape_cast %get3A_57 : vector<1x16xf32> to vector<16xf32>
        %mul3A_59 = arith.mulf %get3A_58, %gather3A_31 : vector<16xf32>
        %swap3A_60 = arith.index_cast %add3A_35 : i32 to index
        %swap3A_61 = arith.constant 32 : index
        %swap3A_62 = tpu.vector_load %arg11[%swap3A_60, %swap3A_61] {strides = array<i32>} : memref<128x128xf32, #tpu.memory_space<vmem>>, vector<1x16xf32>,
        %swap3A_63 = vector.shape_cast %swap3A_62 : vector<1x16xf32> to vector<16xf32>
        %swap3A_64 = vector.shape_cast %mul3A_59 : vector<16xf32> to vector<1x16xf32>
        tpu.vector_store %arg11[%swap3A_60, %swap3A_61], %swap3A_64 {strides = array<i32>} : memref<128x128xf32, #tpu.memory_space<vmem>>, vector<1x16xf32>,
        %get3A_65 = arith.index_cast %add3A_35 : i32 to index
        %get3A_66 = arith.constant 48 : index
        %get3A_67 = tpu.vector_load %arg11[%get3A_65, %get3A_66] {strides = array<i32>} : memref<128x128xf32, #tpu.memory_space<vmem>>, vector<1x16xf32>,
        %get3A_68 = vector.shape_cast %get3A_67 : vector<1x16xf32> to vector<16xf32>
        %mul3A_69 = arith.mulf %get3A_68, %gather3A_31 : vector<16xf32>
        %swap3A_70 = arith.index_cast %add3A_35 : i32 to index
        %swap3A_71 = arith.constant 48 : index
        %swap3A_72 = tpu.vector_load %arg11[%swap3A_70, %swap3A_71] {strides = array<i32>} : memref<128x128xf32, #tpu.memory_space<vmem>>, vector<1x16xf32>,
        %swap3A_73 = vector.shape_cast %swap3A_72 : vector<1x16xf32> to vector<16xf32>
        %swap3A_74 = vector.shape_cast %mul3A_69 : vector<16xf32> to vector<1x16xf32>
        tpu.vector_store %arg11[%swap3A_70, %swap3A_71], %swap3A_74 {strides = array<i32>} : memref<128x128xf32, #tpu.memory_space<vmem>>, vector<1x16xf32>,
        %broadcast_in_dim3A_75 = arith.constant 1 : i32
        %broadcast_in_dim3A_76 = vector.broadcast %broadcast_in_dim3A_75 : i32 to vector<16x1xi32>
        %gather3A_77 = vector.shape_cast %broadcast_in_dim3A_76 : vector<16x1xi32> to vector<16xi32>
        %gather3A_78 = tpu.dynamic_gather %get3A_29[%gather3A_77] in [0] : vector<16xf32>, vector<16xi32> -> vector<16xf32>
        %mul3A_79 = arith.constant 16 : i32
        %mul3A_80 = arith.muli %scan3A_24, %mul3A_79 : i32
        %add3A_81 = arith.constant 1 : i32
        %add3A_82 = arith.addi %mul3A_80, %add3A_81 : i32
        %get3A_83 = arith.index_cast %add3A_82 : i32 to index
        %get3A_84 = arith.constant 0 : index
        %get3A_85 = tpu.vector_load %arg11[%get3A_83, %get3A_84] {strides = array<i32>} : memref<128x128xf32, #tpu.memory_space<vmem>>, vector<1x16xf32>,
        %get3A_86 = vector.shape_cast %get3A_85 : vector<1x16xf32> to vector<16xf32>
        %mul3A_87 = arith.mulf %get3A_86, %gather3A_78 : vector<16xf32>
        %swap3A_88 = arith.index_cast %add3A_82 : i32 to index
        %swap3A_89 = arith.constant 0 : index
        %swap3A_90 = tpu.vector_load %arg11[%swap3A_88, %swap3A_89] {strides = array<i32>} : memref<128x128xf32, #tpu.memory_space<vmem>>, vector<1x16xf32>,
        %swap3A_91 = vector.shape_cast %swap3A_90 : vector<1x16xf32> to vector<16xf32>
        %swap3A_92 = vector.shape_cast %mul3A_87 : vector<16xf32> to vector<1x16xf32>
        tpu.vector_store %arg11[%swap3A_88, %swap3A_89], %swap3A_92 {strides = array<i32>} : memref<128x128xf32, #tpu.memory_space<vmem>>, vector<1x16xf32>,
        %get3A_93 = arith.index_cast %add3A_82 : i32 to index
        %get3A_94 = arith.constant 16 : index
        %get3A_95 = tpu.vector_load %arg11[%get3A_93, %get3A_94] {strides = array<i32>} : memref<128x128xf32, #tpu.memory_space<vmem>>, vector<1x16xf32>,
        %get3A_96 = vector.shape_cast %get3A_95 : vector<1x16xf32> to vector<16xf32>
        %mul3A_97 = arith.mulf %get3A_96, %gather3A_78 : vector<16xf32>
        %swap3A_98 = arith.index_cast %add3A_82 : i32 to index
        %swap3A_99 = arith.constant 16 : index
        %swap3A_100 = tpu.vector_load %arg11[%swap3A_98, %swap3A_99] {strides = array<i32>} : memref<128x128xf32, #tpu.memory_space<vmem>>, vector<1x16xf32>,
        %swap3A_101 = vector.shape_cast %swap3A_100 : vector<1x16xf32> to vector<16xf32>
        %swap3A_102 = vector.shape_cast %mul3A_97 : vector<16xf32> to vector<1x16xf32>
        tpu.vector_store %arg11[%swap3A_98, %swap3A_99], %swap3A_102 {strides = array<i32>} : memref<128x128xf32, #tpu.memory_space<vmem>>, vector<1x16xf32>,
        %get3A_103 = arith.index_cast %add3A_82 : i32 to index
        %get3A_104 = arith.constant 32 : index
        %get3A_105 = tpu.vector_load %arg11[%get3A_103, %get3A_104] {strides = array<i32>} : memref<128x128xf32, #tpu.memory_space<vmem>>, vector<1x16xf32>,
        %get3A_106 = vector.shape_cast %get3A_105 : vector<1x16xf32> to vector<16xf32>
        %mul3A_107 = arith.mulf %get3A_106, %gather3A_78 : vector<16xf32>
        %swap3A_108 = arith.index_cast %add3A_82 : i32 to index
        %swap3A_109 = arith.constant 32 : index
        %swap3A_110 = tpu.vector_load %arg11[%swap3A_108, %swap3A_109] {strides = array<i32>} : memref<128x128xf32, #tpu.memory_space<vmem>>, vector<1x16xf32>,
        %swap3A_111 = vector.shape_cast %swap3A_110 : vector<1x16xf32> to vector<16xf32>
        %swap3A_112 = vector.shape_cast %mul3A_107 : vector<16xf32> to vector<1x16xf32>
        tpu.vector_store %arg11[%swap3A_108, %swap3A_109], %swap3A_112 {strides = array<i32>} : memref<128x128xf32, #tpu.memory_space<vmem>>, vector<1x16xf32>,
        %get3A_113 = arith.index_cast %add3A_82 : i32 to index
        %get3A_114 = arith.constant 48 : index
        %get3A_115 = tpu.vector_load %arg11[%get3A_113, %get3A_114] {strides = array<i32>} : memref<128x128xf32, #tpu.memory_space<vmem>>, vector<1x16xf32>,
        %get3A_116 = vector.shape_cast %get3A_115 : vector<1x16xf32> to vector<16xf32>
        %mul3A_117 = arith.mulf %get3A_116, %gather3A_78 : vector<16xf32>
        %swap3A_118 = arith.index_cast %add3A_82 : i32 to index
        %swap3A_119 = arith.constant 48 : index
        %swap3A_120 = tpu.vector_load %arg11[%swap3A_118, %swap3A_119] {strides = array<i32>} : memref<128x128xf32, #tpu.memory_space<vmem>>, vector<1x16xf32>,
        %swap3A_121 = vector.shape_cast %swap3A_120 : vector<1x16xf32> to vector<16xf32>
        %swap3A_122 = vector.shape_cast %mul3A_117 : vector<16xf32> to vector<1x16xf32>
        tpu.vector_store %arg11[%swap3A_118, %swap3A_119], %swap3A_122 {strides = array<i32>} : memref<128x128xf32, #tpu.memory_space<vmem>>, vector<1x16xf32>,
        %broadcast_in_dim3A_123 = arith.constant 2 : i32
        %broadcast_in_dim3A_124 = vector.broadcast %broadcast_in_dim3A_123 : i32 to vector<16x1xi32>
        %gather3A_125 = vector.shape_cast %broadcast_in_dim3A_124 : vector<16x1xi32> to vector<16xi32>
        %gather3A_126 = tpu.dynamic_gather %get3A_29[%gather3A_125] in [0] : vector<16xf32>, vector<16xi32> -> vector<16xf32>
        %mul3A_127 = arith.constant 16 : i32
        %mul3A_128 = arith.muli %scan3A_24, %mul3A_127 : i32
        %add3A_129 = arith.constant 2 : i32
        %add3A_130 = arith.addi %mul3A_128, %add3A_129 : i32
        %get3A_131 = arith.index_cast %add3A_130 : i32 to index
        %get3A_132 = arith.constant 0 : index
        %get3A_133 = tpu.vector_load %arg11[%get3A_131, %get3A_132] {strides = array<i32>} : memref<128x128xf32, #tpu.memory_space<vmem>>, vector<1x16xf32>,
        %get3A_134 = vector.shape_cast %get3A_133 : vector<1x16xf32> to vector<16xf32>
        %mul3A_135 = arith.mulf %get3A_134, %gather3A_126 : vector<16xf32>
        %swap3A_136 = arith.index_cast %add3A_130 : i32 to index
        %swap3A_137 = arith.constant 0 : index
        %swap3A_138 = tpu.vector_load %arg11[%swap3A_136, %swap3A_137] {strides = array<i32>} : memref<128x128xf32, #tpu.memory_space<vmem>>, vector<1x16xf32>,
        %swap3A_139 = vector.shape_cast %swap3A_138 : vector<1x16xf32> to vector<16xf32>
        %swap3A_140 = vector.shape_cast %mul3A_135 : vector<16xf32> to vector<1x16xf32>
        tpu.vector_store %arg11[%swap3A_136, %swap3A_137], %swap3A_140 {strides = array<i32>} : memref<128x128xf32, #tpu.memory_space<vmem>>, vector<1x16xf32>,
        %get3A_141 = arith.index_cast %add3A_130 : i32 to index
        %get3A_142 = arith.constant 16 : index
        %get3A_143 = tpu.vector_load %arg11[%get3A_141, %get3A_142] {strides = array<i32>} : memref<128x128xf32, #tpu.memory_space<vmem>>, vector<1x16xf32>,
        %get3A_144 = vector.shape_cast %get3A_143 : vector<1x16xf32> to vector<16xf32>
        %mul3A_145 = arith.mulf %get3A_144, %gather3A_126 : vector<16xf32>
        %swap3A_146 = arith.index_cast %add3A_130 : i32 to index
        %swap3A_147 = arith.constant 16 : index
        %swap3A_148 = tpu.vector_load %arg11[%swap3A_146, %swap3A_147] {strides = array<i32>} : memref<128x128xf32, #tpu.memory_space<vmem>>, vector<1x16xf32>,
        %swap3A_149 = vector.shape_cast %swap3A_148 : vector<1x16xf32> to vector<16xf32>
        %swap3A_150 = vector.shape_cast %mul3A_145 : vector<16xf32> to vector<1x16xf32>
        tpu.vector_store %arg11[%swap3A_146, %swap3A_147], %swap3A_150 {strides = array<i32>} : memref<128x128xf32, #tpu.memory_space<vmem>>, vector<1x16xf32>,
        %get3A_151 = arith.index_cast %add3A_130 : i32 to index
        %get3A_152 = arith.constant 32 : index
        %get3A_153 = tpu.vector_load %arg11[%get3A_151, %get3A_152] {strides = array<i32>} : memref<128x128xf32, #tpu.memory_space<vmem>>, vector<1x16xf32>,
        %get3A_154 = vector.shape_cast %get3A_153 : vector<1x16xf32> to vector<16xf32>
        %mul3A_155 = arith.mulf %get3A_154, %gather3A_126 : vector<16xf32>
        %swap3A_156 = arith.index_cast %add3A_130 : i32 to index
        %swap3A_157 = arith.constant 32 : index
        %swap3A_158 = tpu.vector_load %arg11[%swap3A_156, %swap3A_157] {strides = array<i32>} : memref<128x128xf32, #tpu.memory_space<vmem>>, vector<1x16xf32>,
        %swap3A_159 = vector.shape_cast %swap3A_158 : vector<1x16xf32> to vector<16xf32>
        %swap3A_160 = vector.shape_cast %mul3A_155 : vector<16xf32> to vector<1x16xf32>
        tpu.vector_store %arg11[%swap3A_156, %swap3A_157], %swap3A_160 {strides = array<i32>} : memref<128x128xf32, #tpu.memory_space<vmem>>, vector<1x16xf32>,
        %get3A_161 = arith.index_cast %add3A_130 : i32 to index
        %get3A_162 = arith.constant 48 : index
        %get3A_163 = tpu.vector_load %arg11[%get3A_161, %get3A_162] {strides = array<i32>} : memref<128x128xf32, #tpu.memory_space<vmem>>, vector<1x16xf32>,
        %get3A_164 = vector.shape_cast %get3A_163 : vector<1x16xf32> to vector<16xf32>
        %mul3A_165 = arith.mulf %get3A_164, %gather3A_126 : vector<16xf32>
        %swap3A_166 = arith.index_cast %add3A_130 : i32 to index
        %swap3A_167 = arith.constant 48 : index
        %swap3A_168 = tpu.vector_load %arg11[%swap3A_166, %swap3A_167] {strides = array<i32>} : memref<128x128xf32, #tpu.memory_space<vmem>>, vector<1x16xf32>,
        %swap3A_169 = vector.shape_cast %swap3A_168 : vector<1x16xf32> to vector<16xf32>
        %swap3A_170 = vector.shape_cast %mul3A_165 : vector<16xf32> to vector<1x16xf32>
        tpu.vector_store %arg11[%swap3A_166, %swap3A_167], %swap3A_170 {strides = array<i32>} : memref<128x128xf32, #tpu.memory_space<vmem>>, vector<1x16xf32>,
        %broadcast_in_dim3A_171 = arith.constant 3 : i32
        %broadcast_in_dim3A_172 = vector.broadcast %broadcast_in_dim3A_171 : i32 to vector<16x1xi32>
        %gather3A_173 = vector.shape_cast %broadcast_in_dim3A_172 : vector<16x1xi32> to vector<16xi32>
        %gather3A_174 = tpu.dynamic_gather %get3A_29[%gather3A_173] in [0] : vector<16xf32>, vector<16xi32> -> vector<16xf32>
        %mul3A_175 = arith.constant 16 : i32
        %mul3A_176 = arith.muli %scan3A_24, %mul3A_175 : i32
        %add3A_177 = arith.constant 3 : i32
        %add3A_178 = arith.addi %mul3A_176, %add3A_177 : i32
        %get3A_179 = arith.index_cast %add3A_178 : i32 to index
        %get3A_180 = arith.constant 0 : index
        %get3A_181 = tpu.vector_load %arg11[%get3A_179, %get3A_180] {strides = array<i32>} : memref<128x128xf32, #tpu.memory_space<vmem>>, vector<1x16xf32>,
        %get3A_182 = vector.shape_cast %get3A_181 : vector<1x16xf32> to vector<16xf32>
        %mul3A_183 = arith.mulf %get3A_182, %gather3A_174 : vector<16xf32>
        %swap3A_184 = arith.index_cast %add3A_178 : i32 to index
        %swap3A_185 = arith.constant 0 : index
        %swap3A_186 = tpu.vector_load %arg11[%swap3A_184, %swap3A_185] {strides = array<i32>} : memref<128x128xf32, #tpu.memory_space<vmem>>, vector<1x16xf32>,
        %swap3A_187 = vector.shape_cast %swap3A_186 : vector<1x16xf32> to vector<16xf32>
        %swap3A_188 = vector.shape_cast %mul3A_183 : vector<16xf32> to vector<1x16xf32>
        tpu.vector_store %arg11[%swap3A_184, %swap3A_185], %swap3A_188 {strides = array<i32>} : memref<128x128xf32, #tpu.memory_space<vmem>>, vector<1x16xf32>,
        %get3A_189 = arith.index_cast %add3A_178 : i32 to index
        %get3A_190 = arith.constant 16 : index
        %get3A_191 = tpu.vector_load %arg11[%get3A_189, %get3A_190] {strides = array<i32>} : memref<128x128xf32, #tpu.memory_space<vmem>>, vector<1x16xf32>,
        %get3A_192 = vector.shape_cast %get3A_191 : vector<1x16xf32> to vector<16xf32>
        %mul3A_193 = arith.mulf %get3A_192, %gather3A_174 : vector<16xf32>
        %swap3A_194 = arith.index_cast %add3A_178 : i32 to index
        %swap3A_195 = arith.constant 16 : index
        %swap3A_196 = tpu.vector_load %arg11[%swap3A_194, %swap3A_195] {strides = array<i32>} : memref<128x128xf32, #tpu.memory_space<vmem>>, vector<1x16xf32>,
        %swap3A_197 = vector.shape_cast %swap3A_196 : vector<1x16xf32> to vector<16xf32>
        %swap3A_198 = vector.shape_cast %mul3A_193 : vector<16xf32> to vector<1x16xf32>
        tpu.vector_store %arg11[%swap3A_194, %swap3A_195], %swap3A_198 {strides = array<i32>} : memref<128x128xf32, #tpu.memory_space<vmem>>, vector<1x16xf32>,
        %get3A_199 = arith.index_cast %add3A_178 : i32 to index
        %get3A_200 = arith.constant 32 : index
        %get3A_201 = tpu.vector_load %arg11[%get3A_199, %get3A_200] {strides = array<i32>} : memref<128x128xf32, #tpu.memory_space<vmem>>, vector<1x16xf32>,
        %get3A_202 = vector.shape_cast %get3A_201 : vector<1x16xf32> to vector<16xf32>
        %mul3A_203 = arith.mulf %get3A_202, %gather3A_174 : vector<16xf32>
        %swap3A_204 = arith.index_cast %add3A_178 : i32 to index
        %swap3A_205 = arith.constant 32 : index
        %swap3A_206 = tpu.vector_load %arg11[%swap3A_204, %swap3A_205] {strides = array<i32>} : memref<128x128xf32, #tpu.memory_space<vmem>>, vector<1x16xf32>,
        %swap3A_207 = vector.shape_cast %swap3A_206 : vector<1x16xf32> to vector<16xf32>
        %swap3A_208 = vector.shape_cast %mul3A_203 : vector<16xf32> to vector<1x16xf32>
        tpu.vector_store %arg11[%swap3A_204, %swap3A_205], %swap3A_208 {strides = array<i32>} : memref<128x128xf32, #tpu.memory_space<vmem>>, vector<1x16xf32>,
        %get3A_209 = arith.index_cast %add3A_178 : i32 to index
        %get3A_210 = arith.constant 48 : index
        %get3A_211 = tpu.vector_load %arg11[%get3A_209, %get3A_210] {strides = array<i32>} : memref<128x128xf32, #tpu.memory_space<vmem>>, vector<1x16xf32>,
        %get3A_212 = vector.shape_cast %get3A_211 : vector<1x16xf32> to vector<16xf32>
        %mul3A_213 = arith.mulf %get3A_212, %gather3A_174 : vector<16xf32>
        %swap3A_214 = arith.index_cast %add3A_178 : i32 to index
        %swap3A_215 = arith.constant 48 : index
        %swap3A_216 = tpu.vector_load %arg11[%swap3A_214, %swap3A_215] {strides = array<i32>} : memref<128x128xf32, #tpu.memory_space<vmem>>, vector<1x16xf32>,
        %swap3A_217 = vector.shape_cast %swap3A_216 : vector<1x16xf32> to vector<16xf32>
        %swap3A_218 = vector.shape_cast %mul3A_213 : vector<16xf32> to vector<1x16xf32>
        tpu.vector_store %arg11[%swap3A_214, %swap3A_215], %swap3A_218 {strides = array<i32>} : memref<128x128xf32, #tpu.memory_space<vmem>>, vector<1x16xf32>,
        %broadcast_in_dim3A_219 = arith.constant 4 : i32
        %broadcast_in_dim3A_220 = vector.broadcast %broadcast_in_dim3A_219 : i32 to vector<16x1xi32>
        %gather3A_221 = vector.shape_cast %broadcast_in_dim3A_220 : vector<16x1xi32> to vector<16xi32>
        %gather3A_222 = tpu.dynamic_gather %get3A_29[%gather3A_221] in [0] : vector<16xf32>, vector<16xi32> -> vector<16xf32>
        %mul3A_223 = arith.constant 16 : i32
        %mul3A_224 = arith.muli %scan3A_24, %mul3A_223 : i32
        %add3A_225 = arith.constant 4 : i32
        %add3A_226 = arith.addi %mul3A_224, %add3A_225 : i32
        %get3A_227 = arith.index_cast %add3A_226 : i32 to index
        %get3A_228 = arith.constant 0 : index
        %get3A_229 = tpu.vector_load %arg11[%get3A_227, %get3A_228] {strides = array<i32>} : memref<128x128xf32, #tpu.memory_space<vmem>>, vector<1x16xf32>,
        %get3A_230 = vector.shape_cast %get3A_229 : vector<1x16xf32> to vector<16xf32>
        %mul3A_231 = arith.mulf %get3A_230, %gather3A_222 : vector<16xf32>
        %swap3A_232 = arith.index_cast %add3A_226 : i32 to index
        %swap3A_233 = arith.constant 0 : index
        %swap3A_234 = tpu.vector_load %arg11[%swap3A_232, %swap3A_233] {strides = array<i32>} : memref<128x128xf32, #tpu.memory_space<vmem>>, vector<1x16xf32>,
        %swap3A_235 = vector.shape_cast %swap3A_234 : vector<1x16xf32> to vector<16xf32>
        %swap3A_236 = vector.shape_cast %mul3A_231 : vector<16xf32> to vector<1x16xf32>
        tpu.vector_store %arg11[%swap3A_232, %swap3A_233], %swap3A_236 {strides = array<i32>} : memref<128x128xf32, #tpu.memory_space<vmem>>, vector<1x16xf32>,
        %get3A_237 = arith.index_cast %add3A_226 : i32 to index
        %get3A_238 = arith.constant 16 : index
        %get3A_239 = tpu.vector_load %arg11[%get3A_237, %get3A_238] {strides = array<i32>} : memref<128x128xf32, #tpu.memory_space<vmem>>, vector<1x16xf32>,
        %get3A_240 = vector.shape_cast %get3A_239 : vector<1x16xf32> to vector<16xf32>
        %mul3A_241 = arith.mulf %get3A_240, %gather3A_222 : vector<16xf32>
        %swap3A_242 = arith.index_cast %add3A_226 : i32 to index
        %swap3A_243 = arith.constant 16 : index
        %swap3A_244 = tpu.vector_load %arg11[%swap3A_242, %swap3A_243] {strides = array<i32>} : memref<128x128xf32, #tpu.memory_space<vmem>>, vector<1x16xf32>,
        %swap3A_245 = vector.shape_cast %swap3A_244 : vector<1x16xf32> to vector<16xf32>
        %swap3A_246 = vector.shape_cast %mul3A_241 : vector<16xf32> to vector<1x16xf32>
        tpu.vector_store %arg11[%swap3A_242, %swap3A_243], %swap3A_246 {strides = array<i32>} : memref<128x128xf32, #tpu.memory_space<vmem>>, vector<1x16xf32>,
        %get3A_247 = arith.index_cast %add3A_226 : i32 to index
        %get3A_248 = arith.constant 32 : index
        %get3A_249 = tpu.vector_load %arg11[%get3A_247, %get3A_248] {strides = array<i32>} : memref<128x128xf32, #tpu.memory_space<vmem>>, vector<1x16xf32>,
        %get3A_250 = vector.shape_cast %get3A_249 : vector<1x16xf32> to vector<16xf32>
        %mul3A_251 = arith.mulf %get3A_250, %gather3A_222 : vector<16xf32>
        %swap3A_252 = arith.index_cast %add3A_226 : i32 to index
        %swap3A_253 = arith.constant 32 : index
        %swap3A_254 = tpu.vector_load %arg11[%swap3A_252, %swap3A_253] {strides = array<i32>} : memref<128x128xf32, #tpu.memory_space<vmem>>, vector<1x16xf32>,
        %swap3A_255 = vector.shape_cast %swap3A_254 : vector<1x16xf32> to vector<16xf32>
        %swap3A_256 = vector.shape_cast %mul3A_251 : vector<16xf32> to vector<1x16xf32>
        tpu.vector_store %arg11[%swap3A_252, %swap3A_253], %swap3A_256 {strides = array<i32>} : memref<128x128xf32, #tpu.memory_space<vmem>>, vector<1x16xf32>,
        %get3A_257 = arith.index_cast %add3A_226 : i32 to index
        %get3A_258 = arith.constant 48 : index
        %get3A_259 = tpu.vector_load %arg11[%get3A_257, %get3A_258] {strides = array<i32>} : memref<128x128xf32, #tpu.memory_space<vmem>>, vector<1x16xf32>,
        %get3A_260 = vector.shape_cast %get3A_259 : vector<1x16xf32> to vector<16xf32>
        %mul3A_261 = arith.mulf %get3A_260, %gather3A_222 : vector<16xf32>
        %swap3A_262 = arith.index_cast %add3A_226 : i32 to index
        %swap3A_263 = arith.constant 48 : index
        %swap3A_264 = tpu.vector_load %arg11[%swap3A_262, %swap3A_263] {strides = array<i32>} : memref<128x128xf32, #tpu.memory_space<vmem>>, vector<1x16xf32>,
        %swap3A_265 = vector.shape_cast %swap3A_264 : vector<1x16xf32> to vector<16xf32>
        %swap3A_266 = vector.shape_cast %mul3A_261 : vector<16xf32> to vector<1x16xf32>
        tpu.vector_store %arg11[%swap3A_262, %swap3A_263], %swap3A_266 {strides = array<i32>} : memref<128x128xf32, #tpu.memory_space<vmem>>, vector<1x16xf32>,
        %broadcast_in_dim3A_267 = arith.constant 5 : i32
        %broadcast_in_dim3A_268 = vector.broadcast %broadcast_in_dim3A_267 : i32 to vector<16x1xi32>
        %gather3A_269 = vector.shape_cast %broadcast_in_dim3A_268 : vector<16x1xi32> to vector<16xi32>
        %gather3A_270 = tpu.dynamic_gather %get3A_29[%gather3A_269] in [0] : vector<16xf32>, vector<16xi32> -> vector<16xf32>
        %mul3A_271 = arith.constant 16 : i32
        %mul3A_272 = arith.muli %scan3A_24, %mul3A_271 : i32
        %add3A_273 = arith.constant 5 : i32
        %add3A_274 = arith.addi %mul3A_272, %add3A_273 : i32
        %get3A_275 = arith.index_cast %add3A_274 : i32 to index
        %get3A_276 = arith.constant 0 : index
        %get3A_277 = tpu.vector_load %arg11[%get3A_275, %get3A_276] {strides = array<i32>} : memref<128x128xf32, #tpu.memory_space<vmem>>, vector<1x16xf32>,
        %get3A_278 = vector.shape_cast %get3A_277 : vector<1x16xf32> to vector<16xf32>
        %mul3A_279 = arith.mulf %get3A_278, %gather3A_270 : vector<16xf32>
        %swap3A_280 = arith.index_cast %add3A_274 : i32 to index
        %swap3A_281 = arith.constant 0 : index
        %swap3A_282 = tpu.vector_load %arg11[%swap3A_280, %swap3A_281] {strides = array<i32>} : memref<128x128xf32, #tpu.memory_space<vmem>>, vector<1x16xf32>,
        %swap3A_283 = vector.shape_cast %swap3A_282 : vector<1x16xf32> to vector<16xf32>
        %swap3A_284 = vector.shape_cast %mul3A_279 : vector<16xf32> to vector<1x16xf32>
        tpu.vector_store %arg11[%swap3A_280, %swap3A_281], %swap3A_284 {strides = array<i32>} : memref<128x128xf32, #tpu.memory_space<vmem>>, vector<1x16xf32>,
        %get3A_285 = arith.index_cast %add3A_274 : i32 to index
        %get3A_286 = arith.constant 16 : index
        %get3A_287 = tpu.vector_load %arg11[%get3A_285, %get3A_286] {strides = array<i32>} : memref<128x128xf32, #tpu.memory_space<vmem>>, vector<1x16xf32>,
        %get3A_288 = vector.shape_cast %get3A_287 : vector<1x16xf32> to vector<16xf32>
        %mul3A_289 = arith.mulf %get3A_288, %gather3A_270 : vector<16xf32>
        %swap3A_290 = arith.index_cast %add3A_274 : i32 to index
        %swap3A_291 = arith.constant 16 : index
        %swap3A_292 = tpu.vector_load %arg11[%swap3A_290, %swap3A_291] {strides = array<i32>} : memref<128x128xf32, #tpu.memory_space<vmem>>, vector<1x16xf32>,
        %swap3A_293 = vector.shape_cast %swap3A_292 : vector<1x16xf32> to vector<16xf32>
        %swap3A_294 = vector.shape_cast %mul3A_289 : vector<16xf32> to vector<1x16xf32>
        tpu.vector_store %arg11[%swap3A_290, %swap3A_291], %swap3A_294 {strides = array<i32>} : memref<128x128xf32, #tpu.memory_space<vmem>>, vector<1x16xf32>,
        %get3A_295 = arith.index_cast %add3A_274 : i32 to index
        %get3A_296 = arith.constant 32 : index
        %get3A_297 = tpu.vector_load %arg11[%get3A_295, %get3A_296] {strides = array<i32>} : memref<128x128xf32, #tpu.memory_space<vmem>>, vector<1x16xf32>,
        %get3A_298 = vector.shape_cast %get3A_297 : vector<1x16xf32> to vector<16xf32>
        %mul3A_299 = arith.mulf %get3A_298, %gather3A_270 : vector<16xf32>
        %swap3A_300 = arith.index_cast %add3A_274 : i32 to index
        %swap3A_301 = arith.constant 32 : index
        %swap3A_302 = tpu.vector_load %arg11[%swap3A_300, %swap3A_301] {strides = array<i32>} : memref<128x128xf32, #tpu.memory_space<vmem>>, vector<1x16xf32>,
        %swap3A_303 = vector.shape_cast %swap3A_302 : vector<1x16xf32> to vector<16xf32>
        %swap3A_304 = vector.shape_cast %mul3A_299 : vector<16xf32> to vector<1x16xf32>
        tpu.vector_store %arg11[%swap3A_300, %swap3A_301], %swap3A_304 {strides = array<i32>} : memref<128x128xf32, #tpu.memory_space<vmem>>, vector<1x16xf32>,
        %get3A_305 = arith.index_cast %add3A_274 : i32 to index
        %get3A_306 = arith.constant 48 : index
        %get3A_307 = tpu.vector_load %arg11[%get3A_305, %get3A_306] {strides = array<i32>} : memref<128x128xf32, #tpu.memory_space<vmem>>, vector<1x16xf32>,
        %get3A_308 = vector.shape_cast %get3A_307 : vector<1x16xf32> to vector<16xf32>
        %mul3A_309 = arith.mulf %get3A_308, %gather3A_270 : vector<16xf32>
        %swap3A_310 = arith.index_cast %add3A_274 : i32 to index
        %swap3A_311 = arith.constant 48 : index
        %swap3A_312 = tpu.vector_load %arg11[%swap3A_310, %swap3A_311] {strides = array<i32>} : memref<128x128xf32, #tpu.memory_space<vmem>>, vector<1x16xf32>,
        %swap3A_313 = vector.shape_cast %swap3A_312 : vector<1x16xf32> to vector<16xf32>
        %swap3A_314 = vector.shape_cast %mul3A_309 : vector<16xf32> to vector<1x16xf32>
        tpu.vector_store %arg11[%swap3A_310, %swap3A_311], %swap3A_314 {strides = array<i32>} : memref<128x128xf32, #tpu.memory_space<vmem>>, vector<1x16xf32>,
        %broadcast_in_dim3A_315 = arith.constant 6 : i32
        %broadcast_in_dim3A_316 = vector.broadcast %broadcast_in_dim3A_315 : i32 to vector<16x1xi32>
        %gather3A_317 = vector.shape_cast %broadcast_in_dim3A_316 : vector<16x1xi32> to vector<16xi32>
        %gather3A_318 = tpu.dynamic_gather %get3A_29[%gather3A_317] in [0] : vector<16xf32>, vector<16xi32> -> vector<16xf32>
        %mul3A_319 = arith.constant 16 : i32
        %mul3A_320 = arith.muli %scan3A_24, %mul3A_319 : i32
        %add3A_321 = arith.constant 6 : i32
        %add3A_322 = arith.addi %mul3A_320, %add3A_321 : i32
        %get3A_323 = arith.index_cast %add3A_322 : i32 to index
        %get3A_324 = arith.constant 0 : index
        %get3A_325 = tpu.vector_load %arg11[%get3A_323, %get3A_324] {strides = array<i32>} : memref<128x128xf32, #tpu.memory_space<vmem>>, vector<1x16xf32>,
        %get3A_326 = vector.shape_cast %get3A_325 : vector<1x16xf32> to vector<16xf32>
        %mul3A_327 = arith.mulf %get3A_326, %gather3A_318 : vector<16xf32>
        %swap3A_328 = arith.index_cast %add3A_322 : i32 to index
        %swap3A_329 = arith.constant 0 : index
        %swap3A_330 = tpu.vector_load %arg11[%swap3A_328, %swap3A_329] {strides = array<i32>} : memref<128x128xf32, #tpu.memory_space<vmem>>, vector<1x16xf32>,
        %swap3A_331 = vector.shape_cast %swap3A_330 : vector<1x16xf32> to vector<16xf32>
        %swap3A_332 = vector.shape_cast %mul3A_327 : vector<16xf32> to vector<1x16xf32>
        tpu.vector_store %arg11[%swap3A_328, %swap3A_329], %swap3A_332 {strides = array<i32>} : memref<128x128xf32, #tpu.memory_space<vmem>>, vector<1x16xf32>,
        %get3A_333 = arith.index_cast %add3A_322 : i32 to index
        %get3A_334 = arith.constant 16 : index
        %get3A_335 = tpu.vector_load %arg11[%get3A_333, %get3A_334] {strides = array<i32>} : memref<128x128xf32, #tpu.memory_space<vmem>>, vector<1x16xf32>,
        %get3A_336 = vector.shape_cast %get3A_335 : vector<1x16xf32> to vector<16xf32>
        %mul3A_337 = arith.mulf %get3A_336, %gather3A_318 : vector<16xf32>
        %swap3A_338 = arith.index_cast %add3A_322 : i32 to index
        %swap3A_339 = arith.constant 16 : index
        %swap3A_340 = tpu.vector_load %arg11[%swap3A_338, %swap3A_339] {strides = array<i32>} : memref<128x128xf32, #tpu.memory_space<vmem>>, vector<1x16xf32>,
        %swap3A_341 = vector.shape_cast %swap3A_340 : vector<1x16xf32> to vector<16xf32>
        %swap3A_342 = vector.shape_cast %mul3A_337 : vector<16xf32> to vector<1x16xf32>
        tpu.vector_store %arg11[%swap3A_338, %swap3A_339], %swap3A_342 {strides = array<i32>} : memref<128x128xf32, #tpu.memory_space<vmem>>, vector<1x16xf32>,
        %get3A_343 = arith.index_cast %add3A_322 : i32 to index
        %get3A_344 = arith.constant 32 : index
        %get3A_345 = tpu.vector_load %arg11[%get3A_343, %get3A_344] {strides = array<i32>} : memref<128x128xf32, #tpu.memory_space<vmem>>, vector<1x16xf32>,
        %get3A_346 = vector.shape_cast %get3A_345 : vector<1x16xf32> to vector<16xf32>
        %mul3A_347 = arith.mulf %get3A_346, %gather3A_318 : vector<16xf32>
        %swap3A_348 = arith.index_cast %add3A_322 : i32 to index
        %swap3A_349 = arith.constant 32 : index
        %swap3A_350 = tpu.vector_load %arg11[%swap3A_348, %swap3A_349] {strides = array<i32>} : memref<128x128xf32, #tpu.memory_space<vmem>>, vector<1x16xf32>,
        %swap3A_351 = vector.shape_cast %swap3A_350 : vector<1x16xf32> to vector<16xf32>
        %swap3A_352 = vector.shape_cast %mul3A_347 : vector<16xf32> to vector<1x16xf32>
        tpu.vector_store %arg11[%swap3A_348, %swap3A_349], %swap3A_352 {strides = array<i32>} : memref<128x128xf32, #tpu.memory_space<vmem>>, vector<1x16xf32>,
        %get3A_353 = arith.index_cast %add3A_322 : i32 to index
        %get3A_354 = arith.constant 48 : index
        %get3A_355 = tpu.vector_load %arg11[%get3A_353, %get3A_354] {strides = array<i32>} : memref<128x128xf32, #tpu.memory_space<vmem>>, vector<1x16xf32>,
        %get3A_356 = vector.shape_cast %get3A_355 : vector<1x16xf32> to vector<16xf32>
        %mul3A_357 = arith.mulf %get3A_356, %gather3A_318 : vector<16xf32>
        %swap3A_358 = arith.index_cast %add3A_322 : i32 to index
        %swap3A_359 = arith.constant 48 : index
        %swap3A_360 = tpu.vector_load %arg11[%swap3A_358, %swap3A_359] {strides = array<i32>} : memref<128x128xf32, #tpu.memory_space<vmem>>, vector<1x16xf32>,
        %swap3A_361 = vector.shape_cast %swap3A_360 : vector<1x16xf32> to vector<16xf32>
        %swap3A_362 = vector.shape_cast %mul3A_357 : vector<16xf32> to vector<1x16xf32>
        tpu.vector_store %arg11[%swap3A_358, %swap3A_359], %swap3A_362 {strides = array<i32>} : memref<128x128xf32, #tpu.memory_space<vmem>>, vector<1x16xf32>,
        %broadcast_in_dim3A_363 = arith.constant 7 : i32
        %broadcast_in_dim3A_364 = vector.broadcast %broadcast_in_dim3A_363 : i32 to vector<16x1xi32>
        %gather3A_365 = vector.shape_cast %broadcast_in_dim3A_364 : vector<16x1xi32> to vector<16xi32>
        %gather3A_366 = tpu.dynamic_gather %get3A_29[%gather3A_365] in [0] : vector<16xf32>, vector<16xi32> -> vector<16xf32>
        %mul3A_367 = arith.constant 16 : i32
        %mul3A_368 = arith.muli %scan3A_24, %mul3A_367 : i32
        %add3A_369 = arith.constant 7 : i32
        %add3A_370 = arith.addi %mul3A_368, %add3A_369 : i32
        %get3A_371 = arith.index_cast %add3A_370 : i32 to index
        %get3A_372 = arith.constant 0 : index
        %get3A_373 = tpu.vector_load %arg11[%get3A_371, %get3A_372] {strides = array<i32>} : memref<128x128xf32, #tpu.memory_space<vmem>>, vector<1x16xf32>,
        %get3A_374 = vector.shape_cast %get3A_373 : vector<1x16xf32> to vector<16xf32>
        %mul3A_375 = arith.mulf %get3A_374, %gather3A_366 : vector<16xf32>
        %swap3A_376 = arith.index_cast %add3A_370 : i32 to index
        %swap3A_377 = arith.constant 0 : index
        %swap3A_378 = tpu.vector_load %arg11[%swap3A_376, %swap3A_377] {strides = array<i32>} : memref<128x128xf32, #tpu.memory_space<vmem>>, vector<1x16xf32>,
        %swap3A_379 = vector.shape_cast %swap3A_378 : vector<1x16xf32> to vector<16xf32>
        %swap3A_380 = vector.shape_cast %mul3A_375 : vector<16xf32> to vector<1x16xf32>
        tpu.vector_store %arg11[%swap3A_376, %swap3A_377], %swap3A_380 {strides = array<i32>} : memref<128x128xf32, #tpu.memory_space<vmem>>, vector<1x16xf32>,
        %get3A_381 = arith.index_cast %add3A_370 : i32 to index
        %get3A_382 = arith.constant 16 : index
        %get3A_383 = tpu.vector_load %arg11[%get3A_381, %get3A_382] {strides = array<i32>} : memref<128x128xf32, #tpu.memory_space<vmem>>, vector<1x16xf32>,
        %get3A_384 = vector.shape_cast %get3A_383 : vector<1x16xf32> to vector<16xf32>
        %mul3A_385 = arith.mulf %get3A_384, %gather3A_366 : vector<16xf32>
        %swap3A_386 = arith.index_cast %add3A_370 : i32 to index
        %swap3A_387 = arith.constant 16 : index
        %swap3A_388 = tpu.vector_load %arg11[%swap3A_386, %swap3A_387] {strides = array<i32>} : memref<128x128xf32, #tpu.memory_space<vmem>>, vector<1x16xf32>,
        %swap3A_389 = vector.shape_cast %swap3A_388 : vector<1x16xf32> to vector<16xf32>
        %swap3A_390 = vector.shape_cast %mul3A_385 : vector<16xf32> to vector<1x16xf32>
        tpu.vector_store %arg11[%swap3A_386, %swap3A_387], %swap3A_390 {strides = array<i32>} : memref<128x128xf32, #tpu.memory_space<vmem>>, vector<1x16xf32>,
        %get3A_391 = arith.index_cast %add3A_370 : i32 to index
        %get3A_392 = arith.constant 32 : index
        %get3A_393 = tpu.vector_load %arg11[%get3A_391, %get3A_392] {strides = array<i32>} : memref<128x128xf32, #tpu.memory_space<vmem>>, vector<1x16xf32>,
        %get3A_394 = vector.shape_cast %get3A_393 : vector<1x16xf32> to vector<16xf32>
        %mul3A_395 = arith.mulf %get3A_394, %gather3A_366 : vector<16xf32>
        %swap3A_396 = arith.index_cast %add3A_370 : i32 to index
        %swap3A_397 = arith.constant 32 : index
        %swap3A_398 = tpu.vector_load %arg11[%swap3A_396, %swap3A_397] {strides = array<i32>} : memref<128x128xf32, #tpu.memory_space<vmem>>, vector<1x16xf32>,
        %swap3A_399 = vector.shape_cast %swap3A_398 : vector<1x16xf32> to vector<16xf32>
        %swap3A_400 = vector.shape_cast %mul3A_395 : vector<16xf32> to vector<1x16xf32>
        tpu.vector_store %arg11[%swap3A_396, %swap3A_397], %swap3A_400 {strides = array<i32>} : memref<128x128xf32, #tpu.memory_space<vmem>>, vector<1x16xf32>,
        %get3A_401 = arith.index_cast %add3A_370 : i32 to index
        %get3A_402 = arith.constant 48 : index
        %get3A_403 = tpu.vector_load %arg11[%get3A_401, %get3A_402] {strides = array<i32>} : memref<128x128xf32, #tpu.memory_space<vmem>>, vector<1x16xf32>,
        %get3A_404 = vector.shape_cast %get3A_403 : vector<1x16xf32> to vector<16xf32>
        %mul3A_405 = arith.mulf %get3A_404, %gather3A_366 : vector<16xf32>
        %swap3A_406 = arith.index_cast %add3A_370 : i32 to index
        %swap3A_407 = arith.constant 48 : index
        %swap3A_408 = tpu.vector_load %arg11[%swap3A_406, %swap3A_407] {strides = array<i32>} : memref<128x128xf32, #tpu.memory_space<vmem>>, vector<1x16xf32>,
        %swap3A_409 = vector.shape_cast %swap3A_408 : vector<1x16xf32> to vector<16xf32>
        %swap3A_410 = vector.shape_cast %mul3A_405 : vector<16xf32> to vector<1x16xf32>
        tpu.vector_store %arg11[%swap3A_406, %swap3A_407], %swap3A_410 {strides = array<i32>} : memref<128x128xf32, #tpu.memory_space<vmem>>, vector<1x16xf32>,
        %broadcast_in_dim3A_411 = arith.constant 8 : i32
        %broadcast_in_dim3A_412 = vector.broadcast %broadcast_in_dim3A_411 : i32 to vector<16x1xi32>
        %gather3A_413 = vector.shape_cast %broadcast_in_dim3A_412 : vector<16x1xi32> to vector<16xi32>
        %gather3A_414 = tpu.dynamic_gather %get3A_29[%gather3A_413] in [0] : vector<16xf32>, vector<16xi32> -> vector<16xf32>
        %mul3A_415 = arith.constant 16 : i32
        %mul3A_416 = arith.muli %scan3A_24, %mul3A_415 : i32
        %add3A_417 = arith.constant 8 : i32
        %add3A_418 = arith.addi %mul3A_416, %add3A_417 : i32
        %get3A_419 = arith.index_cast %add3A_418 : i32 to index
        %get3A_420 = arith.constant 0 : index
        %get3A_421 = tpu.vector_load %arg11[%get3A_419, %get3A_420] {strides = array<i32>} : memref<128x128xf32, #tpu.memory_space<vmem>>, vector<1x16xf32>,
        %get3A_422 = vector.shape_cast %get3A_421 : vector<1x16xf32> to vector<16xf32>
        %mul3A_423 = arith.mulf %get3A_422, %gather3A_414 : vector<16xf32>
        %swap3A_424 = arith.index_cast %add3A_418 : i32 to index
        %swap3A_425 = arith.constant 0 : index
        %swap3A_426 = tpu.vector_load %arg11[%swap3A_424, %swap3A_425] {strides = array<i32>} : memref<128x128xf32, #tpu.memory_space<vmem>>, vector<1x16xf32>,
        %swap3A_427 = vector.shape_cast %swap3A_426 : vector<1x16xf32> to vector<16xf32>
        %swap3A_428 = vector.shape_cast %mul3A_423 : vector<16xf32> to vector<1x16xf32>
        tpu.vector_store %arg11[%swap3A_424, %swap3A_425], %swap3A_428 {strides = array<i32>} : memref<128x128xf32, #tpu.memory_space<vmem>>, vector<1x16xf32>,
        %get3A_429 = arith.index_cast %add3A_418 : i32 to index
        %get3A_430 = arith.constant 16 : index
        %get3A_431 = tpu.vector_load %arg11[%get3A_429, %get3A_430] {strides = array<i32>} : memref<128x128xf32, #tpu.memory_space<vmem>>, vector<1x16xf32>,
        %get3A_432 = vector.shape_cast %get3A_431 : vector<1x16xf32> to vector<16xf32>
        %mul3A_433 = arith.mulf %get3A_432, %gather3A_414 : vector<16xf32>
        %swap3A_434 = arith.index_cast %add3A_418 : i32 to index
        %swap3A_435 = arith.constant 16 : index
        %swap3A_436 = tpu.vector_load %arg11[%swap3A_434, %swap3A_435] {strides = array<i32>} : memref<128x128xf32, #tpu.memory_space<vmem>>, vector<1x16xf32>,
        %swap3A_437 = vector.shape_cast %swap3A_436 : vector<1x16xf32> to vector<16xf32>
        %swap3A_438 = vector.shape_cast %mul3A_433 : vector<16xf32> to vector<1x16xf32>
        tpu.vector_store %arg11[%swap3A_434, %swap3A_435], %swap3A_438 {strides = array<i32>} : memref<128x128xf32, #tpu.memory_space<vmem>>, vector<1x16xf32>,
        %get3A_439 = arith.index_cast %add3A_418 : i32 to index
        %get3A_440 = arith.constant 32 : index
        %get3A_441 = tpu.vector_load %arg11[%get3A_439, %get3A_440] {strides = array<i32>} : memref<128x128xf32, #tpu.memory_space<vmem>>, vector<1x16xf32>,
        %get3A_442 = vector.shape_cast %get3A_441 : vector<1x16xf32> to vector<16xf32>
        %mul3A_443 = arith.mulf %get3A_442, %gather3A_414 : vector<16xf32>
        %swap3A_444 = arith.index_cast %add3A_418 : i32 to index
        %swap3A_445 = arith.constant 32 : index
        %swap3A_446 = tpu.vector_load %arg11[%swap3A_444, %swap3A_445] {strides = array<i32>} : memref<128x128xf32, #tpu.memory_space<vmem>>, vector<1x16xf32>,
        %swap3A_447 = vector.shape_cast %swap3A_446 : vector<1x16xf32> to vector<16xf32>
        %swap3A_448 = vector.shape_cast %mul3A_443 : vector<16xf32> to vector<1x16xf32>
        tpu.vector_store %arg11[%swap3A_444, %swap3A_445], %swap3A_448 {strides = array<i32>} : memref<128x128xf32, #tpu.memory_space<vmem>>, vector<1x16xf32>,
        %get3A_449 = arith.index_cast %add3A_418 : i32 to index
        %get3A_450 = arith.constant 48 : index
        %get3A_451 = tpu.vector_load %arg11[%get3A_449, %get3A_450] {strides = array<i32>} : memref<128x128xf32, #tpu.memory_space<vmem>>, vector<1x16xf32>,
        %get3A_452 = vector.shape_cast %get3A_451 : vector<1x16xf32> to vector<16xf32>
        %mul3A_453 = arith.mulf %get3A_452, %gather3A_414 : vector<16xf32>
        %swap3A_454 = arith.index_cast %add3A_418 : i32 to index
        %swap3A_455 = arith.constant 48 : index
        %swap3A_456 = tpu.vector_load %arg11[%swap3A_454, %swap3A_455] {strides = array<i32>} : memref<128x128xf32, #tpu.memory_space<vmem>>, vector<1x16xf32>,
        %swap3A_457 = vector.shape_cast %swap3A_456 : vector<1x16xf32> to vector<16xf32>
        %swap3A_458 = vector.shape_cast %mul3A_453 : vector<16xf32> to vector<1x16xf32>
        tpu.vector_store %arg11[%swap3A_454, %swap3A_455], %swap3A_458 {strides = array<i32>} : memref<128x128xf32, #tpu.memory_space<vmem>>, vector<1x16xf32>,
        %broadcast_in_dim3A_459 = arith.constant 9 : i32
        %broadcast_in_dim3A_460 = vector.broadcast %broadcast_in_dim3A_459 : i32 to vector<16x1xi32>
        %gather3A_461 = vector.shape_cast %broadcast_in_dim3A_460 : vector<16x1xi32> to vector<16xi32>
        %gather3A_462 = tpu.dynamic_gather %get3A_29[%gather3A_461] in [0] : vector<16xf32>, vector<16xi32> -> vector<16xf32>
        %mul3A_463 = arith.constant 16 : i32
        %mul3A_464 = arith.muli %scan3A_24, %mul3A_463 : i32
        %add3A_465 = arith.constant 9 : i32
        %add3A_466 = arith.addi %mul3A_464, %add3A_465 : i32
        %get3A_467 = arith.index_cast %add3A_466 : i32 to index
        %get3A_468 = arith.constant 0 : index
        %get3A_469 = tpu.vector_load %arg11[%get3A_467, %get3A_468] {strides = array<i32>} : memref<128x128xf32, #tpu.memory_space<vmem>>, vector<1x16xf32>,
        %get3A_470 = vector.shape_cast %get3A_469 : vector<1x16xf32> to vector<16xf32>
        %mul3A_471 = arith.mulf %get3A_470, %gather3A_462 : vector<16xf32>
        %swap3A_472 = arith.index_cast %add3A_466 : i32 to index
        %swap3A_473 = arith.constant 0 : index
        %swap3A_474 = tpu.vector_load %arg11[%swap3A_472, %swap3A_473] {strides = array<i32>} : memref<128x128xf32, #tpu.memory_space<vmem>>, vector<1x16xf32>,
        %swap3A_475 = vector.shape_cast %swap3A_474 : vector<1x16xf32> to vector<16xf32>
        %swap3A_476 = vector.shape_cast %mul3A_471 : vector<16xf32> to vector<1x16xf32>
        tpu.vector_store %arg11[%swap3A_472, %swap3A_473], %swap3A_476 {strides = array<i32>} : memref<128x128xf32, #tpu.memory_space<vmem>>, vector<1x16xf32>,
        %get3A_477 = arith.index_cast %add3A_466 : i32 to index
        %get3A_478 = arith.constant 16 : index
        %get3A_479 = tpu.vector_load %arg11[%get3A_477, %get3A_478] {strides = array<i32>} : memref<128x128xf32, #tpu.memory_space<vmem>>, vector<1x16xf32>,
        %get3A_480 = vector.shape_cast %get3A_479 : vector<1x16xf32> to vector<16xf32>
        %mul3A_481 = arith.mulf %get3A_480, %gather3A_462 : vector<16xf32>
        %swap3A_482 = arith.index_cast %add3A_466 : i32 to index
        %swap3A_483 = arith.constant 16 : index
        %swap3A_484 = tpu.vector_load %arg11[%swap3A_482, %swap3A_483] {strides = array<i32>} : memref<128x128xf32, #tpu.memory_space<vmem>>, vector<1x16xf32>,
        %swap3A_485 = vector.shape_cast %swap3A_484 : vector<1x16xf32> to vector<16xf32>
        %swap3A_486 = vector.shape_cast %mul3A_481 : vector<16xf32> to vector<1x16xf32>
        tpu.vector_store %arg11[%swap3A_482, %swap3A_483], %swap3A_486 {strides = array<i32>} : memref<128x128xf32, #tpu.memory_space<vmem>>, vector<1x16xf32>,
        %get3A_487 = arith.index_cast %add3A_466 : i32 to index
        %get3A_488 = arith.constant 32 : index
        %get3A_489 = tpu.vector_load %arg11[%get3A_487, %get3A_488] {strides = array<i32>} : memref<128x128xf32, #tpu.memory_space<vmem>>, vector<1x16xf32>,
        %get3A_490 = vector.shape_cast %get3A_489 : vector<1x16xf32> to vector<16xf32>
        %mul3A_491 = arith.mulf %get3A_490, %gather3A_462 : vector<16xf32>
        %swap3A_492 = arith.index_cast %add3A_466 : i32 to index
        %swap3A_493 = arith.constant 32 : index
        %swap3A_494 = tpu.vector_load %arg11[%swap3A_492, %swap3A_493] {strides = array<i32>} : memref<128x128xf32, #tpu.memory_space<vmem>>, vector<1x16xf32>,
        %swap3A_495 = vector.shape_cast %swap3A_494 : vector<1x16xf32> to vector<16xf32>
        %swap3A_496 = vector.shape_cast %mul3A_491 : vector<16xf32> to vector<1x16xf32>
        tpu.vector_store %arg11[%swap3A_492, %swap3A_493], %swap3A_496 {strides = array<i32>} : memref<128x128xf32, #tpu.memory_space<vmem>>, vector<1x16xf32>,
        %get3A_497 = arith.index_cast %add3A_466 : i32 to index
        %get3A_498 = arith.constant 48 : index
        %get3A_499 = tpu.vector_load %arg11[%get3A_497, %get3A_498] {strides = array<i32>} : memref<128x128xf32, #tpu.memory_space<vmem>>, vector<1x16xf32>,
        %get3A_500 = vector.shape_cast %get3A_499 : vector<1x16xf32> to vector<16xf32>
        %mul3A_501 = arith.mulf %get3A_500, %gather3A_462 : vector<16xf32>
        %swap3A_502 = arith.index_cast %add3A_466 : i32 to index
        %swap3A_503 = arith.constant 48 : index
        %swap3A_504 = tpu.vector_load %arg11[%swap3A_502, %swap3A_503] {strides = array<i32>} : memref<128x128xf32, #tpu.memory_space<vmem>>, vector<1x16xf32>,
        %swap3A_505 = vector.shape_cast %swap3A_504 : vector<1x16xf32> to vector<16xf32>
        %swap3A_506 = vector.shape_cast %mul3A_501 : vector<16xf32> to vector<1x16xf32>
        tpu.vector_store %arg11[%swap3A_502, %swap3A_503], %swap3A_506 {strides = array<i32>} : memref<128x128xf32, #tpu.memory_space<vmem>>, vector<1x16xf32>,
        %broadcast_in_dim3A_507 = arith.constant 10 : i32
        %broadcast_in_dim3A_508 = vector.broadcast %broadcast_in_dim3A_507 : i32 to vector<16x1xi32>
        %gather3A_509 = vector.shape_cast %broadcast_in_dim3A_508 : vector<16x1xi32> to vector<16xi32>
        %gather3A_510 = tpu.dynamic_gather %get3A_29[%gather3A_509] in [0] : vector<16xf32>, vector<16xi32> -> vector<16xf32>
        %mul3A_511 = arith.constant 16 : i32
        %mul3A_512 = arith.muli %scan3A_24, %mul3A_511 : i32
        %add3A_513 = arith.constant 10 : i32
        %add3A_514 = arith.addi %mul3A_512, %add3A_513 : i32
        %get3A_515 = arith.index_cast %add3A_514 : i32 to index
        %get3A_516 = arith.constant 0 : index
        %get3A_517 = tpu.vector_load %arg11[%get3A_515, %get3A_516] {strides = array<i32>} : memref<128x128xf32, #tpu.memory_space<vmem>>, vector<1x16xf32>,
        %get3A_518 = vector.shape_cast %get3A_517 : vector<1x16xf32> to vector<16xf32>
        %mul3A_519 = arith.mulf %get3A_518, %gather3A_510 : vector<16xf32>
        %swap3A_520 = arith.index_cast %add3A_514 : i32 to index
        %swap3A_521 = arith.constant 0 : index
        %swap3A_522 = tpu.vector_load %arg11[%swap3A_520, %swap3A_521] {strides = array<i32>} : memref<128x128xf32, #tpu.memory_space<vmem>>, vector<1x16xf32>,
        %swap3A_523 = vector.shape_cast %swap3A_522 : vector<1x16xf32> to vector<16xf32>
        %swap3A_524 = vector.shape_cast %mul3A_519 : vector<16xf32> to vector<1x16xf32>
        tpu.vector_store %arg11[%swap3A_520, %swap3A_521], %swap3A_524 {strides = array<i32>} : memref<128x128xf32, #tpu.memory_space<vmem>>, vector<1x16xf32>,
        %get3A_525 = arith.index_cast %add3A_514 : i32 to index
        %get3A_526 = arith.constant 16 : index
        %get3A_527 = tpu.vector_load %arg11[%get3A_525, %get3A_526] {strides = array<i32>} : memref<128x128xf32, #tpu.memory_space<vmem>>, vector<1x16xf32>,
        %get3A_528 = vector.shape_cast %get3A_527 : vector<1x16xf32> to vector<16xf32>
        %mul3A_529 = arith.mulf %get3A_528, %gather3A_510 : vector<16xf32>
        %swap3A_530 = arith.index_cast %add3A_514 : i32 to index
        %swap3A_531 = arith.constant 16 : index
        %swap3A_532 = tpu.vector_load %arg11[%swap3A_530, %swap3A_531] {strides = array<i32>} : memref<128x128xf32, #tpu.memory_space<vmem>>, vector<1x16xf32>,
        %swap3A_533 = vector.shape_cast %swap3A_532 : vector<1x16xf32> to vector<16xf32>
        %swap3A_534 = vector.shape_cast %mul3A_529 : vector<16xf32> to vector<1x16xf32>
        tpu.vector_store %arg11[%swap3A_530, %swap3A_531], %swap3A_534 {strides = array<i32>} : memref<128x128xf32, #tpu.memory_space<vmem>>, vector<1x16xf32>,
        %get3A_535 = arith.index_cast %add3A_514 : i32 to index
        %get3A_536 = arith.constant 32 : index
        %get3A_537 = tpu.vector_load %arg11[%get3A_535, %get3A_536] {strides = array<i32>} : memref<128x128xf32, #tpu.memory_space<vmem>>, vector<1x16xf32>,
        %get3A_538 = vector.shape_cast %get3A_537 : vector<1x16xf32> to vector<16xf32>
        %mul3A_539 = arith.mulf %get3A_538, %gather3A_510 : vector<16xf32>
        %swap3A_540 = arith.index_cast %add3A_514 : i32 to index
        %swap3A_541 = arith.constant 32 : index
        %swap3A_542 = tpu.vector_load %arg11[%swap3A_540, %swap3A_541] {strides = array<i32>} : memref<128x128xf32, #tpu.memory_space<vmem>>, vector<1x16xf32>,
        %swap3A_543 = vector.shape_cast %swap3A_542 : vector<1x16xf32> to vector<16xf32>
        %swap3A_544 = vector.shape_cast %mul3A_539 : vector<16xf32> to vector<1x16xf32>
        tpu.vector_store %arg11[%swap3A_540, %swap3A_541], %swap3A_544 {strides = array<i32>} : memref<128x128xf32, #tpu.memory_space<vmem>>, vector<1x16xf32>,
        %get3A_545 = arith.index_cast %add3A_514 : i32 to index
        %get3A_546 = arith.constant 48 : index
        %get3A_547 = tpu.vector_load %arg11[%get3A_545, %get3A_546] {strides = array<i32>} : memref<128x128xf32, #tpu.memory_space<vmem>>, vector<1x16xf32>,
        %get3A_548 = vector.shape_cast %get3A_547 : vector<1x16xf32> to vector<16xf32>
        %mul3A_549 = arith.mulf %get3A_548, %gather3A_510 : vector<16xf32>
        %swap3A_550 = arith.index_cast %add3A_514 : i32 to index
        %swap3A_551 = arith.constant 48 : index
        %swap3A_552 = tpu.vector_load %arg11[%swap3A_550, %swap3A_551] {strides = array<i32>} : memref<128x128xf32, #tpu.memory_space<vmem>>, vector<1x16xf32>,
        %swap3A_553 = vector.shape_cast %swap3A_552 : vector<1x16xf32> to vector<16xf32>
        %swap3A_554 = vector.shape_cast %mul3A_549 : vector<16xf32> to vector<1x16xf32>
        tpu.vector_store %arg11[%swap3A_550, %swap3A_551], %swap3A_554 {strides = array<i32>} : memref<128x128xf32, #tpu.memory_space<vmem>>, vector<1x16xf32>,
        %broadcast_in_dim3A_555 = arith.constant 11 : i32
        %broadcast_in_dim3A_556 = vector.broadcast %broadcast_in_dim3A_555 : i32 to vector<16x1xi32>
        %gather3A_557 = vector.shape_cast %broadcast_in_dim3A_556 : vector<16x1xi32> to vector<16xi32>
        %gather3A_558 = tpu.dynamic_gather %get3A_29[%gather3A_557] in [0] : vector<16xf32>, vector<16xi32> -> vector<16xf32>
        %mul3A_559 = arith.constant 16 : i32
        %mul3A_560 = arith.muli %scan3A_24, %mul3A_559 : i32
        %add3A_561 = arith.constant 11 : i32
        %add3A_562 = arith.addi %mul3A_560, %add3A_561 : i32
        %get3A_563 = arith.index_cast %add3A_562 : i32 to index
        %get3A_564 = arith.constant 0 : index
        %get3A_565 = tpu.vector_load %arg11[%get3A_563, %get3A_564] {strides = array<i32>} : memref<128x128xf32, #tpu.memory_space<vmem>>, vector<1x16xf32>,
        %get3A_566 = vector.shape_cast %get3A_565 : vector<1x16xf32> to vector<16xf32>
        %mul3A_567 = arith.mulf %get3A_566, %gather3A_558 : vector<16xf32>
        %swap3A_568 = arith.index_cast %add3A_562 : i32 to index
        %swap3A_569 = arith.constant 0 : index
        %swap3A_570 = tpu.vector_load %arg11[%swap3A_568, %swap3A_569] {strides = array<i32>} : memref<128x128xf32, #tpu.memory_space<vmem>>, vector<1x16xf32>,
        %swap3A_571 = vector.shape_cast %swap3A_570 : vector<1x16xf32> to vector<16xf32>
        %swap3A_572 = vector.shape_cast %mul3A_567 : vector<16xf32> to vector<1x16xf32>
        tpu.vector_store %arg11[%swap3A_568, %swap3A_569], %swap3A_572 {strides = array<i32>} : memref<128x128xf32, #tpu.memory_space<vmem>>, vector<1x16xf32>,
        %get3A_573 = arith.index_cast %add3A_562 : i32 to index
        %get3A_574 = arith.constant 16 : index
        %get3A_575 = tpu.vector_load %arg11[%get3A_573, %get3A_574] {strides = array<i32>} : memref<128x128xf32, #tpu.memory_space<vmem>>, vector<1x16xf32>,
        %get3A_576 = vector.shape_cast %get3A_575 : vector<1x16xf32> to vector<16xf32>
        %mul3A_577 = arith.mulf %get3A_576, %gather3A_558 : vector<16xf32>
        %swap3A_578 = arith.index_cast %add3A_562 : i32 to index
        %swap3A_579 = arith.constant 16 : index
        %swap3A_580 = tpu.vector_load %arg11[%swap3A_578, %swap3A_579] {strides = array<i32>} : memref<128x128xf32, #tpu.memory_space<vmem>>, vector<1x16xf32>,
        %swap3A_581 = vector.shape_cast %swap3A_580 : vector<1x16xf32> to vector<16xf32>
        %swap3A_582 = vector.shape_cast %mul3A_577 : vector<16xf32> to vector<1x16xf32>
        tpu.vector_store %arg11[%swap3A_578, %swap3A_579], %swap3A_582 {strides = array<i32>} : memref<128x128xf32, #tpu.memory_space<vmem>>, vector<1x16xf32>,
        %get3A_583 = arith.index_cast %add3A_562 : i32 to index
        %get3A_584 = arith.constant 32 : index
        %get3A_585 = tpu.vector_load %arg11[%get3A_583, %get3A_584] {strides = array<i32>} : memref<128x128xf32, #tpu.memory_space<vmem>>, vector<1x16xf32>,
        %get3A_586 = vector.shape_cast %get3A_585 : vector<1x16xf32> to vector<16xf32>
        %mul3A_587 = arith.mulf %get3A_586, %gather3A_558 : vector<16xf32>
        %swap3A_588 = arith.index_cast %add3A_562 : i32 to index
        %swap3A_589 = arith.constant 32 : index
        %swap3A_590 = tpu.vector_load %arg11[%swap3A_588, %swap3A_589] {strides = array<i32>} : memref<128x128xf32, #tpu.memory_space<vmem>>, vector<1x16xf32>,
        %swap3A_591 = vector.shape_cast %swap3A_590 : vector<1x16xf32> to vector<16xf32>
        %swap3A_592 = vector.shape_cast %mul3A_587 : vector<16xf32> to vector<1x16xf32>
        tpu.vector_store %arg11[%swap3A_588, %swap3A_589], %swap3A_592 {strides = array<i32>} : memref<128x128xf32, #tpu.memory_space<vmem>>, vector<1x16xf32>,
        %get3A_593 = arith.index_cast %add3A_562 : i32 to index
        %get3A_594 = arith.constant 48 : index
        %get3A_595 = tpu.vector_load %arg11[%get3A_593, %get3A_594] {strides = array<i32>} : memref<128x128xf32, #tpu.memory_space<vmem>>, vector<1x16xf32>,
        %get3A_596 = vector.shape_cast %get3A_595 : vector<1x16xf32> to vector<16xf32>
        %mul3A_597 = arith.mulf %get3A_596, %gather3A_558 : vector<16xf32>
        %swap3A_598 = arith.index_cast %add3A_562 : i32 to index
        %swap3A_599 = arith.constant 48 : index
        %swap3A_600 = tpu.vector_load %arg11[%swap3A_598, %swap3A_599] {strides = array<i32>} : memref<128x128xf32, #tpu.memory_space<vmem>>, vector<1x16xf32>,
        %swap3A_601 = vector.shape_cast %swap3A_600 : vector<1x16xf32> to vector<16xf32>
        %swap3A_602 = vector.shape_cast %mul3A_597 : vector<16xf32> to vector<1x16xf32>
        tpu.vector_store %arg11[%swap3A_598, %swap3A_599], %swap3A_602 {strides = array<i32>} : memref<128x128xf32, #tpu.memory_space<vmem>>, vector<1x16xf32>,
        %broadcast_in_dim3A_603 = arith.constant 12 : i32
        %broadcast_in_dim3A_604 = vector.broadcast %broadcast_in_dim3A_603 : i32 to vector<16x1xi32>
        %gather3A_605 = vector.shape_cast %broadcast_in_dim3A_604 : vector<16x1xi32> to vector<16xi32>
        %gather3A_606 = tpu.dynamic_gather %get3A_29[%gather3A_605] in [0] : vector<16xf32>, vector<16xi32> -> vector<16xf32>
        %mul3A_607 = arith.constant 16 : i32
        %mul3A_608 = arith.muli %scan3A_24, %mul3A_607 : i32
        %add3A_609 = arith.constant 12 : i32
        %add3A_610 = arith.addi %mul3A_608, %add3A_609 : i32
        %get3A_611 = arith.index_cast %add3A_610 : i32 to index
        %get3A_612 = arith.constant 0 : index
        %get3A_613 = tpu.vector_load %arg11[%get3A_611, %get3A_612] {strides = array<i32>} : memref<128x128xf32, #tpu.memory_space<vmem>>, vector<1x16xf32>,
        %get3A_614 = vector.shape_cast %get3A_613 : vector<1x16xf32> to vector<16xf32>
        %mul3A_615 = arith.mulf %get3A_614, %gather3A_606 : vector<16xf32>
        %swap3A_616 = arith.index_cast %add3A_610 : i32 to index
        %swap3A_617 = arith.constant 0 : index
        %swap3A_618 = tpu.vector_load %arg11[%swap3A_616, %swap3A_617] {strides = array<i32>} : memref<128x128xf32, #tpu.memory_space<vmem>>, vector<1x16xf32>,
        %swap3A_619 = vector.shape_cast %swap3A_618 : vector<1x16xf32> to vector<16xf32>
        %swap3A_620 = vector.shape_cast %mul3A_615 : vector<16xf32> to vector<1x16xf32>
        tpu.vector_store %arg11[%swap3A_616, %swap3A_617], %swap3A_620 {strides = array<i32>} : memref<128x128xf32, #tpu.memory_space<vmem>>, vector<1x16xf32>,
        %get3A_621 = arith.index_cast %add3A_610 : i32 to index
        %get3A_622 = arith.constant 16 : index
        %get3A_623 = tpu.vector_load %arg11[%get3A_621, %get3A_622] {strides = array<i32>} : memref<128x128xf32, #tpu.memory_space<vmem>>, vector<1x16xf32>,
        %get3A_624 = vector.shape_cast %get3A_623 : vector<1x16xf32> to vector<16xf32>
        %mul3A_625 = arith.mulf %get3A_624, %gather3A_606 : vector<16xf32>
        %swap3A_626 = arith.index_cast %add3A_610 : i32 to index
        %swap3A_627 = arith.constant 16 : index
        %swap3A_628 = tpu.vector_load %arg11[%swap3A_626, %swap3A_627] {strides = array<i32>} : memref<128x128xf32, #tpu.memory_space<vmem>>, vector<1x16xf32>,
        %swap3A_629 = vector.shape_cast %swap3A_628 : vector<1x16xf32> to vector<16xf32>
        %swap3A_630 = vector.shape_cast %mul3A_625 : vector<16xf32> to vector<1x16xf32>
        tpu.vector_store %arg11[%swap3A_626, %swap3A_627], %swap3A_630 {strides = array<i32>} : memref<128x128xf32, #tpu.memory_space<vmem>>, vector<1x16xf32>,
        %get3A_631 = arith.index_cast %add3A_610 : i32 to index
        %get3A_632 = arith.constant 32 : index
        %get3A_633 = tpu.vector_load %arg11[%get3A_631, %get3A_632] {strides = array<i32>} : memref<128x128xf32, #tpu.memory_space<vmem>>, vector<1x16xf32>,
        %get3A_634 = vector.shape_cast %get3A_633 : vector<1x16xf32> to vector<16xf32>
        %mul3A_635 = arith.mulf %get3A_634, %gather3A_606 : vector<16xf32>
        %swap3A_636 = arith.index_cast %add3A_610 : i32 to index
        %swap3A_637 = arith.constant 32 : index
        %swap3A_638 = tpu.vector_load %arg11[%swap3A_636, %swap3A_637] {strides = array<i32>} : memref<128x128xf32, #tpu.memory_space<vmem>>, vector<1x16xf32>,
        %swap3A_639 = vector.shape_cast %swap3A_638 : vector<1x16xf32> to vector<16xf32>
        %swap3A_640 = vector.shape_cast %mul3A_635 : vector<16xf32> to vector<1x16xf32>
        tpu.vector_store %arg11[%swap3A_636, %swap3A_637], %swap3A_640 {strides = array<i32>} : memref<128x128xf32, #tpu.memory_space<vmem>>, vector<1x16xf32>,
        %get3A_641 = arith.index_cast %add3A_610 : i32 to index
        %get3A_642 = arith.constant 48 : index
        %get3A_643 = tpu.vector_load %arg11[%get3A_641, %get3A_642] {strides = array<i32>} : memref<128x128xf32, #tpu.memory_space<vmem>>, vector<1x16xf32>,
        %get3A_644 = vector.shape_cast %get3A_643 : vector<1x16xf32> to vector<16xf32>
        %mul3A_645 = arith.mulf %get3A_644, %gather3A_606 : vector<16xf32>
        %swap3A_646 = arith.index_cast %add3A_610 : i32 to index
        %swap3A_647 = arith.constant 48 : index
        %swap3A_648 = tpu.vector_load %arg11[%swap3A_646, %swap3A_647] {strides = array<i32>} : memref<128x128xf32, #tpu.memory_space<vmem>>, vector<1x16xf32>,
        %swap3A_649 = vector.shape_cast %swap3A_648 : vector<1x16xf32> to vector<16xf32>
        %swap3A_650 = vector.shape_cast %mul3A_645 : vector<16xf32> to vector<1x16xf32>
        tpu.vector_store %arg11[%swap3A_646, %swap3A_647], %swap3A_650 {strides = array<i32>} : memref<128x128xf32, #tpu.memory_space<vmem>>, vector<1x16xf32>,
        %broadcast_in_dim3A_651 = arith.constant 13 : i32
        %broadcast_in_dim3A_652 = vector.broadcast %broadcast_in_dim3A_651 : i32 to vector<16x1xi32>
        %gather3A_653 = vector.shape_cast %broadcast_in_dim3A_652 : vector<16x1xi32> to vector<16xi32>
        %gather3A_654 = tpu.dynamic_gather %get3A_29[%gather3A_653] in [0] : vector<16xf32>, vector<16xi32> -> vector<16xf32>
        %mul3A_655 = arith.constant 16 : i32
        %mul3A_656 = arith.muli %scan3A_24, %mul3A_655 : i32
        %add3A_657 = arith.constant 13 : i32
        %add3A_658 = arith.addi %mul3A_656, %add3A_657 : i32
        %get3A_659 = arith.index_cast %add3A_658 : i32 to index
        %get3A_660 = arith.constant 0 : index
        %get3A_661 = tpu.vector_load %arg11[%get3A_659, %get3A_660] {strides = array<i32>} : memref<128x128xf32, #tpu.memory_space<vmem>>, vector<1x16xf32>,
        %get3A_662 = vector.shape_cast %get3A_661 : vector<1x16xf32> to vector<16xf32>
        %mul3A_663 = arith.mulf %get3A_662, %gather3A_654 : vector<16xf32>
        %swap3A_664 = arith.index_cast %add3A_658 : i32 to index
        %swap3A_665 = arith.constant 0 : index
        %swap3A_666 = tpu.vector_load %arg11[%swap3A_664, %swap3A_665] {strides = array<i32>} : memref<128x128xf32, #tpu.memory_space<vmem>>, vector<1x16xf32>,
        %swap3A_667 = vector.shape_cast %swap3A_666 : vector<1x16xf32> to vector<16xf32>
        %swap3A_668 = vector.shape_cast %mul3A_663 : vector<16xf32> to vector<1x16xf32>
        tpu.vector_store %arg11[%swap3A_664, %swap3A_665], %swap3A_668 {strides = array<i32>} : memref<128x128xf32, #tpu.memory_space<vmem>>, vector<1x16xf32>,
        %get3A_669 = arith.index_cast %add3A_658 : i32 to index
        %get3A_670 = arith.constant 16 : index
        %get3A_671 = tpu.vector_load %arg11[%get3A_669, %get3A_670] {strides = array<i32>} : memref<128x128xf32, #tpu.memory_space<vmem>>, vector<1x16xf32>,
        %get3A_672 = vector.shape_cast %get3A_671 : vector<1x16xf32> to vector<16xf32>
        %mul3A_673 = arith.mulf %get3A_672, %gather3A_654 : vector<16xf32>
        %swap3A_674 = arith.index_cast %add3A_658 : i32 to index
        %swap3A_675 = arith.constant 16 : index
        %swap3A_676 = tpu.vector_load %arg11[%swap3A_674, %swap3A_675] {strides = array<i32>} : memref<128x128xf32, #tpu.memory_space<vmem>>, vector<1x16xf32>,
        %swap3A_677 = vector.shape_cast %swap3A_676 : vector<1x16xf32> to vector<16xf32>
        %swap3A_678 = vector.shape_cast %mul3A_673 : vector<16xf32> to vector<1x16xf32>
        tpu.vector_store %arg11[%swap3A_674, %swap3A_675], %swap3A_678 {strides = array<i32>} : memref<128x128xf32, #tpu.memory_space<vmem>>, vector<1x16xf32>,
        %get3A_679 = arith.index_cast %add3A_658 : i32 to index
        %get3A_680 = arith.constant 32 : index
        %get3A_681 = tpu.vector_load %arg11[%get3A_679, %get3A_680] {strides = array<i32>} : memref<128x128xf32, #tpu.memory_space<vmem>>, vector<1x16xf32>,
        %get3A_682 = vector.shape_cast %get3A_681 : vector<1x16xf32> to vector<16xf32>
        %mul3A_683 = arith.mulf %get3A_682, %gather3A_654 : vector<16xf32>
        %swap3A_684 = arith.index_cast %add3A_658 : i32 to index
        %swap3A_685 = arith.constant 32 : index
        %swap3A_686 = tpu.vector_load %arg11[%swap3A_684, %swap3A_685] {strides = array<i32>} : memref<128x128xf32, #tpu.memory_space<vmem>>, vector<1x16xf32>,
        %swap3A_687 = vector.shape_cast %swap3A_686 : vector<1x16xf32> to vector<16xf32>
        %swap3A_688 = vector.shape_cast %mul3A_683 : vector<16xf32> to vector<1x16xf32>
        tpu.vector_store %arg11[%swap3A_684, %swap3A_685], %swap3A_688 {strides = array<i32>} : memref<128x128xf32, #tpu.memory_space<vmem>>, vector<1x16xf32>,
        %get3A_689 = arith.index_cast %add3A_658 : i32 to index
        %get3A_690 = arith.constant 48 : index
        %get3A_691 = tpu.vector_load %arg11[%get3A_689, %get3A_690] {strides = array<i32>} : memref<128x128xf32, #tpu.memory_space<vmem>>, vector<1x16xf32>,
        %get3A_692 = vector.shape_cast %get3A_691 : vector<1x16xf32> to vector<16xf32>
        %mul3A_693 = arith.mulf %get3A_692, %gather3A_654 : vector<16xf32>
        %swap3A_694 = arith.index_cast %add3A_658 : i32 to index
        %swap3A_695 = arith.constant 48 : index
        %swap3A_696 = tpu.vector_load %arg11[%swap3A_694, %swap3A_695] {strides = array<i32>} : memref<128x128xf32, #tpu.memory_space<vmem>>, vector<1x16xf32>,
        %swap3A_697 = vector.shape_cast %swap3A_696 : vector<1x16xf32> to vector<16xf32>
        %swap3A_698 = vector.shape_cast %mul3A_693 : vector<16xf32> to vector<1x16xf32>
        tpu.vector_store %arg11[%swap3A_694, %swap3A_695], %swap3A_698 {strides = array<i32>} : memref<128x128xf32, #tpu.memory_space<vmem>>, vector<1x16xf32>,
        %broadcast_in_dim3A_699 = arith.constant 14 : i32
        %broadcast_in_dim3A_700 = vector.broadcast %broadcast_in_dim3A_699 : i32 to vector<16x1xi32>
        %gather3A_701 = vector.shape_cast %broadcast_in_dim3A_700 : vector<16x1xi32> to vector<16xi32>
        %gather3A_702 = tpu.dynamic_gather %get3A_29[%gather3A_701] in [0] : vector<16xf32>, vector<16xi32> -> vector<16xf32>
        %mul3A_703 = arith.constant 16 : i32
        %mul3A_704 = arith.muli %scan3A_24, %mul3A_703 : i32
        %add3A_705 = arith.constant 14 : i32
        %add3A_706 = arith.addi %mul3A_704, %add3A_705 : i32
        %get3A_707 = arith.index_cast %add3A_706 : i32 to index
        %get3A_708 = arith.constant 0 : index
        %get3A_709 = tpu.vector_load %arg11[%get3A_707, %get3A_708] {strides = array<i32>} : memref<128x128xf32, #tpu.memory_space<vmem>>, vector<1x16xf32>,
        %get3A_710 = vector.shape_cast %get3A_709 : vector<1x16xf32> to vector<16xf32>
        %mul3A_711 = arith.mulf %get3A_710, %gather3A_702 : vector<16xf32>
        %swap3A_712 = arith.index_cast %add3A_706 : i32 to index
        %swap3A_713 = arith.constant 0 : index
        %swap3A_714 = tpu.vector_load %arg11[%swap3A_712, %swap3A_713] {strides = array<i32>} : memref<128x128xf32, #tpu.memory_space<vmem>>, vector<1x16xf32>,
        %swap3A_715 = vector.shape_cast %swap3A_714 : vector<1x16xf32> to vector<16xf32>
        %swap3A_716 = vector.shape_cast %mul3A_711 : vector<16xf32> to vector<1x16xf32>
        tpu.vector_store %arg11[%swap3A_712, %swap3A_713], %swap3A_716 {strides = array<i32>} : memref<128x128xf32, #tpu.memory_space<vmem>>, vector<1x16xf32>,
        %get3A_717 = arith.index_cast %add3A_706 : i32 to index
        %get3A_718 = arith.constant 16 : index
        %get3A_719 = tpu.vector_load %arg11[%get3A_717, %get3A_718] {strides = array<i32>} : memref<128x128xf32, #tpu.memory_space<vmem>>, vector<1x16xf32>,
        %get3A_720 = vector.shape_cast %get3A_719 : vector<1x16xf32> to vector<16xf32>
        %mul3A_721 = arith.mulf %get3A_720, %gather3A_702 : vector<16xf32>
        %swap3A_722 = arith.index_cast %add3A_706 : i32 to index
        %swap3A_723 = arith.constant 16 : index
        %swap3A_724 = tpu.vector_load %arg11[%swap3A_722, %swap3A_723] {strides = array<i32>} : memref<128x128xf32, #tpu.memory_space<vmem>>, vector<1x16xf32>,
        %swap3A_725 = vector.shape_cast %swap3A_724 : vector<1x16xf32> to vector<16xf32>
        %swap3A_726 = vector.shape_cast %mul3A_721 : vector<16xf32> to vector<1x16xf32>
        tpu.vector_store %arg11[%swap3A_722, %swap3A_723], %swap3A_726 {strides = array<i32>} : memref<128x128xf32, #tpu.memory_space<vmem>>, vector<1x16xf32>,
        %get3A_727 = arith.index_cast %add3A_706 : i32 to index
        %get3A_728 = arith.constant 32 : index
        %get3A_729 = tpu.vector_load %arg11[%get3A_727, %get3A_728] {strides = array<i32>} : memref<128x128xf32, #tpu.memory_space<vmem>>, vector<1x16xf32>,
        %get3A_730 = vector.shape_cast %get3A_729 : vector<1x16xf32> to vector<16xf32>
        %mul3A_731 = arith.mulf %get3A_730, %gather3A_702 : vector<16xf32>
        %swap3A_732 = arith.index_cast %add3A_706 : i32 to index
        %swap3A_733 = arith.constant 32 : index
        %swap3A_734 = tpu.vector_load %arg11[%swap3A_732, %swap3A_733] {strides = array<i32>} : memref<128x128xf32, #tpu.memory_space<vmem>>, vector<1x16xf32>,
        %swap3A_735 = vector.shape_cast %swap3A_734 : vector<1x16xf32> to vector<16xf32>
        %swap3A_736 = vector.shape_cast %mul3A_731 : vector<16xf32> to vector<1x16xf32>
        tpu.vector_store %arg11[%swap3A_732, %swap3A_733], %swap3A_736 {strides = array<i32>} : memref<128x128xf32, #tpu.memory_space<vmem>>, vector<1x16xf32>,
        %get3A_737 = arith.index_cast %add3A_706 : i32 to index
        %get3A_738 = arith.constant 48 : index
        %get3A_739 = tpu.vector_load %arg11[%get3A_737, %get3A_738] {strides = array<i32>} : memref<128x128xf32, #tpu.memory_space<vmem>>, vector<1x16xf32>,
        %get3A_740 = vector.shape_cast %get3A_739 : vector<1x16xf32> to vector<16xf32>
        %mul3A_741 = arith.mulf %get3A_740, %gather3A_702 : vector<16xf32>
        %swap3A_742 = arith.index_cast %add3A_706 : i32 to index
        %swap3A_743 = arith.constant 48 : index
        %swap3A_744 = tpu.vector_load %arg11[%swap3A_742, %swap3A_743] {strides = array<i32>} : memref<128x128xf32, #tpu.memory_space<vmem>>, vector<1x16xf32>,
        %swap3A_745 = vector.shape_cast %swap3A_744 : vector<1x16xf32> to vector<16xf32>
        %swap3A_746 = vector.shape_cast %mul3A_741 : vector<16xf32> to vector<1x16xf32>
        tpu.vector_store %arg11[%swap3A_742, %swap3A_743], %swap3A_746 {strides = array<i32>} : memref<128x128xf32, #tpu.memory_space<vmem>>, vector<1x16xf32>,
        %broadcast_in_dim3A_747 = arith.constant 15 : i32
        %broadcast_in_dim3A_748 = vector.broadcast %broadcast_in_dim3A_747 : i32 to vector<16x1xi32>
        %gather3A_749 = vector.shape_cast %broadcast_in_dim3A_748 : vector<16x1xi32> to vector<16xi32>
        %gather3A_750 = tpu.dynamic_gather %get3A_29[%gather3A_749] in [0] : vector<16xf32>, vector<16xi32> -> vector<16xf32>
        %mul3A_751 = arith.constant 16 : i32
        %mul3A_752 = arith.muli %scan3A_24, %mul3A_751 : i32
        %add3A_753 = arith.constant 15 : i32
        %add3A_754 = arith.addi %mul3A_752, %add3A_753 : i32
        %get3A_755 = arith.index_cast %add3A_754 : i32 to index
        %get3A_756 = arith.constant 0 : index
        %get3A_757 = tpu.vector_load %arg11[%get3A_755, %get3A_756] {strides = array<i32>} : memref<128x128xf32, #tpu.memory_space<vmem>>, vector<1x16xf32>,
        %get3A_758 = vector.shape_cast %get3A_757 : vector<1x16xf32> to vector<16xf32>
        %mul3A_759 = arith.mulf %get3A_758, %gather3A_750 : vector<16xf32>
        %swap3A_760 = arith.index_cast %add3A_754 : i32 to index
        %swap3A_761 = arith.constant 0 : index
        %swap3A_762 = tpu.vector_load %arg11[%swap3A_760, %swap3A_761] {strides = array<i32>} : memref<128x128xf32, #tpu.memory_space<vmem>>, vector<1x16xf32>,
        %swap3A_763 = vector.shape_cast %swap3A_762 : vector<1x16xf32> to vector<16xf32>
        %swap3A_764 = vector.shape_cast %mul3A_759 : vector<16xf32> to vector<1x16xf32>
        tpu.vector_store %arg11[%swap3A_760, %swap3A_761], %swap3A_764 {strides = array<i32>} : memref<128x128xf32, #tpu.memory_space<vmem>>, vector<1x16xf32>,
        %get3A_765 = arith.index_cast %add3A_754 : i32 to index
        %get3A_766 = arith.constant 16 : index
        %get3A_767 = tpu.vector_load %arg11[%get3A_765, %get3A_766] {strides = array<i32>} : memref<128x128xf32, #tpu.memory_space<vmem>>, vector<1x16xf32>,
        %get3A_768 = vector.shape_cast %get3A_767 : vector<1x16xf32> to vector<16xf32>
        %mul3A_769 = arith.mulf %get3A_768, %gather3A_750 : vector<16xf32>
        %swap3A_770 = arith.index_cast %add3A_754 : i32 to index
        %swap3A_771 = arith.constant 16 : index
        %swap3A_772 = tpu.vector_load %arg11[%swap3A_770, %swap3A_771] {strides = array<i32>} : memref<128x128xf32, #tpu.memory_space<vmem>>, vector<1x16xf32>,
        %swap3A_773 = vector.shape_cast %swap3A_772 : vector<1x16xf32> to vector<16xf32>
        %swap3A_774 = vector.shape_cast %mul3A_769 : vector<16xf32> to vector<1x16xf32>
        tpu.vector_store %arg11[%swap3A_770, %swap3A_771], %swap3A_774 {strides = array<i32>} : memref<128x128xf32, #tpu.memory_space<vmem>>, vector<1x16xf32>,
        %get3A_775 = arith.index_cast %add3A_754 : i32 to index
        %get3A_776 = arith.constant 32 : index
        %get3A_777 = tpu.vector_load %arg11[%get3A_775, %get3A_776] {strides = array<i32>} : memref<128x128xf32, #tpu.memory_space<vmem>>, vector<1x16xf32>,
        %get3A_778 = vector.shape_cast %get3A_777 : vector<1x16xf32> to vector<16xf32>
        %mul3A_779 = arith.mulf %get3A_778, %gather3A_750 : vector<16xf32>
        %swap3A_780 = arith.index_cast %add3A_754 : i32 to index
        %swap3A_781 = arith.constant 32 : index
        %swap3A_782 = tpu.vector_load %arg11[%swap3A_780, %swap3A_781] {strides = array<i32>} : memref<128x128xf32, #tpu.memory_space<vmem>>, vector<1x16xf32>,
        %swap3A_783 = vector.shape_cast %swap3A_782 : vector<1x16xf32> to vector<16xf32>
        %swap3A_784 = vector.shape_cast %mul3A_779 : vector<16xf32> to vector<1x16xf32>
        tpu.vector_store %arg11[%swap3A_780, %swap3A_781], %swap3A_784 {strides = array<i32>} : memref<128x128xf32, #tpu.memory_space<vmem>>, vector<1x16xf32>,
        %get3A_785 = arith.index_cast %add3A_754 : i32 to index
        %get3A_786 = arith.constant 48 : index
        %get3A_787 = tpu.vector_load %arg11[%get3A_785, %get3A_786] {strides = array<i32>} : memref<128x128xf32, #tpu.memory_space<vmem>>, vector<1x16xf32>,
        %get3A_788 = vector.shape_cast %get3A_787 : vector<1x16xf32> to vector<16xf32>
        %mul3A_789 = arith.mulf %get3A_788, %gather3A_750 : vector<16xf32>
        %swap3A_790 = arith.index_cast %add3A_754 : i32 to index
        %swap3A_791 = arith.constant 48 : index
        %swap3A_792 = tpu.vector_load %arg11[%swap3A_790, %swap3A_791] {strides = array<i32>} : memref<128x128xf32, #tpu.memory_space<vmem>>, vector<1x16xf32>,
        %swap3A_793 = vector.shape_cast %swap3A_792 : vector<1x16xf32> to vector<16xf32>
        %swap3A_794 = vector.shape_cast %mul3A_789 : vector<16xf32> to vector<1x16xf32>
        tpu.vector_store %arg11[%swap3A_790, %swap3A_791], %swap3A_794 {strides = array<i32>} : memref<128x128xf32, #tpu.memory_space<vmem>>, vector<1x16xf32>,
        %scan3A_795 = arith.constant 0 : i32
        scf.yield %scan3A_795 : i32
      }
      %scan3A_22 = arith.constant 8 : i32
      "tpu.region"() ({
        %run_scoped3A = tpu.sem_alloc : memref<!tpu.dma_semaphore, #tpu.memory_space<semaphore_mem>>
        %dma_start3A_24 = arith.constant 0 : i32
        %dma_start3A_25 = arith.constant 0 : i32
        %dma_start3A_26 = tpu.memref_slice %arg7[%dma_start3A_24, %dma_start3A_25] : memref<10240x128xf32, #tpu.memory_space<vmem_shared>> -> memref<10240x128xf32, #tpu.memory_space<vmem_shared>>
        tpu.enqueue_indirect_dma source(%arg11 : memref<128x128xf32, #tpu.memory_space<vmem>>) target(%dma_start3A_26 : memref<10240x128xf32, #tpu.memory_space<vmem_shared>>) offsets(%arg9 : memref<128xi32, #tpu.memory_space<vmem>>) semaphore(%run_scoped3A : memref<!tpu.dma_semaphore, #tpu.memory_space<semaphore_mem>>) {add = true}
        %dma_wait3A_27 = arith.constant 0 : i32
        %dma_wait3A_28 = arith.constant 0 : i32
        %dma_wait3A_29 = tpu.memref_slice %arg7[%dma_wait3A_27, %dma_wait3A_28] : memref<10240x128xf32, #tpu.memory_space<vmem_shared>> -> memref<10240x128xf32, #tpu.memory_space<vmem_shared>>
        tpu.wait_indirect_dma semaphore(%run_scoped3A : memref<!tpu.dma_semaphore, #tpu.memory_space<semaphore_mem>>) src(%arg11 : memref<128x128xf32, #tpu.memory_space<vmem>>) dst(%dma_wait3A_29 : memref<10240x128xf32, #tpu.memory_space<vmem_shared>>)
        tpu.yield
      }) : () -> ()
      %scan3A_23 = arith.constant 0 : i32
      scf.yield %scan3A_23 : i32
    }
    %scan3A_8 = arith.constant 80 : i32
    %barrier3A_9 = arith.constant 0 : index
    tpu.barrier barrier_id(%barrier3A_9)
    "tpu.region"() ({
      %run_scoped3A = tpu.sem_alloc : memref<!tpu.dma_semaphore, #tpu.memory_space<semaphore_mem>>
      %dma_start3A = arith.constant 0 : i32
      %dma_start3A_10 = tpu.memref_slice %arg6[%arg0, %mul3A_2, %dma_start3A] : memref<2x10240x128xf32, #tpu.memory_space<hbm>> -> memref<1x640x128xf32, #tpu.memory_space<hbm>>
      %dma_start3A_11 = tpu.memref_squeeze %dma_start3A_10 : memref<1x640x128xf32, #tpu.memory_space<hbm>> -> memref<640x128xf32, #tpu.memory_space<hbm>>
      %dma_start3A_12 = arith.constant 0 : i32
      %dma_start3A_13 = tpu.memref_slice %arg7[%mul3A_2, %dma_start3A_12] : memref<10240x128xf32, #tpu.memory_space<vmem_shared>> -> memref<640x128xf32, #tpu.memory_space<vmem_shared>>
      tpu.enqueue_dma source(%dma_start3A_13 : memref<640x128xf32, #tpu.memory_space<vmem_shared>>) target(%dma_start3A_11 : memref<640x128xf32, #tpu.memory_space<hbm>>) target_semaphore(%run_scoped3A : memref<!tpu.dma_semaphore, #tpu.memory_space<semaphore_mem>>)
      %dma_wait3A = arith.constant 0 : i32
      %dma_wait3A_14 = tpu.memref_slice %arg6[%arg0, %mul3A_2, %dma_wait3A] : memref<2x10240x128xf32, #tpu.memory_space<hbm>> -> memref<1x640x128xf32, #tpu.memory_space<hbm>>
      %dma_wait3A_15 = tpu.memref_squeeze %dma_wait3A_14 : memref<1x640x128xf32, #tpu.memory_space<hbm>> -> memref<640x128xf32, #tpu.memory_space<hbm>>
      %dma_wait3A_16 = arith.constant 0 : i32
      %dma_wait3A_17 = tpu.memref_slice %arg7[%mul3A_2, %dma_wait3A_16] : memref<10240x128xf32, #tpu.memory_space<vmem_shared>> -> memref<640x128xf32, #tpu.memory_space<vmem_shared>>
      tpu.wait_dma2 semaphore(%run_scoped3A : memref<!tpu.dma_semaphore, #tpu.memory_space<semaphore_mem>>) src(%dma_wait3A_17 : memref<640x128xf32, #tpu.memory_space<vmem_shared>>) dst(%dma_wait3A_15 : memref<640x128xf32, #tpu.memory_space<hbm>>)
      tpu.yield
    }) : () -> ()
    return
  }
}

module attributes {stable_mosaic.version = 14 : i64} {
  func.func @_pre_body(%arg0: i32, %arg1: memref<1024x128xf32, #tpu.memory_space<vmem>>, %arg2: memref<64x128xf32, #tpu.memory_space<vmem>>, %arg3: memref<1024x1xf32, #tpu.memory_space<vmem>>, %arg4: memref<1024x1xf32, #tpu.memory_space<vmem>>, %arg5: memref<1024x128xf32, #tpu.memory_space<vmem>>, %arg6: memref<1024x1xf32, #tpu.memory_space<vmem>>) attributes {dimension_semantics = [#tpu.dimension_semantics<arbitrary>], iteration_bounds = array<i64: 10>, scalar_prefetch = 0 : i64, scratch_operands = 0 : i64, tpu.core_type = #tpu.core_type<tc>, window_params = [{transform_indices = @transform_0, window_bounds = array<i64: 1024, 128>}, {pipeline_mode = #tpu.pipeline_mode<synchronous>, transform_indices = @transform_1, window_bounds = array<i64: 64, 128>}, {transform_indices = @transform_2, window_bounds = array<i64: 1024, 1>}, {transform_indices = @transform_3, window_bounds = array<i64: 1024, 1>}, {transform_indices = @transform_4, window_bounds = array<i64: 1024, 128>}, {transform_indices = @transform_5, window_bounds = array<i64: 1024, 1>}]} {
    %get3A = arith.constant 0 : index
    %get3A_0 = arith.constant 0 : index
    %get3A_1 = vector.load %arg1[%get3A, %get3A_0] : memref<1024x128xf32, #tpu.memory_space<vmem>>, vector<1024x128xf32>
    %mul3A = arith.mulf %get3A_1, %get3A_1 : vector<1024x128xf32>
    %reduce_sum3A = arith.constant dense<0.000000e+00> : vector<1024xf32>
    %reduce_sum3A_2 = vector.multi_reduction <add>, %mul3A, %reduce_sum3A [1] : vector<1024x128xf32> to vector<1024xf32>
    %broadcast_in_dim3A = vector.shape_cast %reduce_sum3A_2 : vector<1024xf32> to vector<1024x1xf32>
    %sqrt3A = math.sqrt %broadcast_in_dim3A : vector<1024x1xf32>
    %max3A = arith.constant 9.99999996E-13 : f32
    %max3A_3 = vector.broadcast %max3A : f32 to vector<1024x1xf32>
    %max3A_4 = arith.maximumf %sqrt3A, %max3A_3 : vector<1024x1xf32>
    %div3A = vector.broadcast %max3A_4 : vector<1024x1xf32> to vector<1024x128xf32>
    %div3A_5 = arith.divf %get3A_1, %div3A : vector<1024x128xf32>
    %get3A_6 = arith.constant 0 : index
    %get3A_7 = arith.constant 0 : index
    %get3A_8 = vector.load %arg2[%get3A_6, %get3A_7] : memref<64x128xf32, #tpu.memory_space<vmem>>, vector<64x128xf32>
    %dot_general3A = arith.constant dense<0.000000e+00> : vector<1024x64xf32>
    %dot_general3A_9 = tpu.matmul %div3A_5, %get3A_8, %dot_general3A {dimension_numbers = #tpu.dot_dimension_numbers<[1], [1], [0], [0], [0, 0, 1, 0], [], []>, transpose_lhs_hint = false} : vector<1024x128xf32>, vector<64x128xf32>, vector<1024x64xf32> -> vector<1024x64xf32>
    %get3A_10 = arith.constant 0 : index
    %get3A_11 = arith.constant 0 : index
    %get3A_12 = vector.load %arg3[%get3A_10, %get3A_11] : memref<1024x1xf32, #tpu.memory_space<vmem>>, vector<1024x1xf32>
    %get3A_13 = arith.constant 0 : index
    %get3A_14 = arith.constant 0 : index
    %get3A_15 = vector.load %arg4[%get3A_13, %get3A_14] : memref<1024x1xf32, #tpu.memory_space<vmem>>, vector<1024x1xf32>
    %add3A = arith.addf %get3A_12, %get3A_15 : vector<1024x1xf32>
    %add3A_16 = arith.constant 1.000000e+00 : f32
    %add3A_17 = vector.broadcast %add3A_16 : f32 to vector<1024x1xf32>
    %add3A_18 = arith.addf %add3A, %add3A_17 : vector<1024x1xf32>
    %gt3A = arith.constant 0.000000e+00 : f32
    %gt3A_19 = vector.broadcast %gt3A : f32 to vector<1024x1xf32>
    %gt3A_20 = arith.cmpf ogt, %add3A_18, %gt3A_19 : vector<1024x1xf32>
    %max3A_21 = arith.constant 9.99999996E-13 : f32
    %max3A_22 = vector.broadcast %max3A_21 : f32 to vector<1024x1xf32>
    %max3A_23 = arith.maximumf %add3A_18, %max3A_22 : vector<1024x1xf32>
    %rsqrt3A = math.rsqrt %max3A_23 : vector<1024x1xf32>
    %jit3A = arith.constant 0.000000e+00 : f32
    %broadcast_in_dim3A_24 = vector.broadcast %jit3A : f32 to vector<1024x1xf32>
    %select_n3A = arith.select %gt3A_20, %rsqrt3A, %broadcast_in_dim3A_24 : vector<1024x1xi1>, vector<1024x1xf32>
    %mul3A_25 = vector.broadcast %select_n3A : vector<1024x1xf32> to vector<1024x64xf32>
    %mul3A_26 = arith.mulf %dot_general3A_9, %mul3A_25 : vector<1024x64xf32>
    %broadcast_in_dim3A_27 = arith.constant 0.000000e+00 : f32
    %broadcast_in_dim3A_28 = vector.broadcast %broadcast_in_dim3A_27 : f32 to vector<1024x64xf32>
    %concatenate3A = tpu.concatenate %mul3A_26, %broadcast_in_dim3A_28 in 1 : vector<1024x64xf32>, vector<1024x64xf32> -> vector<1024x128xf32>
    %swap3A = arith.constant 0 : index
    %swap3A_29 = arith.constant 0 : index
    %swap3A_30 = vector.load %arg5[%swap3A, %swap3A_29] : memref<1024x128xf32, #tpu.memory_space<vmem>>, vector<1024x128xf32>
    tpu.vector_store %arg5[%swap3A, %swap3A_29], %concatenate3A {strides = array<i32>} : memref<1024x128xf32, #tpu.memory_space<vmem>>, vector<1024x128xf32>,
    %swap3A_31 = arith.constant 0 : index
    %swap3A_32 = arith.constant 0 : index
    %swap3A_33 = vector.load %arg6[%swap3A_31, %swap3A_32] : memref<1024x1xf32, #tpu.memory_space<vmem>>, vector<1024x1xf32>
    tpu.vector_store %arg6[%swap3A_31, %swap3A_32], %select_n3A {strides = array<i32>} : memref<1024x1xf32, #tpu.memory_space<vmem>>, vector<1024x1xf32>,
    return
  }
  func.func @transform_0(%arg0: i32) -> (i32, i32) {
    %c0_i32 = arith.constant 0 : i32
    %c0_i32_0 = arith.constant 0 : i32
    return %arg0, %c0_i32 : i32, i32
  }
  func.func @transform_1(%arg0: i32) -> (i32, i32) {
    %c0_i32 = arith.constant 0 : i32
    %c0_i32_0 = arith.constant 0 : i32
    %c0_i32_1 = arith.constant 0 : i32
    return %c0_i32, %c0_i32_0 : i32, i32
  }
  func.func @transform_2(%arg0: i32) -> (i32, i32) {
    %c0_i32 = arith.constant 0 : i32
    %c0_i32_0 = arith.constant 0 : i32
    return %arg0, %c0_i32 : i32, i32
  }
  func.func @transform_3(%arg0: i32) -> (i32, i32) {
    %c0_i32 = arith.constant 0 : i32
    %c0_i32_0 = arith.constant 0 : i32
    return %arg0, %c0_i32 : i32, i32
  }
  func.func @transform_4(%arg0: i32) -> (i32, i32) {
    %c0_i32 = arith.constant 0 : i32
    %c0_i32_0 = arith.constant 0 : i32
    return %arg0, %c0_i32 : i32, i32
  }
  func.func @transform_5(%arg0: i32) -> (i32, i32) {
    %c0_i32 = arith.constant 0 : i32
    %c0_i32_0 = arith.constant 0 : i32
    return %arg0, %c0_i32 : i32, i32
  }
}

module attributes {stable_mosaic.version = 14 : i64} {
  func.func @_mid_body(%arg0: i32, %arg1: memref<1024x128xf32, #tpu.memory_space<vmem>>, %arg2: memref<1024x128xf32, #tpu.memory_space<vmem>>, %arg3: memref<1024x128xf32, #tpu.memory_space<vmem>>, %arg4: memref<1024x1xf32, #tpu.memory_space<vmem>>, %arg5: memref<1024x128xf32, #tpu.memory_space<vmem>>) attributes {dimension_semantics = [#tpu.dimension_semantics<arbitrary>], iteration_bounds = array<i64: 10>, scalar_prefetch = 0 : i64, scratch_operands = 0 : i64, tpu.core_type = #tpu.core_type<tc>, window_params = [{transform_indices = @transform_0, window_bounds = array<i64: 1024, 128>}, {transform_indices = @transform_1, window_bounds = array<i64: 1024, 128>}, {transform_indices = @transform_2, window_bounds = array<i64: 1024, 128>}, {transform_indices = @transform_3, window_bounds = array<i64: 1024, 1>}, {transform_indices = @transform_4, window_bounds = array<i64: 1024, 128>}]} {
    %get3A = arith.constant 0 : index
    %get3A_0 = arith.constant 0 : index
    %get3A_1 = vector.load %arg4[%get3A, %get3A_0] : memref<1024x1xf32, #tpu.memory_space<vmem>>, vector<1024x1xf32>
    %get3A_2 = arith.constant 0 : index
    %get3A_3 = arith.constant 0 : index
    %get3A_4 = vector.load %arg1[%get3A_2, %get3A_3] : memref<1024x128xf32, #tpu.memory_space<vmem>>, vector<1024x128xf32>
    %get3A_5 = arith.constant 0 : index
    %get3A_6 = arith.constant 0 : index
    %get3A_7 = vector.load %arg2[%get3A_5, %get3A_6] : memref<1024x128xf32, #tpu.memory_space<vmem>>, vector<1024x128xf32>
    %add3A = arith.addf %get3A_4, %get3A_7 : vector<1024x128xf32>
    %get3A_8 = arith.constant 0 : index
    %get3A_9 = arith.constant 0 : index
    %get3A_10 = vector.load %arg3[%get3A_8, %get3A_9] : memref<1024x128xf32, #tpu.memory_space<vmem>>, vector<1024x128xf32>
    %sub3A = arith.subf %add3A, %get3A_10 : vector<1024x128xf32>
    %mul3A = arith.mulf %get3A_1, %get3A_1 : vector<1024x1xf32>
    %mul3A_11 = vector.broadcast %mul3A : vector<1024x1xf32> to vector<1024x128xf32>
    %mul3A_12 = arith.mulf %sub3A, %mul3A_11 : vector<1024x128xf32>
    %swap3A = arith.constant 0 : index
    %swap3A_13 = arith.constant 0 : index
    %swap3A_14 = vector.load %arg5[%swap3A, %swap3A_13] : memref<1024x128xf32, #tpu.memory_space<vmem>>, vector<1024x128xf32>
    tpu.vector_store %arg5[%swap3A, %swap3A_13], %mul3A_12 {strides = array<i32>} : memref<1024x128xf32, #tpu.memory_space<vmem>>, vector<1024x128xf32>,
    return
  }
  func.func @transform_0(%arg0: i32) -> (i32, i32) {
    %c0_i32 = arith.constant 0 : i32
    %c0_i32_0 = arith.constant 0 : i32
    return %arg0, %c0_i32 : i32, i32
  }
  func.func @transform_1(%arg0: i32) -> (i32, i32) {
    %c0_i32 = arith.constant 0 : i32
    %c0_i32_0 = arith.constant 0 : i32
    return %arg0, %c0_i32 : i32, i32
  }
  func.func @transform_2(%arg0: i32) -> (i32, i32) {
    %c0_i32 = arith.constant 0 : i32
    %c0_i32_0 = arith.constant 0 : i32
    return %arg0, %c0_i32 : i32, i32
  }
  func.func @transform_3(%arg0: i32) -> (i32, i32) {
    %c0_i32 = arith.constant 0 : i32
    %c0_i32_0 = arith.constant 0 : i32
    return %arg0, %c0_i32 : i32, i32
  }
  func.func @transform_4(%arg0: i32) -> (i32, i32) {
    %c0_i32 = arith.constant 0 : i32
    %c0_i32_0 = arith.constant 0 : i32
    return %arg0, %c0_i32 : i32, i32
  }
}

module attributes {stable_mosaic.version = 14 : i64} {
  func.func @_post_body(%arg0: i32, %arg1: memref<1000x128xf32, #tpu.memory_space<vmem>>, %arg2: memref<1000x128xf32, #tpu.memory_space<vmem>>, %arg3: memref<1000x128xf32, #tpu.memory_space<vmem>>, %arg4: memref<1000x1xf32, #tpu.memory_space<vmem>>, %arg5: memref<10x1000x64xf32, #tpu.memory_space<vmem>>, %arg6: memref<1x64xf32, #tpu.memory_space<vmem>>, %arg7: memref<1x1xf32, #tpu.memory_space<vmem>>, %arg8: memref<1x1xf32, #tpu.memory_space<vmem>>, %arg9: memref<1x10xf32, #tpu.memory_space<vmem>>, %arg10: memref<1x10xf32, #tpu.memory_space<vmem>>) attributes {dimension_semantics = [#tpu.dimension_semantics<arbitrary>], iteration_bounds = array<i64: 10>, scalar_prefetch = 0 : i64, scratch_operands = 0 : i64, tpu.core_type = #tpu.core_type<tc>, window_params = [{transform_indices = @transform_0, window_bounds = array<i64: 1000, 128>}, {transform_indices = @transform_1, window_bounds = array<i64: 1000, 128>}, {transform_indices = @transform_2, window_bounds = array<i64: 1000, 128>}, {transform_indices = @transform_3, window_bounds = array<i64: 1000, 1>}, {transform_indices = @transform_4, window_bounds = array<i64: 10, 1000, 64>}, {pipeline_mode = #tpu.pipeline_mode<synchronous>, transform_indices = @transform_5, window_bounds = array<i64: 1, 64>}, {pipeline_mode = #tpu.pipeline_mode<synchronous>, transform_indices = @transform_6, window_bounds = array<i64: 1, 1>}, {pipeline_mode = #tpu.pipeline_mode<synchronous>, transform_indices = @transform_7, window_bounds = array<i64: 1, 1>}, {pipeline_mode = #tpu.pipeline_mode<synchronous>, transform_indices = @transform_8, window_bounds = array<i64: 1, 10>}, {pipeline_mode = #tpu.pipeline_mode<synchronous>, transform_indices = @transform_9, window_bounds = array<i64: 1, 10>}]} {
    %get3A = arith.constant 0 : index
    %get3A_0 = arith.constant 0 : index
    %get3A_1 = vector.load %arg1[%get3A, %get3A_0] : memref<1000x128xf32, #tpu.memory_space<vmem>>, vector<1000x128xf32>
    %get3A_2 = arith.constant 0 : index
    %get3A_3 = arith.constant 0 : index
    %get3A_4 = vector.load %arg2[%get3A_2, %get3A_3] : memref<1000x128xf32, #tpu.memory_space<vmem>>, vector<1000x128xf32>
    %add3A = arith.addf %get3A_1, %get3A_4 : vector<1000x128xf32>
    %get3A_5 = arith.constant 0 : index
    %get3A_6 = arith.constant 0 : index
    %get3A_7 = vector.load %arg3[%get3A_5, %get3A_6] : memref<1000x128xf32, #tpu.memory_space<vmem>>, vector<1000x128xf32>
    %sub3A = arith.subf %add3A, %get3A_7 : vector<1000x128xf32>
    %slice3A = vector.extract_strided_slice %sub3A {offsets = [0, 0], sizes = [1000, 64], strides = [1, 1]} : vector<1000x128xf32> to vector<1000x64xf32>
    %get3A_8 = arith.constant 0 : index
    %get3A_9 = arith.constant 0 : index
    %get3A_10 = vector.load %arg4[%get3A_8, %get3A_9] : memref<1000x1xf32, #tpu.memory_space<vmem>>, vector<1000x1xf32>
    %mul3A = vector.broadcast %get3A_10 : vector<1000x1xf32> to vector<1000x64xf32>
    %mul3A_11 = arith.mulf %slice3A, %mul3A : vector<1000x64xf32>
    %get3A_12 = arith.constant 0 : index
    %get3A_13 = arith.constant 0 : index
    %get3A_14 = vector.load %arg6[%get3A_12, %get3A_13] : memref<1x64xf32, #tpu.memory_space<vmem>>, vector<1x64xf32>
    %add3A_15 = vector.broadcast %get3A_14 : vector<1x64xf32> to vector<1000x64xf32>
    %add3A_16 = arith.addf %mul3A_11, %add3A_15 : vector<1000x64xf32>
    %gt3A = arith.constant 0.000000e+00 : f32
    %gt3A_17 = vector.broadcast %gt3A : f32 to vector<1000x64xf32>
    %gt3A_18 = arith.cmpf ogt, %add3A_16, %gt3A_17 : vector<1000x64xf32>
    %min3A = arith.constant 0.000000e+00 : f32
    %min3A_19 = vector.broadcast %min3A : f32 to vector<1000x64xf32>
    %min3A_20 = arith.minimumf %add3A_16, %min3A_19 : vector<1000x64xf32>
    %exp3A = math.exp %min3A_20 : vector<1000x64xf32>
    %sub3A_21 = arith.constant 1.000000e+00 : f32
    %sub3A_22 = vector.broadcast %sub3A_21 : f32 to vector<1000x64xf32>
    %sub3A_23 = arith.subf %exp3A, %sub3A_22 : vector<1000x64xf32>
    %select_n3A = arith.select %gt3A_18, %add3A_16, %sub3A_23 : vector<1000x64xi1>, vector<1000x64xf32>
    %get3A_24 = arith.constant 0 : index
    %get3A_25 = arith.constant 0 : index
    %get3A_26 = vector.load %arg7[%get3A_24, %get3A_25] : memref<1x1xf32, #tpu.memory_space<vmem>>, vector<1x1xf32>
    %get3A_27 = vector.extract %get3A_26[0, 0] : f32 from vector<1x1xf32>
    %rsqrt3A = arith.constant 1.000010e+00 : f32
    %rsqrt3A_28 = math.rsqrt %rsqrt3A : f32
    %mul3A_29 = arith.mulf %get3A_27, %rsqrt3A_28 : f32
    %mul3A_30 = vector.broadcast %mul3A_29 : f32 to vector<1000x64xf32>
    %mul3A_31 = arith.mulf %select_n3A, %mul3A_30 : vector<1000x64xf32>
    %get3A_32 = arith.constant 0 : index
    %get3A_33 = arith.constant 0 : index
    %get3A_34 = vector.load %arg8[%get3A_32, %get3A_33] : memref<1x1xf32, #tpu.memory_space<vmem>>, vector<1x1xf32>
    %get3A_35 = vector.extract %get3A_34[0, 0] : f32 from vector<1x1xf32>
    %add3A_36 = vector.broadcast %get3A_35 : f32 to vector<1000x64xf32>
    %add3A_37 = arith.addf %mul3A_31, %add3A_36 : vector<1000x64xf32>
    %get3A_38 = arith.constant 0 : index
    %get3A_39 = arith.constant 0 : index
    %get3A_40 = arith.constant 0 : index
    %get3A_41 = vector.load %arg5[%get3A_38, %get3A_39, %get3A_40] : memref<10x1000x64xf32, #tpu.memory_space<vmem>>, vector<10x1000x64xf32>
    %broadcast_in_dim3A = vector.shape_cast %add3A_37 : vector<1000x64xf32> to vector<1x1000x64xf32>
    %mul3A_42 = vector.broadcast %broadcast_in_dim3A : vector<1x1000x64xf32> to vector<10x1000x64xf32>
    %mul3A_43 = arith.mulf %get3A_41, %mul3A_42 : vector<10x1000x64xf32>
    %reduce_sum3A = arith.constant dense<0.000000e+00> : vector<10xf32>
    %reduce_sum3A_44 = vector.multi_reduction <add>, %mul3A_43, %reduce_sum3A [1, 2] : vector<10x1000x64xf32> to vector<10xf32>
    %eq3A = arith.constant 0 : i32
    %eq3A_45 = arith.cmpi eq, %arg0, %eq3A : i32
    %convert_element_type3A = arith.extui %eq3A_45 : i1 to i32
    %cond3A = arith.constant 0 : i32
    %cond3A_46 = arith.cmpi ne, %convert_element_type3A, %cond3A : i32
    scf.if %cond3A_46 {
      %get3A_54 = arith.constant 0 : index
      %get3A_55 = arith.constant 0 : index
      %get3A_56 = vector.load %arg9[%get3A_54, %get3A_55] : memref<1x10xf32, #tpu.memory_space<vmem>>, vector<1x10xf32>
      %swap3A_57 = arith.constant 0 : index
      %swap3A_58 = arith.constant 0 : index
      %swap3A_59 = vector.load %arg10[%swap3A_57, %swap3A_58] : memref<1x10xf32, #tpu.memory_space<vmem>>, vector<1x10xf32>
      tpu.vector_store %arg10[%swap3A_57, %swap3A_58], %get3A_56 {strides = array<i32>} : memref<1x10xf32, #tpu.memory_space<vmem>>, vector<1x10xf32>,
    } else {
    }
    %get3A_47 = arith.constant 0 : index
    %get3A_48 = arith.constant 0 : index
    %get3A_49 = vector.load %arg10[%get3A_47, %get3A_48] : memref<1x10xf32, #tpu.memory_space<vmem>>, vector<1x10xf32>
    %broadcast_in_dim3A_50 = vector.shape_cast %reduce_sum3A_44 : vector<10xf32> to vector<1x10xf32>
    %add3A_51 = arith.addf %get3A_49, %broadcast_in_dim3A_50 : vector<1x10xf32>
    %swap3A = arith.constant 0 : index
    %swap3A_52 = arith.constant 0 : index
    %swap3A_53 = vector.load %arg10[%swap3A, %swap3A_52] : memref<1x10xf32, #tpu.memory_space<vmem>>, vector<1x10xf32>
    tpu.vector_store %arg10[%swap3A, %swap3A_52], %add3A_51 {strides = array<i32>} : memref<1x10xf32, #tpu.memory_space<vmem>>, vector<1x10xf32>,
    return
  }
  func.func @transform_0(%arg0: i32) -> (i32, i32) {
    %c0_i32 = arith.constant 0 : i32
    %c0_i32_0 = arith.constant 0 : i32
    return %arg0, %c0_i32 : i32, i32
  }
  func.func @transform_1(%arg0: i32) -> (i32, i32) {
    %c0_i32 = arith.constant 0 : i32
    %c0_i32_0 = arith.constant 0 : i32
    return %arg0, %c0_i32 : i32, i32
  }
  func.func @transform_2(%arg0: i32) -> (i32, i32) {
    %c0_i32 = arith.constant 0 : i32
    %c0_i32_0 = arith.constant 0 : i32
    return %arg0, %c0_i32 : i32, i32
  }
  func.func @transform_3(%arg0: i32) -> (i32, i32) {
    %c0_i32 = arith.constant 0 : i32
    %c0_i32_0 = arith.constant 0 : i32
    return %arg0, %c0_i32 : i32, i32
  }
  func.func @transform_4(%arg0: i32) -> (i32, i32, i32) {
    %c0_i32 = arith.constant 0 : i32
    %c0_i32_0 = arith.constant 0 : i32
    %c0_i32_1 = arith.constant 0 : i32
    return %c0_i32, %arg0, %c0_i32_0 : i32, i32, i32
  }
  func.func @transform_5(%arg0: i32) -> (i32, i32) {
    %c0_i32 = arith.constant 0 : i32
    %c0_i32_0 = arith.constant 0 : i32
    %c0_i32_1 = arith.constant 0 : i32
    return %c0_i32, %c0_i32_0 : i32, i32
  }
  func.func @transform_6(%arg0: i32) -> (i32, i32) {
    %c0_i32 = arith.constant 0 : i32
    %c0_i32_0 = arith.constant 0 : i32
    %c0_i32_1 = arith.constant 0 : i32
    return %c0_i32, %c0_i32_0 : i32, i32
  }
  func.func @transform_7(%arg0: i32) -> (i32, i32) {
    %c0_i32 = arith.constant 0 : i32
    %c0_i32_0 = arith.constant 0 : i32
    %c0_i32_1 = arith.constant 0 : i32
    return %c0_i32, %c0_i32_0 : i32, i32
  }
  func.func @transform_8(%arg0: i32) -> (i32, i32) {
    %c0_i32 = arith.constant 0 : i32
    %c0_i32_0 = arith.constant 0 : i32
    %c0_i32_1 = arith.constant 0 : i32
    return %c0_i32, %c0_i32_0 : i32, i32
  }
  func.func @transform_9(%arg0: i32) -> (i32, i32) {
    %c0_i32 = arith.constant 0 : i32
    %c0_i32_0 = arith.constant 0 : i32
    %c0_i32_1 = arith.constant 0 : i32
    return %c0_i32, %c0_i32_0 : i32, i32
  }
}

</mosaic_0001>

<sc_bundles>
// kernel: kernel.11.cloned.1.call-start
scs
__scs_entry_jumppad:
0x0: {  	(pc) =	sbr.rel $0x88, $3  }
0x1: {  	(tag) =	ssettag $0x0;
	lr =	simm.s32 $0x1  }
0x2: {  	[smem:$0x3F98] =	sst lr;
	_ =	strace $0xD0000000  }
0x3: {  	_ = 	snop  }
0x4: {  	_ = 	snop  }
0x5: {  	_ = 	snop  }
0x6: {  	_ = 	snop  }
0x7: {  	_ = 	snop  }
__scs_overlays_trampoline_lowered:
0x8: {  	[smem:$0x3FA7] =	sst s0  }
0x9: {  	[smem:$0x3FA8] =	sst s1  }
0xa: {  	[smem:$0x3FA9] =	sst s2  }
0xb: {  	[smem:$0x3FAA] =	sst s3  }
0xc: {  	[smem:$0x3FAB] =	sst s4  }
0xd: {  	[smem:$0x3FAC] =	sst s5  }
0xe: {  	[smem:$0x3FAD] =	sst s6  }
0xf: {  	[smem:$0x3FAE] =	sst s7  }
0x10: {  	[smem:$0x3FAF] =	sst s8  }
0x11: {  	[smem:$0x3FB0] =	sst s9;
	s0 =	simm.s32 @!p0 $0x0  }
0x12: {  	s1 =	sld [smem:$0x3F96];
	s0 =	simm.s32 @p0 $0x1  }
0x13: {  	[smem:$0x3FB1] =	sst s0;
	s0 =	simm.s32 @!p1 $0x0  }
0x14: {  	s2 =	sld [smem:$0x3F95];
	s0 =	simm.s32 @p1 $0x1  }
0x15: {  	[smem:$0x3FB2] =	sst s0;
	s0 =	simm.s32 @!p2 $0x0  }
0x16: {  	s3 =	sld [smem:$0x3FDB];
	s0 =	simm.s32 @p2 $0x1  }
0x17: {  	s4 =	simm.s32 $0x1BF5;
	[smem:$0x3FB4] =	sst s0  }
0x18: {  	s0 =	sld [smem:$0x3F97];
	_ =	swait.ge [sflag:s4], $0x0  }
0x19: {  	s7 =	sld [smem:$0x3F98]  }
0x1a: {  	s8 =	sadd.s32 $0xFFFFE003, lr  }
0x1b: {  	s9 =	sadd.s32 $0xFFFFFEF7, lr;
	s5 =	simm.s32 $0xFFFFFFFF;
	p2 =	slt.u32 s8, $0xFFFFF086  }
0x1c: {  	p1 =	slt.u32 s9, $0xF7A;
	s5 =	simm.s32 @!p2 $0x0  }
0x1d: {  	s5 =	simm.s32 @p1 $0x1;
	p0 =	seq.s32 s7, s2  }
0x1e: {  	s7 =	smul.u32 @!p0 $0xF7A, s2;
	p2 =	seq.s32 @!p0 s5, $0x0  }
0x1f: {  	s9 =	smul.u32 $0xF7A, s1;
	s8 =	simm.s32 @!p0 $0x1BF5;
	p2 =	por !p2, p0  }
0x20: {  	[sflag:s8] =	ssyncset.s32 @!p0 $0xFFFFF086;
	s6 =	sadd.s32 @!p0 s3, s7;
	s7 =	simm.s32 @!p0 $0x108  }
0x21: {  	s3 =	sadd.s32 s3, s9;
	s6 =	sadd.s32 @!p0 $0x88, s6;
	s7 =	simm.s32 @p2 $0x1082  }
0x22: {  	[simem:s7], [sflag:s8] =	dma.local @!p0 [hbm:s6], $0xF7A  }
0x23: {  	s9 =	sor.u32 $0xD0000000, s2;
	s6 =	simm.s32 $0x108;
	_ =	swait.ge @!p0 [sflag:s8], $0x0  }
0x24: {  	s3 =	sadd.s32 $0x88, s3;
	s6 =	simm.s32 @!p1 $0x1082;
	[sflag:s4] =	ssyncset.s32 $0xFFFFF086  }
0x25: {  	[simem:s6], [sflag:s4] =	dma.local [hbm:s3], $0xF7A  }
0x26: {  	[smem:$0x3F98] =	sst s1;
	(tag) =	ssettag s2;
	_ =	strace s9  }
0x27: {  	s1 =	sld [smem:$0x3FA8]  }
0x28: {  	s2 =	sld [smem:$0x3FA9]  }
0x29: {  	s4 =	sld [smem:$0x3FAB]  }
0x2a: {  	p0 =	seq.s32 s5, $0x0;
	s5 =	sld [smem:$0x3FAC]  }
0x2b: {  	s6 =	sld [smem:$0x3FAD]  }
0x2c: {  	s7 =	sld [smem:$0x3FAE]  }
0x2d: {  	s3 =	simm.s32 $0x108;
	s8 =	sld [smem:$0x3FAF]  }
0x2e: {  	s3 =	simm.s32 @!p0 $0x1082;
	s9 =	sld [smem:$0x3FB0]  }
0x2f: {  	lr =	sadd.s32 s0, s3;
	s0 =	sld [smem:$0x3FA7]  }
0x30: {  	s3 =	sld [smem:$0x3FAA]  }
0x31: {  	[smem:$0x3FB3] =	sst s10  }
0x32: {  	s10 =	sld [smem:$0x3FB1];
	_ =	sdelay $0x3  }
0x33: {  	p0 =	seq.s32 s10, $0x1;
	s10 =	sld [smem:$0x3FB3];
	_ =	sdelay $0x3  }
0x34: {  	[smem:$0x3FB3] =	sst s10  }
0x35: {  	s10 =	sld [smem:$0x3FB2];
	_ =	sdelay $0x3  }
0x36: {  	p1 =	seq.s32 s10, $0x1;
	s10 =	sld [smem:$0x3FB3];
	_ =	sdelay $0x3  }
0x37: {  	[smem:$0x3FB3] =	sst s10  }
0x38: {  	s10 =	sld [smem:$0x3FB4]  }
0x39: {  	_ = 	snop;
	(pc) =	sbr.ind lr, $3  }
0x3a: {  	_ = 	snop  }
0x3b: {  	_ = 	snop  }
0x3c: {  	p2 =	seq.s32 s10, $0x1;
	s10 =	sld [smem:$0x3FB3]  }
0x3d: {  	_ =	shalt  }
0x3e: {  	_ =	shalt  }
0x3f: {  	_ =	shalt  }
0x40: {  	_ =	shalt  }
0x41: {  	_ =	shalt  }
0x42: {  	_ =	shalt  }
0x43: {  	_ =	shalt  }
0x44: {  	_ =	shalt  }
0x45: {  	_ =	shalt  }
0x46: {  	_ =	shalt  }
0x47: {  	_ =	shalt  }
0x48: {  	_ =	shalt  }
0x49: {  	_ =	shalt  }
0x4a: {  	_ =	shalt  }
0x4b: {  	_ =	shalt  }
0x4c: {  	_ =	shalt  }
0x4d: {  	_ =	shalt  }
0x4e: {  	_ =	shalt  }
0x4f: {  	_ =	shalt  }
0x50: {  	_ =	shalt  }
0x51: {  	_ =	shalt  }
0x52: {  	_ =	shalt  }
0x53: {  	_ =	shalt  }
0x54: {  	_ =	shalt  }
0x55: {  	_ =	shalt  }
0x56: {  	_ =	shalt  }
0x57: {  	_ =	shalt  }
0x58: {  	_ =	shalt  }
0x59: {  	_ =	shalt  }
0x5a: {  	_ =	shalt  }
0x5b: {  	_ =	shalt  }
0x5c: {  	_ =	shalt  }
0x5d: {  	_ =	shalt  }
0x5e: {  	_ =	shalt  }
0x5f: {  	_ =	shalt  }
0x60: {  	_ =	shalt  }
0x61: {  	_ =	shalt  }
0x62: {  	_ =	shalt  }
0x63: {  	_ =	shalt  }
0x64: {  	_ =	shalt  }
0x65: {  	_ =	shalt  }
0x66: {  	_ =	shalt  }
0x67: {  	_ =	shalt  }
0x68: {  	_ =	shalt  }
0x69: {  	_ =	shalt  }
0x6a: {  	_ =	shalt  }
0x6b: {  	_ =	shalt  }
0x6c: {  	_ =	shalt  }
0x6d: {  	_ =	shalt  }
0x6e: {  	_ =	shalt  }
0x6f: {  	_ =	shalt  }
0x70: {  	_ =	shalt  }
0x71: {  	_ =	shalt  }
0x72: {  	_ =	shalt  }
0x73: {  	_ =	shalt  }
0x74: {  	_ =	shalt  }
0x75: {  	_ =	shalt  }
0x76: {  	_ =	shalt  }
0x77: {  	_ =	shalt  }
0x78: {  	_ =	shalt  }
0x79: {  	_ =	shalt  }
0x7a: {  	_ =	shalt  }
0x7b: {  	_ =	shalt  }
0x7c: {  	_ =	shalt  }
0x7d: {  	_ =	shalt  }
0x7e: {  	_ =	shalt  }
0x7f: {  	_ =	shalt  }
0x80: {  	_ =	shalt  }
0x81: {  	_ =	shalt  }
0x82: {  	_ =	shalt  }
0x83: {  	_ =	shalt  }
0x84: {  	_ =	shalt  }
0x85: {  	_ =	shalt  }
0x86: {  	_ =	shalt  }
0x87: {  	_ =	shalt  }
.Lfunc_end0:
.L_simem_size_0:
called_computation.1_lowered:
.L_overlay_start_0:
0x88: {  	s2 =	sld [smem:$0x3FD9]  }
0x89: {  	s3 =	sld [smem:$0x3FFE];
	_ =	sdelay $0x1  }
0x8a: {  	s1 =	srdreg.scid  }
0x8b: {  	s0 =	sand.u32 $0x1, s1  }
0x8c: {  	s16 =	sshll.u32 s0, $0xA;
	s2 =	sadd.s32 s3, s2  }
0x8d: {  	s2 =	sadd.s32 s2, s16  }
0x8e: {  	[smem:$0x3FBF] =	sst s2  }
0x8f: {  	_ = 	snop  }
0x90: {  	(tm) =	ssettm $0x1  }
0x91: {  	s17 =	sld [smem:$0x3FFB];
	_ =	sdelay $0x3  }
0x92: {  	_ =	strace s17  }
0x93: {  	s2 =	sld [smem:$0x3FFC];
	_ =	sdelay $0x3  }
0x94: {  	_ =	strace s2  }
0x95: {  	s2 =	sld [smem:$0x3FFD];
	_ =	sdelay $0x3  }
0x96: {  	_ =	strace s2  }
0x97: {  	_ =	strace $0x8FFFFFFF  }
0x98: {  	s18 =	sld [smem:$0x3FDB];
	_ =	sdelay $0x1  }
0x99: {  	s19 =	simm.s32 $_scs_section_size  }
0x9a: {  	s4 =	simm.s32 $_size__tile_overlayer_lowered;
	s5 =	simm.s32 $_tile_overlayer_lowered  }
0x9b: {  	s22 =	simm.s32 $0x1BFF;
	s21 =	sshll.u32 s5, $0x1;
	s2 =	sadd.s32 s19, s18  }
0x9c: {  	s6 =	simm.s32 $0x0;
	s20 =	sshll.u32 s4, $0x1;
	s4 =	sadd.s32 s21, s2  }
0x9d: {  	[timem:s6], [sflag:s22] =	dma.local [hbm:s4], s20  }
0x9e: {  	_ =	swait.ge [sflag:s22], s20  }
0x9f: {  	s3 =	ssub.s32 $0x0, s20;
	[sflag:s22] =	ssyncset.done $0x0  }
0xa0: {  	[sflag:s22] =	ssyncadd.s32 s3;
	_ =	sdelay $0x1  }
0xa1: {  	s23 =	simm.s32 $0x1B8B  }
0xa2: {  	_ =	swait.ge [sflag:s23], $0x1  }
0xa3: {  	[sflag:s23] =	ssyncset.done $0x0  }
0xa4: {  	s25 =	simm.s32 $0x1B8E;
	s24 =	sld [smem:$0x3FFE];
	[sflag:s23] =	ssyncadd.s32 $0xFFFFFFFF  }
0xa5: {  	s26 =	simm.s32 $execute0_lowered;
	[smem:$0x3FD2] =	sst s25  }
0xa6: {  	s4 =	sshll.u32 s26, $0x1;
	_ =	strace $0x80000049;
	[dreg:$0x1] =	wrdreg $0xFFFFFFFF  }
0xa7: {  	s28 =	simm.s32 $_size_execute0_lowered;
	s2 =	sadd.s32 s2, s4;
	[dreg:$0x0] =	wrdreg $0x0  }
0xa8: {  	s4 =	sshll.u32 s28, $0x1;
	[dreg:$0x2] =	wrdreg s2  }
0xa9: {  	[dreg:$0x3] =	wrdreg s4  }
0xaa: {  	[dreg:$0x4] =	wrdreg $0xC0  }
0xab: {  	_ =	task [dreg:s6], $0x5FFFF  }
0xac: {  	[dreg:$0x1] =	wrdreg $0xFFFFFFFF  }
0xad: {  	[dreg:$0x0] =	wrdreg $0x60  }
0xae: {  	[dreg:$0x2] =	wrdreg s24  }
0xaf: {  	[dreg:$0x3] =	wrdreg $0x0  }
0xb0: {  	[dreg:$0x4] =	wrdreg $0x9  }
0xb1: {  	_ =	task.clear_ibuf [dreg:s6], $0x5FFFF;
	_ =	strace $0x90000049  }
0xb2: {  	s29 =	simm.s32 $0x9;
	_ =	strace $0x8000004B  }
0xb3: {  	_ =	swait.ge [sflag:s29], $0x1  }
0xb4: {  	[sflag:s29] =	ssyncadd.s32 $0xFFFFFFFF  }
0xb5: {  	_ =	strace $0x9000004B  }
0xb6: {  	_ =	sfence  }
0xb7: {  	s30 =	sld [smem:$0x0];
	_ =	sdelay $0x2  }
0xb8: {  	s31 =	sshll.u32 s1, $0xD;
	s1 =	sshrl.u32 s1, $0x2  }
0xb9: {  	s3 =	sand.u32 $0x4000, s31;
	s1 =	sadd.s32 s1, s30  }
0xba: {  	s0 =	sor.u32 s3, s0;
	s1 =	sshll.u32 s1, $0x11  }
0xbb: {  	s0 =	sor.u32 s1, s0  }
0xbc: {  	s0 =	sadd.s32 $0x8F2B, s0  }
0xbd: {  	[sflag:s0] =	ssyncadd.remote.s32 $0x1  }
0xbe: {  	_ =	sfence.sel $0xFFFF  }
0xbf: {  	[dreg:$0x0] =	wrdreg $0xFFFFFFFF;
	(pc) =	sbr.abs _section_cstart, $3  }
0xc0: {  	[dreg:$0x1] =	wrdreg $0xFFFFFFFF  }
0xc1: {  	_ =	task.clear_ibuf [dreg:s6], $0x2FFFF;
	_ =	strace $0x9FFFFFFF  }
0xc2: {  	(tm) =	ssettm $0x7FFFFFFF  }
0xc3: {  	_ =	shalt  }
tec
execute0_lowered:
.L_overlay_start_1:
0x0: {  	(tag) =	ssettag $0x1  }
0x1: {  	s8 =	rddreg [dreg:$0x0]  }
0x2: {  	s2 =	rddreg [dreg:$0x1]  }
0x3: {  	s0 =	rddreg [dreg:$0x2];
	s3 =	simm.s32 $0x0;
	s4 =	srdreg.scid  }
0x4: {  	s1 =	stileid.u32;
	s15 =	simm.s32 $0x14000;
	s16 =	simm.s32 $0x14080  }
0x5: {  	s17 =	simm.s32 $0x14100;
	s18 =	simm.s32 $0x80;
	s19 =	simm.s32 $0x14180  }
0x6: {  	s20 =	simm.s32 $0x1;
	[smem:$0x7FF] =	sst s3;
	s9 =	sand.u32 $0x1, s4  }
0x7: {  	s10 =	smul.u32 $0x14000, s1;
	s4 =	sadd.s32 $0x22C00, s8;
	s5 =	sadd.s32 $0x18C00, s8  }
0x8: {  	s6 =	sadd.s32 $0x4200, s8;
	s7 =	sadd.s32 $0xE200, s8;
	s14 =	smul.u32 $0x50000, s1  }
0x9: {  	s31 =	sshll.u32 s1, $0x6;
	_ =	strace $0x8000004A;
	s11 =	smul.u32 $0x140000, s9  }
0xa: {  	v0 =	vimm.s32 $0x0;
	s12 =	ssub.s32 $0x2, s9;
	s26 =	sshll.u32 s9, $0x4;
	s9 =	sor.u32 $0x1C02, s31  }
0xb: {  	v1 =	vimm.s32 $0x1;
	v2 =	vimm.s32 $0x2;
	v3 =	vimm.s32 $0x3;
	s13 =	sshrl.u32 s12, $0x1;
	s28 =	sor.u32 s1, s26;
	s29 =	sshrl.u32 s14, $0x2  }
0xc: {  	v4 =	vimm.s32 $0x4;
	v5 =	vimm.s32 $0x5;
	v6 =	vimm.s32 $0x6;
	s30 =	sshrl.u32 s10, $0x3;
	s11 =	sadd.s32 s10, s11;
	s12 =	ssub.s32 s12, s13  }
0xd: {  	v7 =	vimm.s32 $0x7;
	v8 =	vimm.s32 $0x8;
	v9 =	vimm.s32 $0x9;
	s14 =	sadd.s32 s29, s2;
	s10 =	smul.u32 $0x2800, s28;
	s11 =	sshrl.u32 s11, $0x3  }
0xe: {  	v10 =	vimm.s32 $0xA;
	v11 =	vimm.s32 $0xB;
	v12 =	vimm.s32 $0xC;
	s12 =	smax.u32 s12, $0x1;
	s13 =	sshrl.u32 s14, $0x3;
	s11 =	sadd.s32 s11, s8  }
0xf: {  	v13 =	vimm.s32 $0xD;
	v14 =	vimm.s32 $0xE;
	v15 =	vimm.s32 $0xF;
	s14 =	simm.s32 $0x2;
	s8 =	sadd.s32 s4, s30;
	s11 =	sadd.s32 $0x72C00, s11  }
.LBB2_1:
0x10: {  	[spmem:s13], [sflag:s9] =	dma.local [hbm:s8], $0x2800  }
0x11: {  	_ =	swait.ge [sflag:s14], $0x2800  }
0x12: {  	[sflag:s14] =	ssyncset.done $0x0  }
0x13: {  	[sflag:s14] =	ssyncadd.s32 $0xFFFFD800  }
0x14: {  	s21 =	simm.s32 $0x0;
	[bflag:$0x0] =	sbarrier.arrive $0xFFFF  }
.LBB2_2:
0x15: {  	s22 =	sshll.u32 s21, $0x7  }
0x16: {  	s23 =	sand.u32 $0x3C00, s22  }
0x17: {  	s22 =	sand.u32 $0x380, s22;
	s23 =	sadd.s32 s10, s23  }
0x18: {  	s22 =	sor.u32 s22, s23  }
0x19: {  	s23 =	sshrl.u32 s22, $0x3  }
0x1a: {  	s22 =	simm.s32 $0x0;
	s24 =	sadd.s32 s5, s23  }
0x1b: {  	[tilespmem:s15], [sflag:$0x2] =	stream.linear.gather [hbm4b:s24+s22], $0x80, $0x38;
	[tilespmem:$0x18180] =	vst v63  }
0x1c: {  	_ =	swait.ge [sflag:s14], $0x80  }
0x1d: {  	[sflag:s14] =	ssyncset.done $0x0  }
0x1e: {  	s31 =	sadd.s32 s6, s23;
	[sflag:s14] =	ssyncadd.s32 $0xFFFFFF80  }
0x1f: {  	[tilespmem:s16], [sflag:$0x2] =	stream.linear.gather [hbm4b:s31+s22], $0x80, $0x38;
	[tilespmem:$0x18180] =	vst v63  }
0x20: {  	_ =	swait.ge [sflag:s14], $0x80  }
0x21: {  	[sflag:s14] =	ssyncset.done $0x0  }
0x22: {  	s23 =	sadd.s32 s7, s23;
	[sflag:s14] =	ssyncadd.s32 $0xFFFFFF80  }
0x23: {  	[tilespmem:s17], [sflag:$0x2] =	stream.linear.gather [hbm4b:s23+s22], $0x80, $0x38;
	[tilespmem:$0x18180] =	vst v63  }
0x24: {  	_ =	swait.ge [sflag:s14], $0x80  }
0x25: {  	[sflag:s14] =	ssyncset.done $0x0  }
0x26: {  	[sflag:s14] =	ssyncadd.s32 $0xFFFFFF80  }
0x27: {  	[tilespmem:s19], [sflag:$0x1] =	stream.indirect.gather [hbm4b:s4+s18], $0x80, s15, s18, $0xb8;
	[tilespmem:$0x18180] =	vst v63  }
0x28: {  	_ =	swait.ge [sflag:s20], $0x4000  }
0x29: {  	[sflag:s20] =	ssyncset.done $0x0  }
0x2a: {  	s23 =	simm.s32 $0x14580;
	[sflag:s20] =	ssyncadd.s32 $0xFFFFC000  }
.LBB2_3:
0x2b: {  	s24 =	sshra.s32 s22, $0x2  }
0x2c: {  	v16 =	vld [tilespmem:s24+$0x14100];
	_ =	sdelay $0x1  }
0x2d: {  	v17 =	vld [tilespmem:s23+$0xFFFFFC00]  }
0x2e: {  	v18 =	vld [tilespmem:s23+$0xFFFFFC80]  }
0x2f: {  	v21 =	vld [tilespmem:s23+$0xFFFFFD80]  }
0x30: {  	v19 =	vld [tilespmem:s23+$0xFFFFFD00];
	v20 =	vperm.xlane v16, v0  }
0x31: {  	v25 =	vld [tilespmem:s23+$0xFFFFFE80];
	v22 =	vperm.xlane v16, v1  }
0x32: {  	v23 =	vld [tilespmem:s23+$0xFFFFFE00];
	v26 =	vperm.xlane v16, v3;
	v17 =	vmul.f32 v17, v20  }
0x33: {  	v27 =	vld [tilespmem:s23+$0xFFFFFF00];
	v24 =	vperm.xlane v16, v2;
	v18 =	vmul.f32 v18, v22  }
0x34: {  	v28 =	vld [tilespmem:s23+$0xFFFFFF80];
	v62 =	vperm.xlane v16, v5;
	v61 =	vmul.f32 v21, v26;
	[tilespmem:s23+$0xFFFFFC00] =	vst v17  }
0x35: {  	v29 =	vld [tilespmem:s23+$0xFFFFFC10];
	v60 =	vperm.xlane v16, v4;
	v17 =	vmul.f32 v19, v24;
	[tilespmem:s23+$0xFFFFFC80] =	vst v18  }
0x36: {  	v30 =	vld [tilespmem:s23+$0xFFFFFC90];
	v63 =	vperm.xlane v16, v6;
	v33 =	vmul.f32 v25, v62;
	[tilespmem:s23+$0xFFFFFD80] =	vst v61  }
0x37: {  	v31 =	vld [tilespmem:s23+$0xFFFFFD10];
	v34 =	vperm.xlane v16, v7;
	[tilespmem:s23+$0xFFFFFD00] =	vst v17;
	v17 =	vmul.f32 v23, v60  }
0x38: {  	v39 =	vld [tilespmem:s23+$0xFFFFFF90];
	v27 =	vmul.f32 v27, v63;
	[tilespmem:s23+$0xFFFFFE80] =	vst v33  }
0x39: {  	v28 =	vmul.f32 v28, v34;
	[tilespmem:s23+$0xFFFFFE00] =	vst v17;
	v17 =	vld [tilespmem:s23+$0xFFFFFD90]  }
0x3a: {  	v50 =	vld [tilespmem:s23+$0xFFFFFE30];
	v29 =	vmul.f32 v29, v20;
	[tilespmem:s23+$0xFFFFFF00] =	vst v27  }
0x3b: {  	v52 =	vld [tilespmem:s23+$0xFFFFFF30];
	v30 =	vmul.f32 v30, v22;
	[tilespmem:s23+$0xFFFFFF80] =	vst v28  }
0x3c: {  	v35 =	vld [tilespmem:s23+$0xFFFFFE10];
	v38 =	vmul.f32 v31, v24;
	[tilespmem:s23+$0xFFFFFC10] =	vst v29  }
0x3d: {  	v36 =	vld [tilespmem:s23+$0xFFFFFE90];
	v31 =	vmul.f32 v39, v34;
	[tilespmem:s23+$0xFFFFFC90] =	vst v30  }
0x3e: {  	v37 =	vld [tilespmem:s23+$0xFFFFFF10];
	[tilespmem:s23+$0xFFFFFD10] =	vst v38;
	v17 =	vmul.f32 v17, v26  }
0x3f: {  	v40 =	vld [tilespmem:s23+$0xFFFFFC20];
	v55 =	vmul.f32 v50, v60;
	[tilespmem:s23+$0xFFFFFF90] =	vst v31  }
0x40: {  	v58 =	vmul.f32 v52, v63;
	[tilespmem:s23+$0xFFFFFD90] =	vst v17;
	v17 =	vld [tilespmem:s23+$0xFFFFFD20]  }
0x41: {  	v41 =	vld [tilespmem:s23+$0xFFFFFCA0];
	v18 =	vmul.f32 v35, v60;
	[tilespmem:s23+$0xFFFFFE30] =	vst v55  }
0x42: {  	v45 =	vld [tilespmem:s23+$0xFFFFFF20];
	v27 =	vmul.f32 v36, v62;
	[tilespmem:s23+$0xFFFFFF30] =	vst v58  }
0x43: {  	v47 =	vld [tilespmem:s23+$0xFFFFFC30];
	v28 =	vmul.f32 v37, v63;
	[tilespmem:s23+$0xFFFFFE10] =	vst v18  }
0x44: {  	v42 =	vld [tilespmem:s23+$0xFFFFFDA0];
	v30 =	vmul.f32 v40, v20;
	[tilespmem:s23+$0xFFFFFE90] =	vst v27  }
0x45: {  	v43 =	vld [tilespmem:s23+$0xFFFFFE20];
	[tilespmem:s23+$0xFFFFFF10] =	vst v28;
	v17 =	vmul.f32 v17, v24  }
0x46: {  	v44 =	vld [tilespmem:s23+$0xFFFFFEA0];
	v29 =	vmul.f32 v41, v22;
	[tilespmem:s23+$0xFFFFFC20] =	vst v30  }
0x47: {  	v31 =	vmul.f32 v45, v63;
	[tilespmem:s23+$0xFFFFFD20] =	vst v17;
	v17 =	vld [tilespmem:s23+$0xFFFFFCB0]  }
0x48: {  	v46 =	vld [tilespmem:s23+$0xFFFFFFA0];
	v20 =	vmul.f32 v47, v20;
	[tilespmem:s23+$0xFFFFFCA0] =	vst v29  }
0x49: {  	v49 =	vld [tilespmem:s23+$0xFFFFFDB0];
	v18 =	vmul.f32 v42, v26;
	[tilespmem:s23+$0xFFFFFF20] =	vst v31  }
0x4a: {  	v48 =	vld [tilespmem:s23+$0xFFFFFD30];
	v27 =	vmul.f32 v43, v60;
	[tilespmem:s23+$0xFFFFFC30] =	vst v20  }
0x4b: {  	v51 =	vld [tilespmem:s23+$0xFFFFFEB0];
	v28 =	vmul.f32 v44, v62;
	[tilespmem:s23+$0xFFFFFDA0] =	vst v18  }
0x4c: {  	v40 =	vld [tilespmem:s23+$0x90];
	[tilespmem:s23+$0xFFFFFE20] =	vst v27;
	v17 =	vmul.f32 v17, v22  }
0x4d: {  	v53 =	vld [tilespmem:s23+$0xFFFFFFB0];
	v30 =	vmul.f32 v46, v34;
	[tilespmem:s23+$0xFFFFFEA0] =	vst v28  }
0x4e: {  	v60 =	vld [tilespmem:s23+$0x200];
	[tilespmem:s23+$0xFFFFFCB0] =	vst v17;
	v17 =	vmul.f32 v49, v26  }
0x4f: {  	v56 =	vld [tilespmem:s23+$0x80];
	v20 =	vperm.xlane v16, v9;
	[tilespmem:s23+$0xFFFFFFA0] =	vst v30;
	v18 =	vmul.f32 v48, v24  }
0x50: {  	v43 =	vld [tilespmem:s23+$0x190];
	[tilespmem:s23+$0xFFFFFDB0] =	vst v17;
	v17 =	vmul.f32 v51, v62  }
0x51: {  	v59 =	vld [tilespmem:s23+$0x180];
	v36 =	vperm.xlane v16, v12;
	v30 =	vmul.f32 v40, v20;
	[tilespmem:s23+$0xFFFFFD30] =	vst v18  }
0x52: {  	v54 =	vld [tilespmem:s23+$0x0];
	[tilespmem:s23+$0xFFFFFEB0] =	vst v17;
	v17 =	vmul.f32 v53, v34  }
0x53: {  	v63 =	vld [tilespmem:s23+$0x280];
	v33 =	vperm.xlane v16, v11;
	v41 =	vmul.f32 v60, v36;
	[tilespmem:s23+$0x90] =	vst v30  }
0x54: {  	v38 =	vld [tilespmem:s23+$0x10];
	[tilespmem:s23+$0xFFFFFFB0] =	vst v17;
	v17 =	vmul.f32 v56, v20  }
0x55: {  	v48 =	vld [tilespmem:s23+$0x20];
	v18 =	vmul.f32 v43, v33;
	[tilespmem:s23+$0x200] =	vst v41;
	v22 =	vperm.xlane v16, v8  }
0x56: {  	v39 =	vperm.xlane v16, v13;
	v44 =	vld [tilespmem:s23+$0x210];
	[tilespmem:s23+$0x80] =	vst v17;
	v17 =	vmul.f32 v59, v33  }
0x57: {  	v57 =	vld [tilespmem:s23+$0x100];
	[tilespmem:s23+$0x190] =	vst v18;
	v61 =	vmul.f32 v54, v22  }
0x58: {  	v26 =	vmul.f32 v63, v39;
	[tilespmem:s23+$0x180] =	vst v17;
	v17 =	vld [tilespmem:s23+$0x110]  }
0x59: {  	v37 =	vld [tilespmem:s23+$0x380];
	v29 =	vmul.f32 v38, v22;
	[tilespmem:s23+$0x0] =	vst v61  }
0x5a: {  	v47 =	vld [tilespmem:s23+$0x390];
	v30 =	vmul.f32 v48, v22;
	v62 =	vperm.xlane v16, v10;
	[tilespmem:s23+$0x280] =	vst v26  }
0x5b: {  	v50 =	vld [tilespmem:s23+$0x1A0];
	v42 =	vperm.xlane v16, v14;
	[tilespmem:s23+$0x10] =	vst v29;
	v26 =	vmul.f32 v44, v36  }
0x5c: {  	v49 =	vld [tilespmem:s23+$0x120];
	v16 =	vperm.xlane v16, v15;
	[tilespmem:s23+$0x20] =	vst v30;
	v35 =	vmul.f32 v57, v62  }
0x5d: {  	v54 =	vld [tilespmem:s23+$0x3A0];
	[tilespmem:s23+$0x210] =	vst v26;
	v17 =	vmul.f32 v17, v62  }
0x5e: {  	v46 =	vld [tilespmem:s23+$0x310];
	v28 =	vmul.f32 v37, v16;
	[tilespmem:s23+$0x100] =	vst v35  }
0x5f: {  	v29 =	vmul.f32 v47, v16;
	[tilespmem:s23+$0x110] =	vst v17;
	v17 =	vld [tilespmem:s23+$0xA0]  }
0x60: {  	v55 =	vld [tilespmem:s23+$0xB0];
	v26 =	vmul.f32 v50, v33;
	[tilespmem:s23+$0x380] =	vst v28  }
0x61: {  	v61 =	vld [tilespmem:s23+$0x3B0];
	v18 =	vmul.f32 v49, v62;
	[tilespmem:s23+$0x390] =	vst v29  }
0x62: {  	v52 =	vld [tilespmem:s23+$0x2A0];
	v30 =	vmul.f32 v54, v16;
	[tilespmem:s23+$0x1A0] =	vst v26  }
0x63: {  	v34 =	vld [tilespmem:s23+$0x300];
	v28 =	vmul.f32 v46, v42;
	[tilespmem:s23+$0x120] =	vst v18  }
0x64: {  	v53 =	vld [tilespmem:s23+$0x320];
	[tilespmem:s23+$0x3A0] =	vst v30;
	v17 =	vmul.f32 v17, v20  }
0x65: {  	v45 =	vld [tilespmem:s23+$0x290];
	v18 =	vmul.f32 v55, v20;
	[tilespmem:s23+$0x310] =	vst v28  }
0x66: {  	v16 =	vmul.f32 v61, v16;
	[tilespmem:s23+$0xA0] =	vst v17;
	v17 =	vld [tilespmem:s23+$0x30]  }
0x67: {  	v51 =	vld [tilespmem:s23+$0x220];
	v28 =	vmul.f32 v52, v39;
	[tilespmem:s23+$0xB0] =	vst v18  }
0x68: {  	v56 =	vld [tilespmem:s23+$0x130];
	v27 =	vmul.f32 v34, v42;
	[tilespmem:s23+$0x3B0] =	vst v16  }
0x69: {  	v59 =	vld [tilespmem:s23+$0x2B0];
	v29 =	vmul.f32 v53, v42;
	[tilespmem:s23+$0x2A0] =	vst v28  }
0x6a: {  	v58 =	vld [tilespmem:s23+$0x230];
	[tilespmem:s23+$0x300] =	vst v27;
	v27 =	vmul.f32 v45, v39  }
0x6b: {  	v57 =	vld [tilespmem:s23+$0x1B0];
	[tilespmem:s23+$0x320] =	vst v29;
	v17 =	vmul.f32 v17, v22  }
0x6c: {  	v60 =	vld [tilespmem:s23+$0x330];
	[tilespmem:s23+$0x290] =	vst v27;
	v27 =	vmul.f32 v51, v36  }
0x6d: {  	[tilespmem:s23+$0x30] =	vst v17;
	v17 =	vmul.f32 v56, v62  }
0x6e: {  	p0 =	sne.s32 s22, $0x1C0;
	v63 =	vmul.f32 v59, v39;
	[tilespmem:s23+$0x220] =	vst v27  }
.Ltmp0:
0x6f: {  	[tilespmem:s23+$0x130] =	vst v17;
	v17 =	vmul.f32 v58, v36;
	(pc) =	sbr.rel @p0 .LBB2_3-.Ltmp0, $4  }
0x70: {  	[tilespmem:s23+$0x2B0] =	vst v63;
	v62 =	vmul.f32 v57, v33  }
0x71: {  	[tilespmem:s23+$0x230] =	vst v17;
	v17 =	vmul.f32 v60, v42  }
0x72: {  	[tilespmem:s23+$0x1B0] =	vst v62  }
0x73: {  	s22 =	sadd.s32 $0x40, s22;
	[tilespmem:s23+$0x330] =	vst v17;
	s23 =	sadd.s32 $0x800, s23  }
0x74: {  	s21 =	sadd.s32 $0x1, s21  }
0x75: {  	p0 =	sne.s32 s21, $0x50  }
.Ltmp1:
0x76: {  	_ = 	snop;
	(pc) =	sbr.rel @p0 .LBB2_2-.Ltmp1, $4  }
0x77: {  	[spmem:s2] =	stream.indirect.scatter.add.f32 [tilespmem:s19], [sflag:$0x2], $0x80, s16, s18, $0xb8;
	[tilespmem:$0x18180] =	vst v63  }
0x78: {  	_ =	swait.ge [sflag:s14], $0x4000  }
0x79: {  	[sflag:s14] =	ssyncset.done $0x0  }
0x7a: {  	[sflag:s14] =	ssyncadd.s32 $0xFFFFC000  }
0x7b: {  	s3 =	sadd.s32 $0x1, s3  }
0x7c: {  	p0 =	sne.s32 s3, s12  }
.Ltmp2:
0x7d: {  	[bflag:$0x0] =	sbarrier.arrive $0xFFFF;
	(pc) =	sbr.rel @p0 .LBB2_1-.Ltmp2, $4  }
0x7e: {  	[hbm:s11], [sflag:s9] =	dma.local [spmem:s13], $0x2800  }
0x7f: {  	_ =	swait.ge [sflag:s14], $0x2800  }
0x80: {  	[sflag:s14] =	ssyncset.done $0x0  }
0x81: {  	[sflag:s14] =	ssyncadd.s32 $0xFFFFD800  }
0x82: {  	_ =	sfence.sel $0x180000  }
0x83: {  	[bflag:$0x0] =	sbarrier.arrive $0xFFFF  }
0x84: {  	p0 =	sne.s32 s1, $0x0;
	_ =	strace $0x9000004A  }
0x85: {  	s0 =	sadd.s32 @!p0 $0x100000, s0;
	[bflag:$0x2] =	sbarrier.arrive $0xFFFF  }
0x86: {  	[sflag:s0] =	ssyncadd.tile.s32 @!p0 $0x1;
	_ =	shalt  }
.Lfunc_end2:
_tile_overlayer_lowered:
.L_overlay_start_2:
0x87: {  	(tag) =	ssettag $0x2  }
0x88: {  	s0 =	rddreg [dreg:$0x0];
	s2 =	stileid.u32  }
0x89: {  	s1 =	rddreg [dreg:$0x1];
	p0 =	sne.s32 s2, $0x0  }
0x8a: {  	s3 =	rddreg [dreg:$0x2];
	[bflag:$0x3] =	sbarrier.arrive $0xFFFF;
	s2 =	simm.s32 @!p0 $0x1C02  }
0x8b: {  	[timem:s3], [sflag:s2] =	dma.local @!p0 [hbm:s0], s1  }
0x8c: {  	s0 =	simm.s32 @!p0 $0x2  }
0x8d: {  	_ =	swait.ge @!p0 [sflag:s0], s1  }
0x8e: {  	s1 =	ssub.s32 @!p0 $0x0, s1;
	[sflag:s0] =	ssyncset.done @!p0 $0x0  }
0x8f: {  	[sflag:s0] =	ssyncadd.s32 @!p0 s1  }
0x90: {  	[bflag:$0x3] =	sbarrier.arrive $0xFFFF  }
0x91: {  	_ =	shalt  }

// kernel: kernel.14.cloned.1.call-start
scs
__scs_entry_jumppad:
0x0: {  	(pc) =	sbr.rel $0x88, $3  }
0x1: {  	(tag) =	ssettag $0x0;
	lr =	simm.s32 $0x1  }
0x2: {  	[smem:$0x3F98] =	sst lr;
	_ =	strace $0xD0000000  }
0x3: {  	_ = 	snop  }
0x4: {  	_ = 	snop  }
0x5: {  	_ = 	snop  }
0x6: {  	_ = 	snop  }
0x7: {  	_ = 	snop  }
__scs_overlays_trampoline_lowered:
0x8: {  	[smem:$0x3FA7] =	sst s0  }
0x9: {  	[smem:$0x3FA8] =	sst s1  }
0xa: {  	[smem:$0x3FA9] =	sst s2  }
0xb: {  	[smem:$0x3FAA] =	sst s3  }
0xc: {  	[smem:$0x3FAB] =	sst s4  }
0xd: {  	[smem:$0x3FAC] =	sst s5  }
0xe: {  	[smem:$0x3FAD] =	sst s6  }
0xf: {  	[smem:$0x3FAE] =	sst s7  }
0x10: {  	[smem:$0x3FAF] =	sst s8  }
0x11: {  	[smem:$0x3FB0] =	sst s9;
	s0 =	simm.s32 @!p0 $0x0  }
0x12: {  	s1 =	sld [smem:$0x3F96];
	s0 =	simm.s32 @p0 $0x1  }
0x13: {  	[smem:$0x3FB1] =	sst s0;
	s0 =	simm.s32 @!p1 $0x0  }
0x14: {  	s2 =	sld [smem:$0x3F95];
	s0 =	simm.s32 @p1 $0x1  }
0x15: {  	[smem:$0x3FB2] =	sst s0;
	s0 =	simm.s32 @!p2 $0x0  }
0x16: {  	s3 =	sld [smem:$0x3FDB];
	s0 =	simm.s32 @p2 $0x1  }
0x17: {  	s4 =	simm.s32 $0x1BF5;
	[smem:$0x3FB4] =	sst s0  }
0x18: {  	s0 =	sld [smem:$0x3F97];
	_ =	swait.ge [sflag:s4], $0x0  }
0x19: {  	s7 =	sld [smem:$0x3F98]  }
0x1a: {  	s8 =	sadd.s32 $0xFFFFE003, lr  }
0x1b: {  	s9 =	sadd.s32 $0xFFFFFEF7, lr;
	s5 =	simm.s32 $0xFFFFFFFF;
	p2 =	slt.u32 s8, $0xFFFFF086  }
0x1c: {  	p1 =	slt.u32 s9, $0xF7A;
	s5 =	simm.s32 @!p2 $0x0  }
0x1d: {  	s5 =	simm.s32 @p1 $0x1;
	p0 =	seq.s32 s7, s2  }
0x1e: {  	s7 =	smul.u32 @!p0 $0xF7A, s2;
	p2 =	seq.s32 @!p0 s5, $0x0  }
0x1f: {  	s9 =	smul.u32 $0xF7A, s1;
	s8 =	simm.s32 @!p0 $0x1BF5;
	p2 =	por !p2, p0  }
0x20: {  	[sflag:s8] =	ssyncset.s32 @!p0 $0xFFFFF086;
	s6 =	sadd.s32 @!p0 s3, s7;
	s7 =	simm.s32 @!p0 $0x108  }
0x21: {  	s3 =	sadd.s32 s3, s9;
	s6 =	sadd.s32 @!p0 $0x88, s6;
	s7 =	simm.s32 @p2 $0x1082  }
0x22: {  	[simem:s7], [sflag:s8] =	dma.local @!p0 [hbm:s6], $0xF7A  }
0x23: {  	s9 =	sor.u32 $0xD0000000, s2;
	s6 =	simm.s32 $0x108;
	_ =	swait.ge @!p0 [sflag:s8], $0x0  }
0x24: {  	s3 =	sadd.s32 $0x88, s3;
	s6 =	simm.s32 @!p1 $0x1082;
	[sflag:s4] =	ssyncset.s32 $0xFFFFF086  }
0x25: {  	[simem:s6], [sflag:s4] =	dma.local [hbm:s3], $0xF7A  }
0x26: {  	[smem:$0x3F98] =	sst s1;
	(tag) =	ssettag s2;
	_ =	strace s9  }
0x27: {  	s1 =	sld [smem:$0x3FA8]  }
0x28: {  	s2 =	sld [smem:$0x3FA9]  }
0x29: {  	s4 =	sld [smem:$0x3FAB]  }
0x2a: {  	p0 =	seq.s32 s5, $0x0;
	s5 =	sld [smem:$0x3FAC]  }
0x2b: {  	s6 =	sld [smem:$0x3FAD]  }
0x2c: {  	s7 =	sld [smem:$0x3FAE]  }
0x2d: {  	s3 =	simm.s32 $0x108;
	s8 =	sld [smem:$0x3FAF]  }
0x2e: {  	s3 =	simm.s32 @!p0 $0x1082;
	s9 =	sld [smem:$0x3FB0]  }
0x2f: {  	lr =	sadd.s32 s0, s3;
	s0 =	sld [smem:$0x3FA7]  }
0x30: {  	s3 =	sld [smem:$0x3FAA]  }
0x31: {  	[smem:$0x3FB3] =	sst s10  }
0x32: {  	s10 =	sld [smem:$0x3FB1];
	_ =	sdelay $0x3  }
0x33: {  	p0 =	seq.s32 s10, $0x1;
	s10 =	sld [smem:$0x3FB3];
	_ =	sdelay $0x3  }
0x34: {  	[smem:$0x3FB3] =	sst s10  }
0x35: {  	s10 =	sld [smem:$0x3FB2];
	_ =	sdelay $0x3  }
0x36: {  	p1 =	seq.s32 s10, $0x1;
	s10 =	sld [smem:$0x3FB3];
	_ =	sdelay $0x3  }
0x37: {  	[smem:$0x3FB3] =	sst s10  }
0x38: {  	s10 =	sld [smem:$0x3FB4]  }
0x39: {  	_ = 	snop;
	(pc) =	sbr.ind lr, $3  }
0x3a: {  	_ = 	snop  }
0x3b: {  	_ = 	snop  }
0x3c: {  	p2 =	seq.s32 s10, $0x1;
	s10 =	sld [smem:$0x3FB3]  }
0x3d: {  	_ =	shalt  }
0x3e: {  	_ =	shalt  }
0x3f: {  	_ =	shalt  }
0x40: {  	_ =	shalt  }
0x41: {  	_ =	shalt  }
0x42: {  	_ =	shalt  }
0x43: {  	_ =	shalt  }
0x44: {  	_ =	shalt  }
0x45: {  	_ =	shalt  }
0x46: {  	_ =	shalt  }
0x47: {  	_ =	shalt  }
0x48: {  	_ =	shalt  }
0x49: {  	_ =	shalt  }
0x4a: {  	_ =	shalt  }
0x4b: {  	_ =	shalt  }
0x4c: {  	_ =	shalt  }
0x4d: {  	_ =	shalt  }
0x4e: {  	_ =	shalt  }
0x4f: {  	_ =	shalt  }
0x50: {  	_ =	shalt  }
0x51: {  	_ =	shalt  }
0x52: {  	_ =	shalt  }
0x53: {  	_ =	shalt  }
0x54: {  	_ =	shalt  }
0x55: {  	_ =	shalt  }
0x56: {  	_ =	shalt  }
0x57: {  	_ =	shalt  }
0x58: {  	_ =	shalt  }
0x59: {  	_ =	shalt  }
0x5a: {  	_ =	shalt  }
0x5b: {  	_ =	shalt  }
0x5c: {  	_ =	shalt  }
0x5d: {  	_ =	shalt  }
0x5e: {  	_ =	shalt  }
0x5f: {  	_ =	shalt  }
0x60: {  	_ =	shalt  }
0x61: {  	_ =	shalt  }
0x62: {  	_ =	shalt  }
0x63: {  	_ =	shalt  }
0x64: {  	_ =	shalt  }
0x65: {  	_ =	shalt  }
0x66: {  	_ =	shalt  }
0x67: {  	_ =	shalt  }
0x68: {  	_ =	shalt  }
0x69: {  	_ =	shalt  }
0x6a: {  	_ =	shalt  }
0x6b: {  	_ =	shalt  }
0x6c: {  	_ =	shalt  }
0x6d: {  	_ =	shalt  }
0x6e: {  	_ =	shalt  }
0x6f: {  	_ =	shalt  }
0x70: {  	_ =	shalt  }
0x71: {  	_ =	shalt  }
0x72: {  	_ =	shalt  }
0x73: {  	_ =	shalt  }
0x74: {  	_ =	shalt  }
0x75: {  	_ =	shalt  }
0x76: {  	_ =	shalt  }
0x77: {  	_ =	shalt  }
0x78: {  	_ =	shalt  }
0x79: {  	_ =	shalt  }
0x7a: {  	_ =	shalt  }
0x7b: {  	_ =	shalt  }
0x7c: {  	_ =	shalt  }
0x7d: {  	_ =	shalt  }
0x7e: {  	_ =	shalt  }
0x7f: {  	_ =	shalt  }
0x80: {  	_ =	shalt  }
0x81: {  	_ =	shalt  }
0x82: {  	_ =	shalt  }
0x83: {  	_ =	shalt  }
0x84: {  	_ =	shalt  }
0x85: {  	_ =	shalt  }
0x86: {  	_ =	shalt  }
0x87: {  	_ =	shalt  }
.Lfunc_end0:
.L_simem_size_0:
called_computation.2_lowered:
.L_overlay_start_0:
0x88: {  	s2 =	sld [smem:$0x3FD9]  }
0x89: {  	s3 =	sld [smem:$0x3FFE];
	_ =	sdelay $0x1  }
0x8a: {  	s1 =	srdreg.scid  }
0x8b: {  	s0 =	sand.u32 $0x1, s1  }
0x8c: {  	s16 =	sshll.u32 s0, $0xA;
	s2 =	sadd.s32 s3, s2  }
0x8d: {  	s2 =	sadd.s32 s2, s16  }
0x8e: {  	[smem:$0x3FBF] =	sst s2  }
0x8f: {  	_ = 	snop  }
0x90: {  	(tm) =	ssettm $0x1  }
0x91: {  	s17 =	sld [smem:$0x3FFB];
	_ =	sdelay $0x3  }
0x92: {  	_ =	strace s17  }
0x93: {  	s2 =	sld [smem:$0x3FFC];
	_ =	sdelay $0x3  }
0x94: {  	_ =	strace s2  }
0x95: {  	s2 =	sld [smem:$0x3FFD];
	_ =	sdelay $0x3  }
0x96: {  	_ =	strace s2  }
0x97: {  	_ =	strace $0x8FFFFFFF  }
0x98: {  	s18 =	sld [smem:$0x3FDB];
	_ =	sdelay $0x1  }
0x99: {  	s19 =	simm.s32 $_scs_section_size  }
0x9a: {  	s4 =	simm.s32 $_size__tile_overlayer_lowered;
	s5 =	simm.s32 $_tile_overlayer_lowered  }
0x9b: {  	s22 =	simm.s32 $0x1BFF;
	s21 =	sshll.u32 s5, $0x1;
	s2 =	sadd.s32 s19, s18  }
0x9c: {  	s6 =	simm.s32 $0x0;
	s20 =	sshll.u32 s4, $0x1;
	s4 =	sadd.s32 s21, s2  }
0x9d: {  	[timem:s6], [sflag:s22] =	dma.local [hbm:s4], s20  }
0x9e: {  	_ =	swait.ge [sflag:s22], s20  }
0x9f: {  	s3 =	ssub.s32 $0x0, s20;
	[sflag:s22] =	ssyncset.done $0x0  }
0xa0: {  	[sflag:s22] =	ssyncadd.s32 s3;
	_ =	sdelay $0x1  }
0xa1: {  	s23 =	simm.s32 $0x1B8B  }
0xa2: {  	_ =	swait.ge [sflag:s23], $0x1  }
0xa3: {  	[sflag:s23] =	ssyncset.done $0x0  }
0xa4: {  	s25 =	simm.s32 $0x1B8E;
	s24 =	sld [smem:$0x3FFE];
	[sflag:s23] =	ssyncadd.s32 $0xFFFFFFFF  }
0xa5: {  	s26 =	simm.s32 $execute0_lowered;
	[smem:$0x3FD2] =	sst s25  }
0xa6: {  	s4 =	sshll.u32 s26, $0x1;
	_ =	strace $0x8000004C;
	[dreg:$0x1] =	wrdreg $0xFFFFFFFF  }
0xa7: {  	s28 =	simm.s32 $_size_execute0_lowered;
	s2 =	sadd.s32 s2, s4;
	[dreg:$0x0] =	wrdreg $0x0  }
0xa8: {  	s4 =	sshll.u32 s28, $0x1;
	[dreg:$0x2] =	wrdreg s2  }
0xa9: {  	[dreg:$0x3] =	wrdreg s4  }
0xaa: {  	[dreg:$0x4] =	wrdreg $0xC0  }
0xab: {  	_ =	task [dreg:s6], $0x5FFFF  }
0xac: {  	[dreg:$0x1] =	wrdreg $0xFFFFFFFF  }
0xad: {  	[dreg:$0x0] =	wrdreg $0x60  }
0xae: {  	[dreg:$0x2] =	wrdreg s24  }
0xaf: {  	[dreg:$0x3] =	wrdreg $0x0  }
0xb0: {  	[dreg:$0x4] =	wrdreg $0x9  }
0xb1: {  	_ =	task.clear_ibuf [dreg:s6], $0x5FFFF;
	_ =	strace $0x9000004C  }
0xb2: {  	s29 =	simm.s32 $0x9;
	_ =	strace $0x8000004E  }
0xb3: {  	_ =	swait.ge [sflag:s29], $0x1  }
0xb4: {  	[sflag:s29] =	ssyncadd.s32 $0xFFFFFFFF  }
0xb5: {  	_ =	strace $0x9000004E  }
0xb6: {  	_ =	sfence  }
0xb7: {  	s30 =	sld [smem:$0x0];
	_ =	sdelay $0x2  }
0xb8: {  	s31 =	sshll.u32 s1, $0xD;
	s1 =	sshrl.u32 s1, $0x2  }
0xb9: {  	s3 =	sand.u32 $0x4000, s31;
	s1 =	sadd.s32 s1, s30  }
0xba: {  	s0 =	sor.u32 s3, s0;
	s1 =	sshll.u32 s1, $0x11  }
0xbb: {  	s0 =	sor.u32 s1, s0  }
0xbc: {  	s0 =	sadd.s32 $0x8F2B, s0  }
0xbd: {  	[sflag:s0] =	ssyncadd.remote.s32 $0x1  }
0xbe: {  	_ =	sfence.sel $0xFFFF  }
0xbf: {  	[dreg:$0x0] =	wrdreg $0xFFFFFFFF;
	(pc) =	sbr.abs _section_cstart, $3  }
0xc0: {  	[dreg:$0x1] =	wrdreg $0xFFFFFFFF  }
0xc1: {  	_ =	task.clear_ibuf [dreg:s6], $0x2FFFF;
	_ =	strace $0x9FFFFFFF  }
0xc2: {  	(tm) =	ssettm $0x7FFFFFFF  }
0xc3: {  	_ =	shalt  }
tec
execute0_lowered:
.L_overlay_start_1:
0x0: {  	(tag) =	ssettag $0x1  }
0x1: {  	s8 =	rddreg [dreg:$0x0]  }
0x2: {  	s2 =	rddreg [dreg:$0x1]  }
0x3: {  	s0 =	rddreg [dreg:$0x2];
	s3 =	simm.s32 $0x0;
	s4 =	srdreg.scid  }
0x4: {  	s1 =	stileid.u32;
	s15 =	simm.s32 $0x14000;
	s16 =	simm.s32 $0x14080  }
0x5: {  	s17 =	simm.s32 $0x14100;
	s18 =	simm.s32 $0x80;
	s19 =	simm.s32 $0x14180  }
0x6: {  	s20 =	simm.s32 $0x1;
	[smem:$0x7FF] =	sst s3;
	s9 =	sand.u32 $0x1, s4  }
0x7: {  	s10 =	smul.u32 $0x14000, s1;
	s4 =	sadd.s32 $0x22C00, s8;
	s5 =	sadd.s32 $0x18C00, s8  }
0x8: {  	s6 =	sadd.s32 $0x4200, s8;
	s7 =	sadd.s32 $0xE200, s8;
	s14 =	smul.u32 $0x50000, s1  }
0x9: {  	s31 =	sshll.u32 s1, $0x6;
	_ =	strace $0x8000004D;
	s11 =	smul.u32 $0x140000, s9  }
0xa: {  	v0 =	vimm.s32 $0x0;
	s12 =	ssub.s32 $0x2, s9;
	s26 =	sshll.u32 s9, $0x4;
	s9 =	sor.u32 $0x1C02, s31  }
0xb: {  	v1 =	vimm.s32 $0x1;
	v2 =	vimm.s32 $0x2;
	v3 =	vimm.s32 $0x3;
	s13 =	sshrl.u32 s12, $0x1;
	s28 =	sor.u32 s1, s26;
	s29 =	sshrl.u32 s14, $0x2  }
0xc: {  	v4 =	vimm.s32 $0x4;
	v5 =	vimm.s32 $0x5;
	v6 =	vimm.s32 $0x6;
	s30 =	sshrl.u32 s10, $0x3;
	s11 =	sadd.s32 s10, s11;
	s12 =	ssub.s32 s12, s13  }
0xd: {  	v7 =	vimm.s32 $0x7;
	v8 =	vimm.s32 $0x8;
	v9 =	vimm.s32 $0x9;
	s14 =	sadd.s32 s29, s2;
	s10 =	smul.u32 $0x2800, s28;
	s11 =	sshrl.u32 s11, $0x3  }
0xe: {  	v10 =	vimm.s32 $0xA;
	v11 =	vimm.s32 $0xB;
	v12 =	vimm.s32 $0xC;
	s12 =	smax.u32 s12, $0x1;
	s13 =	sshrl.u32 s14, $0x3;
	s11 =	sadd.s32 s11, s8  }
0xf: {  	v13 =	vimm.s32 $0xD;
	v14 =	vimm.s32 $0xE;
	v15 =	vimm.s32 $0xF;
	s14 =	simm.s32 $0x2;
	s8 =	sadd.s32 s4, s30;
	s11 =	sadd.s32 $0x72C00, s11  }
.LBB2_1:
0x10: {  	[spmem:s13], [sflag:s9] =	dma.local [hbm:s8], $0x2800  }
0x11: {  	_ =	swait.ge [sflag:s14], $0x2800  }
0x12: {  	[sflag:s14] =	ssyncset.done $0x0  }
0x13: {  	[sflag:s14] =	ssyncadd.s32 $0xFFFFD800  }
0x14: {  	s21 =	simm.s32 $0x0;
	[bflag:$0x0] =	sbarrier.arrive $0xFFFF  }
.LBB2_2:
0x15: {  	s22 =	sshll.u32 s21, $0x7  }
0x16: {  	s23 =	sand.u32 $0x3C00, s22  }
0x17: {  	s22 =	sand.u32 $0x380, s22;
	s23 =	sadd.s32 s10, s23  }
0x18: {  	s22 =	sor.u32 s22, s23  }
0x19: {  	s23 =	sshrl.u32 s22, $0x3  }
0x1a: {  	s22 =	simm.s32 $0x0;
	s24 =	sadd.s32 s5, s23  }
0x1b: {  	[tilespmem:s15], [sflag:$0x2] =	stream.linear.gather [hbm4b:s24+s22], $0x80, $0x38;
	[tilespmem:$0x18180] =	vst v63  }
0x1c: {  	_ =	swait.ge [sflag:s14], $0x80  }
0x1d: {  	[sflag:s14] =	ssyncset.done $0x0  }
0x1e: {  	s31 =	sadd.s32 s6, s23;
	[sflag:s14] =	ssyncadd.s32 $0xFFFFFF80  }
0x1f: {  	[tilespmem:s16], [sflag:$0x2] =	stream.linear.gather [hbm4b:s31+s22], $0x80, $0x38;
	[tilespmem:$0x18180] =	vst v63  }
0x20: {  	_ =	swait.ge [sflag:s14], $0x80  }
0x21: {  	[sflag:s14] =	ssyncset.done $0x0  }
0x22: {  	s23 =	sadd.s32 s7, s23;
	[sflag:s14] =	ssyncadd.s32 $0xFFFFFF80  }
0x23: {  	[tilespmem:s17], [sflag:$0x2] =	stream.linear.gather [hbm4b:s23+s22], $0x80, $0x38;
	[tilespmem:$0x18180] =	vst v63  }
0x24: {  	_ =	swait.ge [sflag:s14], $0x80  }
0x25: {  	[sflag:s14] =	ssyncset.done $0x0  }
0x26: {  	[sflag:s14] =	ssyncadd.s32 $0xFFFFFF80  }
0x27: {  	[tilespmem:s19], [sflag:$0x1] =	stream.indirect.gather [hbm4b:s4+s18], $0x80, s15, s18, $0xb8;
	[tilespmem:$0x18180] =	vst v63  }
0x28: {  	_ =	swait.ge [sflag:s20], $0x4000  }
0x29: {  	[sflag:s20] =	ssyncset.done $0x0  }
0x2a: {  	s23 =	simm.s32 $0x14580;
	[sflag:s20] =	ssyncadd.s32 $0xFFFFC000  }
.LBB2_3:
0x2b: {  	s24 =	sshra.s32 s22, $0x2  }
0x2c: {  	v16 =	vld [tilespmem:s24+$0x14100];
	_ =	sdelay $0x1  }
0x2d: {  	v17 =	vld [tilespmem:s23+$0xFFFFFC00]  }
0x2e: {  	v18 =	vld [tilespmem:s23+$0xFFFFFC80]  }
0x2f: {  	v21 =	vld [tilespmem:s23+$0xFFFFFD80]  }
0x30: {  	v19 =	vld [tilespmem:s23+$0xFFFFFD00];
	v20 =	vperm.xlane v16, v0  }
0x31: {  	v25 =	vld [tilespmem:s23+$0xFFFFFE80];
	v22 =	vperm.xlane v16, v1  }
0x32: {  	v23 =	vld [tilespmem:s23+$0xFFFFFE00];
	v26 =	vperm.xlane v16, v3;
	v17 =	vmul.f32 v17, v20  }
0x33: {  	v27 =	vld [tilespmem:s23+$0xFFFFFF00];
	v24 =	vperm.xlane v16, v2;
	v18 =	vmul.f32 v18, v22  }
0x34: {  	v28 =	vld [tilespmem:s23+$0xFFFFFF80];
	v62 =	vperm.xlane v16, v5;
	v61 =	vmul.f32 v21, v26;
	[tilespmem:s23+$0xFFFFFC00] =	vst v17  }
0x35: {  	v29 =	vld [tilespmem:s23+$0xFFFFFC10];
	v60 =	vperm.xlane v16, v4;
	v17 =	vmul.f32 v19, v24;
	[tilespmem:s23+$0xFFFFFC80] =	vst v18  }
0x36: {  	v30 =	vld [tilespmem:s23+$0xFFFFFC90];
	v63 =	vperm.xlane v16, v6;
	v33 =	vmul.f32 v25, v62;
	[tilespmem:s23+$0xFFFFFD80] =	vst v61  }
0x37: {  	v31 =	vld [tilespmem:s23+$0xFFFFFD10];
	v34 =	vperm.xlane v16, v7;
	[tilespmem:s23+$0xFFFFFD00] =	vst v17;
	v17 =	vmul.f32 v23, v60  }
0x38: {  	v39 =	vld [tilespmem:s23+$0xFFFFFF90];
	v27 =	vmul.f32 v27, v63;
	[tilespmem:s23+$0xFFFFFE80] =	vst v33  }
0x39: {  	v28 =	vmul.f32 v28, v34;
	[tilespmem:s23+$0xFFFFFE00] =	vst v17;
	v17 =	vld [tilespmem:s23+$0xFFFFFD90]  }
0x3a: {  	v50 =	vld [tilespmem:s23+$0xFFFFFE30];
	v29 =	vmul.f32 v29, v20;
	[tilespmem:s23+$0xFFFFFF00] =	vst v27  }
0x3b: {  	v52 =	vld [tilespmem:s23+$0xFFFFFF30];
	v30 =	vmul.f32 v30, v22;
	[tilespmem:s23+$0xFFFFFF80] =	vst v28  }
0x3c: {  	v35 =	vld [tilespmem:s23+$0xFFFFFE10];
	v38 =	vmul.f32 v31, v24;
	[tilespmem:s23+$0xFFFFFC10] =	vst v29  }
0x3d: {  	v36 =	vld [tilespmem:s23+$0xFFFFFE90];
	v31 =	vmul.f32 v39, v34;
	[tilespmem:s23+$0xFFFFFC90] =	vst v30  }
0x3e: {  	v37 =	vld [tilespmem:s23+$0xFFFFFF10];
	[tilespmem:s23+$0xFFFFFD10] =	vst v38;
	v17 =	vmul.f32 v17, v26  }
0x3f: {  	v40 =	vld [tilespmem:s23+$0xFFFFFC20];
	v55 =	vmul.f32 v50, v60;
	[tilespmem:s23+$0xFFFFFF90] =	vst v31  }
0x40: {  	v58 =	vmul.f32 v52, v63;
	[tilespmem:s23+$0xFFFFFD90] =	vst v17;
	v17 =	vld [tilespmem:s23+$0xFFFFFD20]  }
0x41: {  	v41 =	vld [tilespmem:s23+$0xFFFFFCA0];
	v18 =	vmul.f32 v35, v60;
	[tilespmem:s23+$0xFFFFFE30] =	vst v55  }
0x42: {  	v45 =	vld [tilespmem:s23+$0xFFFFFF20];
	v27 =	vmul.f32 v36, v62;
	[tilespmem:s23+$0xFFFFFF30] =	vst v58  }
0x43: {  	v47 =	vld [tilespmem:s23+$0xFFFFFC30];
	v28 =	vmul.f32 v37, v63;
	[tilespmem:s23+$0xFFFFFE10] =	vst v18  }
0x44: {  	v42 =	vld [tilespmem:s23+$0xFFFFFDA0];
	v30 =	vmul.f32 v40, v20;
	[tilespmem:s23+$0xFFFFFE90] =	vst v27  }
0x45: {  	v43 =	vld [tilespmem:s23+$0xFFFFFE20];
	[tilespmem:s23+$0xFFFFFF10] =	vst v28;
	v17 =	vmul.f32 v17, v24  }
0x46: {  	v44 =	vld [tilespmem:s23+$0xFFFFFEA0];
	v29 =	vmul.f32 v41, v22;
	[tilespmem:s23+$0xFFFFFC20] =	vst v30  }
0x47: {  	v31 =	vmul.f32 v45, v63;
	[tilespmem:s23+$0xFFFFFD20] =	vst v17;
	v17 =	vld [tilespmem:s23+$0xFFFFFCB0]  }
0x48: {  	v46 =	vld [tilespmem:s23+$0xFFFFFFA0];
	v20 =	vmul.f32 v47, v20;
	[tilespmem:s23+$0xFFFFFCA0] =	vst v29  }
0x49: {  	v49 =	vld [tilespmem:s23+$0xFFFFFDB0];
	v18 =	vmul.f32 v42, v26;
	[tilespmem:s23+$0xFFFFFF20] =	vst v31  }
0x4a: {  	v48 =	vld [tilespmem:s23+$0xFFFFFD30];
	v27 =	vmul.f32 v43, v60;
	[tilespmem:s23+$0xFFFFFC30] =	vst v20  }
0x4b: {  	v51 =	vld [tilespmem:s23+$0xFFFFFEB0];
	v28 =	vmul.f32 v44, v62;
	[tilespmem:s23+$0xFFFFFDA0] =	vst v18  }
0x4c: {  	v40 =	vld [tilespmem:s23+$0x90];
	[tilespmem:s23+$0xFFFFFE20] =	vst v27;
	v17 =	vmul.f32 v17, v22  }
0x4d: {  	v53 =	vld [tilespmem:s23+$0xFFFFFFB0];
	v30 =	vmul.f32 v46, v34;
	[tilespmem:s23+$0xFFFFFEA0] =	vst v28  }
0x4e: {  	v60 =	vld [tilespmem:s23+$0x200];
	[tilespmem:s23+$0xFFFFFCB0] =	vst v17;
	v17 =	vmul.f32 v49, v26  }
0x4f: {  	v56 =	vld [tilespmem:s23+$0x80];
	v20 =	vperm.xlane v16, v9;
	[tilespmem:s23+$0xFFFFFFA0] =	vst v30;
	v18 =	vmul.f32 v48, v24  }
0x50: {  	v43 =	vld [tilespmem:s23+$0x190];
	[tilespmem:s23+$0xFFFFFDB0] =	vst v17;
	v17 =	vmul.f32 v51, v62  }
0x51: {  	v59 =	vld [tilespmem:s23+$0x180];
	v36 =	vperm.xlane v16, v12;
	v30 =	vmul.f32 v40, v20;
	[tilespmem:s23+$0xFFFFFD30] =	vst v18  }
0x52: {  	v54 =	vld [tilespmem:s23+$0x0];
	[tilespmem:s23+$0xFFFFFEB0] =	vst v17;
	v17 =	vmul.f32 v53, v34  }
0x53: {  	v63 =	vld [tilespmem:s23+$0x280];
	v33 =	vperm.xlane v16, v11;
	v41 =	vmul.f32 v60, v36;
	[tilespmem:s23+$0x90] =	vst v30  }
0x54: {  	v38 =	vld [tilespmem:s23+$0x10];
	[tilespmem:s23+$0xFFFFFFB0] =	vst v17;
	v17 =	vmul.f32 v56, v20  }
0x55: {  	v48 =	vld [tilespmem:s23+$0x20];
	v18 =	vmul.f32 v43, v33;
	[tilespmem:s23+$0x200] =	vst v41;
	v22 =	vperm.xlane v16, v8  }
0x56: {  	v39 =	vperm.xlane v16, v13;
	v44 =	vld [tilespmem:s23+$0x210];
	[tilespmem:s23+$0x80] =	vst v17;
	v17 =	vmul.f32 v59, v33  }
0x57: {  	v57 =	vld [tilespmem:s23+$0x100];
	[tilespmem:s23+$0x190] =	vst v18;
	v61 =	vmul.f32 v54, v22  }
0x58: {  	v26 =	vmul.f32 v63, v39;
	[tilespmem:s23+$0x180] =	vst v17;
	v17 =	vld [tilespmem:s23+$0x110]  }
0x59: {  	v37 =	vld [tilespmem:s23+$0x380];
	v29 =	vmul.f32 v38, v22;
	[tilespmem:s23+$0x0] =	vst v61  }
0x5a: {  	v47 =	vld [tilespmem:s23+$0x390];
	v30 =	vmul.f32 v48, v22;
	v62 =	vperm.xlane v16, v10;
	[tilespmem:s23+$0x280] =	vst v26  }
0x5b: {  	v50 =	vld [tilespmem:s23+$0x1A0];
	v42 =	vperm.xlane v16, v14;
	[tilespmem:s23+$0x10] =	vst v29;
	v26 =	vmul.f32 v44, v36  }
0x5c: {  	v49 =	vld [tilespmem:s23+$0x120];
	v16 =	vperm.xlane v16, v15;
	[tilespmem:s23+$0x20] =	vst v30;
	v35 =	vmul.f32 v57, v62  }
0x5d: {  	v54 =	vld [tilespmem:s23+$0x3A0];
	[tilespmem:s23+$0x210] =	vst v26;
	v17 =	vmul.f32 v17, v62  }
0x5e: {  	v46 =	vld [tilespmem:s23+$0x310];
	v28 =	vmul.f32 v37, v16;
	[tilespmem:s23+$0x100] =	vst v35  }
0x5f: {  	v29 =	vmul.f32 v47, v16;
	[tilespmem:s23+$0x110] =	vst v17;
	v17 =	vld [tilespmem:s23+$0xA0]  }
0x60: {  	v55 =	vld [tilespmem:s23+$0xB0];
	v26 =	vmul.f32 v50, v33;
	[tilespmem:s23+$0x380] =	vst v28  }
0x61: {  	v61 =	vld [tilespmem:s23+$0x3B0];
	v18 =	vmul.f32 v49, v62;
	[tilespmem:s23+$0x390] =	vst v29  }
0x62: {  	v52 =	vld [tilespmem:s23+$0x2A0];
	v30 =	vmul.f32 v54, v16;
	[tilespmem:s23+$0x1A0] =	vst v26  }
0x63: {  	v34 =	vld [tilespmem:s23+$0x300];
	v28 =	vmul.f32 v46, v42;
	[tilespmem:s23+$0x120] =	vst v18  }
0x64: {  	v53 =	vld [tilespmem:s23+$0x320];
	[tilespmem:s23+$0x3A0] =	vst v30;
	v17 =	vmul.f32 v17, v20  }
0x65: {  	v45 =	vld [tilespmem:s23+$0x290];
	v18 =	vmul.f32 v55, v20;
	[tilespmem:s23+$0x310] =	vst v28  }
0x66: {  	v16 =	vmul.f32 v61, v16;
	[tilespmem:s23+$0xA0] =	vst v17;
	v17 =	vld [tilespmem:s23+$0x30]  }
0x67: {  	v51 =	vld [tilespmem:s23+$0x220];
	v28 =	vmul.f32 v52, v39;
	[tilespmem:s23+$0xB0] =	vst v18  }
0x68: {  	v56 =	vld [tilespmem:s23+$0x130];
	v27 =	vmul.f32 v34, v42;
	[tilespmem:s23+$0x3B0] =	vst v16  }
0x69: {  	v59 =	vld [tilespmem:s23+$0x2B0];
	v29 =	vmul.f32 v53, v42;
	[tilespmem:s23+$0x2A0] =	vst v28  }
0x6a: {  	v58 =	vld [tilespmem:s23+$0x230];
	[tilespmem:s23+$0x300] =	vst v27;
	v27 =	vmul.f32 v45, v39  }
0x6b: {  	v57 =	vld [tilespmem:s23+$0x1B0];
	[tilespmem:s23+$0x320] =	vst v29;
	v17 =	vmul.f32 v17, v22  }
0x6c: {  	v60 =	vld [tilespmem:s23+$0x330];
	[tilespmem:s23+$0x290] =	vst v27;
	v27 =	vmul.f32 v51, v36  }
0x6d: {  	[tilespmem:s23+$0x30] =	vst v17;
	v17 =	vmul.f32 v56, v62  }
0x6e: {  	p0 =	sne.s32 s22, $0x1C0;
	v63 =	vmul.f32 v59, v39;
	[tilespmem:s23+$0x220] =	vst v27  }
.Ltmp0:
0x6f: {  	[tilespmem:s23+$0x130] =	vst v17;
	v17 =	vmul.f32 v58, v36;
	(pc) =	sbr.rel @p0 .LBB2_3-.Ltmp0, $4  }
0x70: {  	[tilespmem:s23+$0x2B0] =	vst v63;
	v62 =	vmul.f32 v57, v33  }
0x71: {  	[tilespmem:s23+$0x230] =	vst v17;
	v17 =	vmul.f32 v60, v42  }
0x72: {  	[tilespmem:s23+$0x1B0] =	vst v62  }
0x73: {  	s22 =	sadd.s32 $0x40, s22;
	[tilespmem:s23+$0x330] =	vst v17;
	s23 =	sadd.s32 $0x800, s23  }
0x74: {  	s21 =	sadd.s32 $0x1, s21  }
0x75: {  	p0 =	sne.s32 s21, $0x50  }
.Ltmp1:
0x76: {  	_ = 	snop;
	(pc) =	sbr.rel @p0 .LBB2_2-.Ltmp1, $4  }
0x77: {  	[spmem:s2] =	stream.indirect.scatter.add.f32 [tilespmem:s19], [sflag:$0x2], $0x80, s16, s18, $0xb8;
	[tilespmem:$0x18180] =	vst v63  }
0x78: {  	_ =	swait.ge [sflag:s14], $0x4000  }
0x79: {  	[sflag:s14] =	ssyncset.done $0x0  }
0x7a: {  	[sflag:s14] =	ssyncadd.s32 $0xFFFFC000  }
0x7b: {  	s3 =	sadd.s32 $0x1, s3  }
0x7c: {  	p0 =	sne.s32 s3, s12  }
.Ltmp2:
0x7d: {  	[bflag:$0x0] =	sbarrier.arrive $0xFFFF;
	(pc) =	sbr.rel @p0 .LBB2_1-.Ltmp2, $4  }
0x7e: {  	[hbm:s11], [sflag:s9] =	dma.local [spmem:s13], $0x2800  }
0x7f: {  	_ =	swait.ge [sflag:s14], $0x2800  }
0x80: {  	[sflag:s14] =	ssyncset.done $0x0  }
0x81: {  	[sflag:s14] =	ssyncadd.s32 $0xFFFFD800  }
0x82: {  	_ =	sfence.sel $0x180000  }
0x83: {  	[bflag:$0x0] =	sbarrier.arrive $0xFFFF  }
0x84: {  	p0 =	sne.s32 s1, $0x0;
	_ =	strace $0x9000004D  }
0x85: {  	s0 =	sadd.s32 @!p0 $0x100000, s0;
	[bflag:$0x2] =	sbarrier.arrive $0xFFFF  }
0x86: {  	[sflag:s0] =	ssyncadd.tile.s32 @!p0 $0x1;
	_ =	shalt  }
.Lfunc_end2:
_tile_overlayer_lowered:
.L_overlay_start_2:
0x87: {  	(tag) =	ssettag $0x2  }
0x88: {  	s0 =	rddreg [dreg:$0x0];
	s2 =	stileid.u32  }
0x89: {  	s1 =	rddreg [dreg:$0x1];
	p0 =	sne.s32 s2, $0x0  }
0x8a: {  	s3 =	rddreg [dreg:$0x2];
	[bflag:$0x3] =	sbarrier.arrive $0xFFFF;
	s2 =	simm.s32 @!p0 $0x1C02  }
0x8b: {  	[timem:s3], [sflag:s2] =	dma.local @!p0 [hbm:s0], s1  }
0x8c: {  	s0 =	simm.s32 @!p0 $0x2  }
0x8d: {  	_ =	swait.ge @!p0 [sflag:s0], s1  }
0x8e: {  	s1 =	ssub.s32 @!p0 $0x0, s1;
	[sflag:s0] =	ssyncset.done @!p0 $0x0  }
0x8f: {  	[sflag:s0] =	ssyncadd.s32 @!p0 s1  }
0x90: {  	[bflag:$0x3] =	sbarrier.arrive $0xFFFF  }
0x91: {  	_ =	shalt  }

// kernel: kernel.8.cloned.1.call-start
scs
__scs_entry_jumppad:
0x0: {  	(pc) =	sbr.rel $0x88, $3  }
0x1: {  	(tag) =	ssettag $0x0;
	lr =	simm.s32 $0x1  }
0x2: {  	[smem:$0x3F98] =	sst lr;
	_ =	strace $0xD0000000  }
0x3: {  	_ = 	snop  }
0x4: {  	_ = 	snop  }
0x5: {  	_ = 	snop  }
0x6: {  	_ = 	snop  }
0x7: {  	_ = 	snop  }
__scs_overlays_trampoline_lowered:
0x8: {  	[smem:$0x3FA7] =	sst s0  }
0x9: {  	[smem:$0x3FA8] =	sst s1  }
0xa: {  	[smem:$0x3FA9] =	sst s2  }
0xb: {  	[smem:$0x3FAA] =	sst s3  }
0xc: {  	[smem:$0x3FAB] =	sst s4  }
0xd: {  	[smem:$0x3FAC] =	sst s5  }
0xe: {  	[smem:$0x3FAD] =	sst s6  }
0xf: {  	[smem:$0x3FAE] =	sst s7  }
0x10: {  	[smem:$0x3FAF] =	sst s8  }
0x11: {  	[smem:$0x3FB0] =	sst s9;
	s0 =	simm.s32 @!p0 $0x0  }
0x12: {  	s1 =	sld [smem:$0x3F96];
	s0 =	simm.s32 @p0 $0x1  }
0x13: {  	[smem:$0x3FB1] =	sst s0;
	s0 =	simm.s32 @!p1 $0x0  }
0x14: {  	s2 =	sld [smem:$0x3F95];
	s0 =	simm.s32 @p1 $0x1  }
0x15: {  	[smem:$0x3FB2] =	sst s0;
	s0 =	simm.s32 @!p2 $0x0  }
0x16: {  	s3 =	sld [smem:$0x3FDB];
	s0 =	simm.s32 @p2 $0x1  }
0x17: {  	s4 =	simm.s32 $0x1BF5;
	[smem:$0x3FB4] =	sst s0  }
0x18: {  	s0 =	sld [smem:$0x3F97];
	_ =	swait.ge [sflag:s4], $0x0  }
0x19: {  	s7 =	sld [smem:$0x3F98]  }
0x1a: {  	s8 =	sadd.s32 $0xFFFFE003, lr  }
0x1b: {  	s9 =	sadd.s32 $0xFFFFFEF7, lr;
	s5 =	simm.s32 $0xFFFFFFFF;
	p2 =	slt.u32 s8, $0xFFFFF086  }
0x1c: {  	p1 =	slt.u32 s9, $0xF7A;
	s5 =	simm.s32 @!p2 $0x0  }
0x1d: {  	s5 =	simm.s32 @p1 $0x1;
	p0 =	seq.s32 s7, s2  }
0x1e: {  	s7 =	smul.u32 @!p0 $0xF7A, s2;
	p2 =	seq.s32 @!p0 s5, $0x0  }
0x1f: {  	s9 =	smul.u32 $0xF7A, s1;
	s8 =	simm.s32 @!p0 $0x1BF5;
	p2 =	por !p2, p0  }
0x20: {  	[sflag:s8] =	ssyncset.s32 @!p0 $0xFFFFF086;
	s6 =	sadd.s32 @!p0 s3, s7;
	s7 =	simm.s32 @!p0 $0x108  }
0x21: {  	s3 =	sadd.s32 s3, s9;
	s6 =	sadd.s32 @!p0 $0x88, s6;
	s7 =	simm.s32 @p2 $0x1082  }
0x22: {  	[simem:s7], [sflag:s8] =	dma.local @!p0 [hbm:s6], $0xF7A  }
0x23: {  	s9 =	sor.u32 $0xD0000000, s2;
	s6 =	simm.s32 $0x108;
	_ =	swait.ge @!p0 [sflag:s8], $0x0  }
0x24: {  	s3 =	sadd.s32 $0x88, s3;
	s6 =	simm.s32 @!p1 $0x1082;
	[sflag:s4] =	ssyncset.s32 $0xFFFFF086  }
0x25: {  	[simem:s6], [sflag:s4] =	dma.local [hbm:s3], $0xF7A  }
0x26: {  	[smem:$0x3F98] =	sst s1;
	(tag) =	ssettag s2;
	_ =	strace s9  }
0x27: {  	s1 =	sld [smem:$0x3FA8]  }
0x28: {  	s2 =	sld [smem:$0x3FA9]  }
0x29: {  	s4 =	sld [smem:$0x3FAB]  }
0x2a: {  	p0 =	seq.s32 s5, $0x0;
	s5 =	sld [smem:$0x3FAC]  }
0x2b: {  	s6 =	sld [smem:$0x3FAD]  }
0x2c: {  	s7 =	sld [smem:$0x3FAE]  }
0x2d: {  	s3 =	simm.s32 $0x108;
	s8 =	sld [smem:$0x3FAF]  }
0x2e: {  	s3 =	simm.s32 @!p0 $0x1082;
	s9 =	sld [smem:$0x3FB0]  }
0x2f: {  	lr =	sadd.s32 s0, s3;
	s0 =	sld [smem:$0x3FA7]  }
0x30: {  	s3 =	sld [smem:$0x3FAA]  }
0x31: {  	[smem:$0x3FB3] =	sst s10  }
0x32: {  	s10 =	sld [smem:$0x3FB1];
	_ =	sdelay $0x3  }
0x33: {  	p0 =	seq.s32 s10, $0x1;
	s10 =	sld [smem:$0x3FB3];
	_ =	sdelay $0x3  }
0x34: {  	[smem:$0x3FB3] =	sst s10  }
0x35: {  	s10 =	sld [smem:$0x3FB2];
	_ =	sdelay $0x3  }
0x36: {  	p1 =	seq.s32 s10, $0x1;
	s10 =	sld [smem:$0x3FB3];
	_ =	sdelay $0x3  }
0x37: {  	[smem:$0x3FB3] =	sst s10  }
0x38: {  	s10 =	sld [smem:$0x3FB4]  }
0x39: {  	_ = 	snop;
	(pc) =	sbr.ind lr, $3  }
0x3a: {  	_ = 	snop  }
0x3b: {  	_ = 	snop  }
0x3c: {  	p2 =	seq.s32 s10, $0x1;
	s10 =	sld [smem:$0x3FB3]  }
0x3d: {  	_ =	shalt  }
0x3e: {  	_ =	shalt  }
0x3f: {  	_ =	shalt  }
0x40: {  	_ =	shalt  }
0x41: {  	_ =	shalt  }
0x42: {  	_ =	shalt  }
0x43: {  	_ =	shalt  }
0x44: {  	_ =	shalt  }
0x45: {  	_ =	shalt  }
0x46: {  	_ =	shalt  }
0x47: {  	_ =	shalt  }
0x48: {  	_ =	shalt  }
0x49: {  	_ =	shalt  }
0x4a: {  	_ =	shalt  }
0x4b: {  	_ =	shalt  }
0x4c: {  	_ =	shalt  }
0x4d: {  	_ =	shalt  }
0x4e: {  	_ =	shalt  }
0x4f: {  	_ =	shalt  }
0x50: {  	_ =	shalt  }
0x51: {  	_ =	shalt  }
0x52: {  	_ =	shalt  }
0x53: {  	_ =	shalt  }
0x54: {  	_ =	shalt  }
0x55: {  	_ =	shalt  }
0x56: {  	_ =	shalt  }
0x57: {  	_ =	shalt  }
0x58: {  	_ =	shalt  }
0x59: {  	_ =	shalt  }
0x5a: {  	_ =	shalt  }
0x5b: {  	_ =	shalt  }
0x5c: {  	_ =	shalt  }
0x5d: {  	_ =	shalt  }
0x5e: {  	_ =	shalt  }
0x5f: {  	_ =	shalt  }
0x60: {  	_ =	shalt  }
0x61: {  	_ =	shalt  }
0x62: {  	_ =	shalt  }
0x63: {  	_ =	shalt  }
0x64: {  	_ =	shalt  }
0x65: {  	_ =	shalt  }
0x66: {  	_ =	shalt  }
0x67: {  	_ =	shalt  }
0x68: {  	_ =	shalt  }
0x69: {  	_ =	shalt  }
0x6a: {  	_ =	shalt  }
0x6b: {  	_ =	shalt  }
0x6c: {  	_ =	shalt  }
0x6d: {  	_ =	shalt  }
0x6e: {  	_ =	shalt  }
0x6f: {  	_ =	shalt  }
0x70: {  	_ =	shalt  }
0x71: {  	_ =	shalt  }
0x72: {  	_ =	shalt  }
0x73: {  	_ =	shalt  }
0x74: {  	_ =	shalt  }
0x75: {  	_ =	shalt  }
0x76: {  	_ =	shalt  }
0x77: {  	_ =	shalt  }
0x78: {  	_ =	shalt  }
0x79: {  	_ =	shalt  }
0x7a: {  	_ =	shalt  }
0x7b: {  	_ =	shalt  }
0x7c: {  	_ =	shalt  }
0x7d: {  	_ =	shalt  }
0x7e: {  	_ =	shalt  }
0x7f: {  	_ =	shalt  }
0x80: {  	_ =	shalt  }
0x81: {  	_ =	shalt  }
0x82: {  	_ =	shalt  }
0x83: {  	_ =	shalt  }
0x84: {  	_ =	shalt  }
0x85: {  	_ =	shalt  }
0x86: {  	_ =	shalt  }
0x87: {  	_ =	shalt  }
.Lfunc_end0:
.L_simem_size_0:
called_computation_lowered:
.L_overlay_start_0:
0x88: {  	s2 =	sld [smem:$0x3FD9]  }
0x89: {  	s3 =	sld [smem:$0x3FFE];
	_ =	sdelay $0x1  }
0x8a: {  	s1 =	srdreg.scid  }
0x8b: {  	s0 =	sand.u32 $0x1, s1  }
0x8c: {  	s16 =	sshll.u32 s0, $0xA;
	s2 =	sadd.s32 s3, s2  }
0x8d: {  	s2 =	sadd.s32 s2, s16  }
0x8e: {  	[smem:$0x3FBF] =	sst s2  }
0x8f: {  	_ = 	snop  }
0x90: {  	(tm) =	ssettm $0x1  }
0x91: {  	s17 =	sld [smem:$0x3FFB];
	_ =	sdelay $0x3  }
0x92: {  	_ =	strace s17  }
0x93: {  	s2 =	sld [smem:$0x3FFC];
	_ =	sdelay $0x3  }
0x94: {  	_ =	strace s2  }
0x95: {  	s2 =	sld [smem:$0x3FFD];
	_ =	sdelay $0x3  }
0x96: {  	_ =	strace s2  }
0x97: {  	_ =	strace $0x8FFFFFFF  }
0x98: {  	s18 =	sld [smem:$0x3FDB];
	_ =	sdelay $0x1  }
0x99: {  	s19 =	simm.s32 $_scs_section_size  }
0x9a: {  	s4 =	simm.s32 $_size__tile_overlayer_lowered;
	s5 =	simm.s32 $_tile_overlayer_lowered  }
0x9b: {  	s22 =	simm.s32 $0x1BFF;
	s21 =	sshll.u32 s5, $0x1;
	s2 =	sadd.s32 s19, s18  }
0x9c: {  	s6 =	simm.s32 $0x0;
	s20 =	sshll.u32 s4, $0x1;
	s4 =	sadd.s32 s21, s2  }
0x9d: {  	[timem:s6], [sflag:s22] =	dma.local [hbm:s4], s20  }
0x9e: {  	_ =	swait.ge [sflag:s22], s20  }
0x9f: {  	s3 =	ssub.s32 $0x0, s20;
	[sflag:s22] =	ssyncset.done $0x0  }
0xa0: {  	[sflag:s22] =	ssyncadd.s32 s3;
	_ =	sdelay $0x1  }
0xa1: {  	s23 =	simm.s32 $0x1B8B  }
0xa2: {  	_ =	swait.ge [sflag:s23], $0x1  }
0xa3: {  	[sflag:s23] =	ssyncset.done $0x0  }
0xa4: {  	s25 =	simm.s32 $0x1B8E;
	s24 =	sld [smem:$0x3FFE];
	[sflag:s23] =	ssyncadd.s32 $0xFFFFFFFF  }
0xa5: {  	s26 =	simm.s32 $execute0_lowered;
	[smem:$0x3FD2] =	sst s25  }
0xa6: {  	s4 =	sshll.u32 s26, $0x1;
	_ =	strace $0x80000046;
	[dreg:$0x1] =	wrdreg $0xFFFFFFFF  }
0xa7: {  	s28 =	simm.s32 $_size_execute0_lowered;
	s2 =	sadd.s32 s2, s4;
	[dreg:$0x0] =	wrdreg $0x0  }
0xa8: {  	s4 =	sshll.u32 s28, $0x1;
	[dreg:$0x2] =	wrdreg s2  }
0xa9: {  	[dreg:$0x3] =	wrdreg s4  }
0xaa: {  	[dreg:$0x4] =	wrdreg $0xC0  }
0xab: {  	_ =	task [dreg:s6], $0x5FFFF  }
0xac: {  	[dreg:$0x1] =	wrdreg $0xFFFFFFFF  }
0xad: {  	[dreg:$0x0] =	wrdreg $0x60  }
0xae: {  	[dreg:$0x2] =	wrdreg s24  }
0xaf: {  	[dreg:$0x3] =	wrdreg $0x0  }
0xb0: {  	[dreg:$0x4] =	wrdreg $0x9  }
0xb1: {  	_ =	task.clear_ibuf [dreg:s6], $0x5FFFF;
	_ =	strace $0x90000046  }
0xb2: {  	s29 =	simm.s32 $0x9;
	_ =	strace $0x80000048  }
0xb3: {  	_ =	swait.ge [sflag:s29], $0x1  }
0xb4: {  	[sflag:s29] =	ssyncadd.s32 $0xFFFFFFFF  }
0xb5: {  	_ =	strace $0x90000048  }
0xb6: {  	_ =	sfence  }
0xb7: {  	s30 =	sld [smem:$0x0];
	_ =	sdelay $0x2  }
0xb8: {  	s31 =	sshll.u32 s1, $0xD;
	s1 =	sshrl.u32 s1, $0x2  }
0xb9: {  	s3 =	sand.u32 $0x4000, s31;
	s1 =	sadd.s32 s1, s30  }
0xba: {  	s0 =	sor.u32 s3, s0;
	s1 =	sshll.u32 s1, $0x11  }
0xbb: {  	s0 =	sor.u32 s1, s0  }
0xbc: {  	s0 =	sadd.s32 $0x8F2B, s0  }
0xbd: {  	[sflag:s0] =	ssyncadd.remote.s32 $0x1  }
0xbe: {  	_ =	sfence.sel $0xFFFF  }
0xbf: {  	[dreg:$0x0] =	wrdreg $0xFFFFFFFF;
	(pc) =	sbr.abs _section_cstart, $3  }
0xc0: {  	[dreg:$0x1] =	wrdreg $0xFFFFFFFF  }
0xc1: {  	_ =	task.clear_ibuf [dreg:s6], $0x2FFFF;
	_ =	strace $0x9FFFFFFF  }
0xc2: {  	(tm) =	ssettm $0x7FFFFFFF  }
0xc3: {  	_ =	shalt  }
tec
execute0_lowered:
.L_overlay_start_1:
0x0: {  	(tag) =	ssettag $0x1  }
0x1: {  	s4 =	rddreg [dreg:$0x0]  }
0x2: {  	s2 =	rddreg [dreg:$0x1];
	s3 =	srdreg.scid  }
0x3: {  	s0 =	rddreg [dreg:$0x2];
	s1 =	stileid.u32;
	s10 =	simm.s32 $0x1  }
0x4: {  	s11 =	simm.s32 $0x2A80;
	s12 =	simm.s32 $0x5280;
	s13 =	simm.s32 $0x80  }
0x5: {  	s16 =	simm.s32 $0x20;
	s17 =	simm.s32 $0x10;
	s18 =	simm.s32 $0x0  }
0x6: {  	s5 =	sand.u32 $0x1, s3;
	s3 =	simm.s32 $0x0;
	s7 =	smul.u32 $0x500, s1  }
0x7: {  	s30 =	smul.u32 $0xA00, s1;
	s14 =	sshll.u32 s1, $0x6;
	s6 =	sshll.u32 s5, $0x4  }
0x8: {  	[smem:$0x7FF] =	sst s3;
	s8 =	sshll.u32 s5, $0x7;
	s5 =	ssub.s32 $0x2, s5  }
0x9: {  	s14 =	sor.u32 $0x1C01, s14;
	s6 =	sor.u32 s1, s6;
	s7 =	sor.u32 s8, s7  }
0xa: {  	_ =	strace $0x80000047;
	s6 =	smul.u32 $0x500, s6;
	s7 =	sshrl.u32 s7, $0x3  }
0xb: {  	s31 =	sshrl.u32 s5, $0x1;
	s8 =	sshrl.u32 s30, $0x2;
	s7 =	sadd.s32 s7, s4  }
0xc: {  	s9 =	ssub.s32 s5, s31;
	s6 =	sadd.s32 s6, s4;
	s7 =	sadd.s32 $0x18200, s7  }
0xd: {  	s4 =	sadd.s32 $0x4200, s6;
	s5 =	sadd.s32 $0xE200, s6;
	s6 =	sadd.s32 s8, s2  }
0xe: {  	v0 =	vimm.f32 $0.0e+00;
	s8 =	smax.u32 s9, $0x1;
	s9 =	simm.s32 $0x280;
	s15 =	sshrl.u32 s6, $0x3  }
.LBB2_1:
0xf: {  	[tilespmem:$0x5280] =	vst v0  }
0x10: {  	[tilespmem:$0x5290] =	vst v0  }
0x11: {  	[tilespmem:$0x52A0] =	vst v0  }
0x12: {  	[tilespmem:$0x52B0] =	vst v0  }
0x13: {  	[tilespmem:$0x52C0] =	vst v0  }
0x14: {  	[tilespmem:$0x52D0] =	vst v0  }
0x15: {  	[tilespmem:$0x52E0] =	vst v0  }
0x16: {  	[tilespmem:$0x52F0] =	vst v0  }
0x17: {  	[tilespmem:$0x5300] =	vst v0  }
0x18: {  	[tilespmem:$0x5310] =	vst v0  }
0x19: {  	[tilespmem:$0x5320] =	vst v0  }
0x1a: {  	[tilespmem:$0x5330] =	vst v0  }
0x1b: {  	[tilespmem:$0x5340] =	vst v0  }
0x1c: {  	[tilespmem:$0x5350] =	vst v0  }
0x1d: {  	[tilespmem:$0x5360] =	vst v0  }
0x1e: {  	[tilespmem:$0x5370] =	vst v0  }
0x1f: {  	[tilespmem:$0x5380] =	vst v0  }
0x20: {  	[tilespmem:$0x5390] =	vst v0  }
0x21: {  	[tilespmem:$0x53A0] =	vst v0  }
0x22: {  	[tilespmem:$0x53B0] =	vst v0  }
0x23: {  	[tilespmem:$0x53C0] =	vst v0  }
0x24: {  	[tilespmem:$0x53D0] =	vst v0  }
0x25: {  	[tilespmem:$0x53E0] =	vst v0  }
0x26: {  	[tilespmem:$0x53F0] =	vst v0  }
0x27: {  	[tilespmem:$0x5400] =	vst v0  }
0x28: {  	[tilespmem:$0x5410] =	vst v0  }
0x29: {  	[tilespmem:$0x5420] =	vst v0  }
0x2a: {  	[tilespmem:$0x5430] =	vst v0  }
0x2b: {  	[tilespmem:$0x5440] =	vst v0  }
0x2c: {  	[tilespmem:$0x5450] =	vst v0  }
0x2d: {  	[tilespmem:$0x5460] =	vst v0  }
0x2e: {  	[tilespmem:$0x5470] =	vst v0  }
0x2f: {  	[tilespmem:$0x5480] =	vst v0  }
0x30: {  	[tilespmem:$0x5490] =	vst v0  }
0x31: {  	[tilespmem:$0x54A0] =	vst v0  }
0x32: {  	[tilespmem:$0x54B0] =	vst v0  }
0x33: {  	[tilespmem:$0x54C0] =	vst v0  }
0x34: {  	[tilespmem:$0x54D0] =	vst v0  }
0x35: {  	[tilespmem:$0x54E0] =	vst v0  }
0x36: {  	[tilespmem:$0x54F0] =	vst v0  }
0x37: {  	[tilespmem:s9], [sflag:$0x1] =	stream.linear.gather [hbm4b:s4+s3], $0x2800, $0x38;
	[tilespmem:$0x5500] =	vst v63  }
0x38: {  	_ =	swait.ge [sflag:s10], $0x2800  }
0x39: {  	[sflag:s10] =	ssyncset.done $0x0  }
0x3a: {  	[sflag:s10] =	ssyncadd.s32 $0xFFFFD800  }
0x3b: {  	[tilespmem:s11], [sflag:$0x1] =	stream.linear.gather [hbm4b:s5+s3], $0x2800, $0x38;
	[tilespmem:$0x5500] =	vst v63  }
0x3c: {  	_ =	swait.ge [sflag:s10], $0x2800  }
0x3d: {  	[sflag:s10] =	ssyncset.done $0x0  }
0x3e: {  	[sflag:s10] =	ssyncadd.s32 $0xFFFFD800  }
0x3f: {  	[spmem:s6] =	stream.linear.scatter [tilespmem:s12], [sflag:$0x1], $0x280, $0x38;
	[tilespmem:$0x5500] =	vst v63  }
0x40: {  	_ =	swait.ge [sflag:s10], $0x280  }
0x41: {  	[sflag:s10] =	ssyncset.done $0x0  }
0x42: {  	[sflag:s10] =	ssyncadd.s32 $0xFFFFFD80  }
0x43: {  	s19 =	simm.s32 $0x2A80;
	s20 =	simm.s32 $0x280;
	[bflag:$0x0] =	sbarrier.arrive $0xFFFF  }
0x44: {  	[spmem:s2] =	stream.indirect.scatter.add.f32 [tilespmem:s19], [sflag:$0x1], $0x1, s20, s13, $0xb8;
	[tilespmem:$0x5500] =	vst v63  }
0x45: {  	s19 =	simm.s32 $0x200;
	_ =	swait.ge [sflag:s10], $0x80  }
.LBB2_2:
0x46: {  	s20 =	sshra.s32 s19, $0x2  }
0x47: {  	[sflag:s10] =	ssyncset.done $0x0;
	p0 =	sne.s32 s19, $0x9E00;
	s21 =	sadd.s32 $0x2A80, s20  }
.Ltmp0:
0x48: {  	s20 =	sadd.s32 $0x280, s20;
	[sflag:s10] =	ssyncadd.s32 $0xFFFFFF80;
	(pc) =	sbr.rel @p0 .LBB2_2-.Ltmp0, $3  }
0x49: {  	[spmem:s2] =	stream.indirect.scatter.add.f32 [tilespmem:s21], [sflag:$0x1], $0x1, s20, s13, $0xb8;
	[tilespmem:$0x5500] =	vst v63  }
0x4a: {  	s19 =	sadd.s32 $0x200, s19;
	_ =	sdelay $0x1  }
0x4b: {  	_ =	swait.ge [sflag:s10], $0x80  }
0x4c: {  	[sflag:s10] =	ssyncset.done $0x0;
	s18 =	sadd.s32 $0x1, s18  }
0x4d: {  	[sflag:s10] =	ssyncadd.s32 $0xFFFFFF80;
	p0 =	sne.s32 s18, s8  }
.Ltmp1:
0x4e: {  	[bflag:$0x0] =	sbarrier.arrive $0xFFFF;
	(pc) =	sbr.rel @p0 .LBB2_1-.Ltmp1, $4  }
0x4f: {  	[hbm:s7@s16], [sflag:s14] =	dma.strided [spmem:s15@s17], $0x50, s10, $0x10   }
0x50: {  	_ =	swait.ge [sflag:s10], $0x50  }
0x51: {  	[sflag:s10] =	ssyncset.done $0x0  }
0x52: {  	[sflag:s10] =	ssyncadd.s32 $0xFFFFFFB0  }
0x53: {  	_ =	sfence.sel $0x180000  }
0x54: {  	[bflag:$0x0] =	sbarrier.arrive $0xFFFF  }
0x55: {  	p0 =	sne.s32 s1, $0x0;
	_ =	strace $0x90000047  }
0x56: {  	s0 =	sadd.s32 @!p0 $0x100000, s0;
	[bflag:$0x2] =	sbarrier.arrive $0xFFFF  }
0x57: {  	[sflag:s0] =	ssyncadd.tile.s32 @!p0 $0x1;
	_ =	shalt  }
.Lfunc_end2:
_tile_overlayer_lowered:
.L_overlay_start_2:
0x58: {  	(tag) =	ssettag $0x2  }
0x59: {  	s0 =	rddreg [dreg:$0x0];
	s2 =	stileid.u32  }
0x5a: {  	s1 =	rddreg [dreg:$0x1];
	p0 =	sne.s32 s2, $0x0  }
0x5b: {  	s3 =	rddreg [dreg:$0x2];
	[bflag:$0x3] =	sbarrier.arrive $0xFFFF;
	s2 =	simm.s32 @!p0 $0x1C01  }
0x5c: {  	[timem:s3], [sflag:s2] =	dma.local @!p0 [hbm:s0], s1  }
0x5d: {  	s0 =	simm.s32 @!p0 $0x1  }
0x5e: {  	_ =	swait.ge @!p0 [sflag:s0], s1  }
0x5f: {  	s1 =	ssub.s32 @!p0 $0x0, s1;
	[sflag:s0] =	ssyncset.done @!p0 $0x0  }
0x60: {  	[sflag:s0] =	ssyncadd.s32 @!p0 s1  }
0x61: {  	[bflag:$0x3] =	sbarrier.arrive $0xFFFF  }
0x62: {  	_ =	shalt  }

</sc_bundles>
